<compile_context>
chip_gen: v7x
topology: tpu7x:2x2x1
jax: 0.10.2.dev20260603
libtpu: 0.0.44.dev20260713+nightly
codegen_flags: <defaults>
</compile_context>

<pallas_src>
import jax
import jax.numpy as jnp
import numpy as np
from jax import lax
from jax.experimental import pallas as pl
from jax.experimental.pallas import tpu as pltpu
from jax.experimental.pallas import tpu_sc as plsc

H, W = 512, 512
N_JUNC = 300
NUM_SAMPLES = 64
N_PAIRS = N_JUNC * (N_JUNC - 1) // 2
N_TILES = 32
PAIRS_PER_TILE = 1408
N_GROUPS = PAIRS_PER_TILE // 16
CHUNK_LO = (0, 171, 342)
CHUNK_HI = (171, 342, 512)
CHUNK_ROWS = 176
CHUNK_COLS = W + 4
TABLE_WORDS = CHUNK_ROWS * CHUNK_COLS
OUT_FLAT = 90304
DUMP_CELL = 90000

_PATCH_OFFS = tuple(
    (oh, ow)
    for oh in (-2, -1, 0, 1, 2)
    for ow in (-2, -1, 0, 1, 2)
    if oh * oh + ow * ow <= 4
)


_I0, _I1 = np.triu_indices(N_JUNC, k=1)
_PAD_CELLS = (np.arange(N_TILES * PAIRS_PER_TILE - N_PAIRS, dtype=np.int32)
              % 304 + DUMP_CELL)


def _sc_body(chunks_hbm, fields_hbm, tu_hbm, lohi_hbm, oidx_hbm, out_hbm,
             table_v, fields_v, acc_v, tu_v, lohi_v, oidx_v):
    cid = lax.axis_index("c")
    sid = lax.axis_index("s")
    wid = sid * 2 + cid

    pltpu.sync_copy(fields_hbm.at[wid], fields_v)
    pltpu.sync_copy(tu_hbm, tu_v)
    pltpu.sync_copy(lohi_hbm, lohi_v)
    pltpu.sync_copy(oidx_hbm.at[wid], oidx_v)

    zeros16 = jnp.zeros((16,), jnp.float32)

    def zero_body(g, carry):
        acc_v[g, :] = zeros16
        return carry

    lax.fori_loop(0, N_GROUPS, zero_body, 0)

    def pass_body(c, carry):
        pltpu.sync_copy(chunks_hbm.at[c], table_v)
        lovec = lohi_v[c, :]
        hivec = lohi_v[c + 3, :]

        lof = tu_v[2 * NUM_SAMPLES + c, :]
        hif = tu_v[2 * NUM_SAMPLES + 3 + c, :]

        @plsc.parallel_loop(0, N_GROUPS)
        def group_body(g):
            sh = fields_v[g, 0, :]
            sw = fields_v[g, 1, :]
            eh = fields_v[g, 2, :]
            ew = fields_v[g, 3, :]
            th2 = fields_v[g, 4, :]
            acc0 = acc_v[g, :]

            denom = sh - eh
            inv = 1.0 / denom
            ta = (lof - eh) * inv
            tb = (hif - eh) * inv
            degen = denom == 0.0
            tlo = jnp.where(degen, 0.0, jnp.minimum(ta, tb))
            thi = jnp.where(degen, 1.0, jnp.maximum(ta, tb))
            empty = (thi < 0.0) | (tlo > 1.0)
            tlo_c = jnp.clip(tlo, 0.0, 1.0)
            thi_c = jnp.clip(thi, 0.0, 1.0)
            slo_l = jnp.clip((tlo_c * 63.0).astype(jnp.int32) - 1, 0, NUM_SAMPLES)
            shi_l = jnp.clip((thi_c * 63.0).astype(jnp.int32) + 2, 0, NUM_SAMPLES)
            slo_l = jnp.where(empty, NUM_SAMPLES, slo_l)
            shi_l = jnp.where(empty, 0, shi_l)
            slo_g = jnp.min(slo_l, axis=0)
            shi_g = jnp.max(shi_l, axis=0)

            def sbody(s, acc):
                if True:
                    t = tu_v[s, :]
                    u = tu_v[s + NUM_SAMPLES, :]
                    h = jnp.clip(sh * t + eh * u, 0.0, float(H - 1))
                    w = jnp.clip(sw * t + ew * u, 0.0, float(W - 1))
                    rh = (h + 0.5).astype(jnp.int32)
                    rhf = rh.astype(jnp.float32)
                    fix_h = ((rhf - h) == 0.5) & ((rh & 1) == 1)
                    rh = rh - jnp.where(fix_h, 1, 0)
                    rhf = rh.astype(jnp.float32)
                    rw = (w + 0.5).astype(jnp.int32)
                    rwf = rw.astype(jnp.float32)
                    fix_w = ((rwf - w) == 0.5) & ((rw & 1) == 1)
                    rw = rw - jnp.where(fix_w, 1, 0)
                    rwf = rw.astype(jnp.float32)
                    fh = h - rhf
                    fw = w - rwf
                    owner = (rh >= lovec) & (rh < hivec)
                    th2e = jnp.where(owner, th2, -1.0)
                    rbase = rh + 2 - lovec
                    rterm = {}
                    cloc = {}
                    dh2 = {}
                    dw2 = {}
                    for k in (-2, -1, 0, 1, 2):
                        rterm[k] = jnp.clip(rbase + k, 0, CHUNK_ROWS - 1) * CHUNK_COLS
                        cloc[k] = rw + (k + 2)
                        dh = fh - float(k)
                        dw = fw - float(k)
                        dh2[k] = dh * dh
                        dw2[k] = dw * dw
                    vs = []
                    for (oh, ow) in _PATCH_OFFS:
                        v = plsc.load_gather(table_v, [rterm[oh] + cloc[ow]])
                        vf = plsc.bitcast(v, jnp.float32)
                        d2 = dh2[oh] + dw2[ow]
                        vs.append(jnp.where(d2 < th2e, vf, 0.0))
                    while len(vs) > 1:
                        vs = [jnp.maximum(a, b) for a, b in zip(vs[::2], vs[1::2])] + (
                            [vs[-1]] if len(vs) % 2 else [])
                    acc = acc + vs[0]
                return acc

            acc = lax.fori_loop(slo_g, shi_g, sbody, acc0)
            acc_v[g, :] = acc

        return carry

    lax.fori_loop(0, 3, pass_body, 0)

    zi16 = jnp.zeros((16,), jnp.int32)

    def zmap_body(g, carry):
        table_v[pl.ds(g * 16, 16)] = zi16
        return carry

    lax.fori_loop(0, OUT_FLAT // 16, zmap_body, 0)

    for g in range(N_GROUPS):
        det = jnp.where(acc_v[g, :] > 32.0, 1, 0).astype(jnp.int32)
        idx_a = oidx_v[pl.ds(g * 16, 16)]
        idx_b = oidx_v[pl.ds(PAIRS_PER_TILE + g * 16, 16)]
        plsc.store_scatter(table_v, [idx_a], det)
        plsc.store_scatter(table_v, [idx_b], det)

    pltpu.sync_copy(table_v.at[pl.ds(0, OUT_FLAT)], out_hbm.at[wid])


@jax.jit
def kernel(junctions, heatmap):
    junctions = junctions.astype(jnp.float32)
    heatmap = heatmap.astype(jnp.float32)

    o0 = jnp.asarray(_I0.astype(np.int32))
    o1 = jnp.asarray(_I1.astype(np.int32))
    cand_start = junctions[o0]
    cand_end = junctions[o1]
    seg_len = jnp.sqrt(jnp.sum((cand_start - cand_end) ** 2, axis=-1))
    norm_len = seg_len / (H ** 2 + W ** 2) ** 0.5
    dist_thresh = 0.5 * (2.0 ** 0.5) + 2.0 * norm_len
    th2 = dist_thresh * dist_thresh

    cells_a = jnp.concatenate([o0 * N_JUNC + o1, jnp.asarray(_PAD_CELLS)])
    cells_b = jnp.concatenate([o1 * N_JUNC + o0, jnp.asarray(_PAD_CELLS)])
    oidx = jnp.concatenate(
        [cells_a.reshape(N_TILES, PAIRS_PER_TILE),
         cells_b.reshape(N_TILES, PAIRS_PER_TILE)], axis=1)

    fields = jnp.stack(
        [cand_start[:, 0], cand_start[:, 1], cand_end[:, 0], cand_end[:, 1],
         th2, jnp.zeros_like(th2)], axis=1)
    fields = jnp.pad(fields, ((0, N_TILES * PAIRS_PER_TILE - N_PAIRS), (0, 0)))
    fields_hbm = fields.reshape(N_TILES, N_GROUPS, 16, 6).transpose(0, 1, 3, 2)

    t = jnp.linspace(0.0, 1.0, NUM_SAMPLES).astype(jnp.float32)
    u = (1.0 - t).astype(jnp.float32)
    lohif = np.zeros((6,), np.float32)
    for c in range(3):
        lohif[c] = -1e9 if CHUNK_LO[c] == 0 else CHUNK_LO[c] - 0.6
        lohif[c + 3] = 1e9 if CHUNK_HI[c] == H else CHUNK_HI[c] - 0.4
    tu = (jnp.concatenate([t, u, jnp.asarray(lohif)])[:, None]
          * jnp.ones((1, 16), jnp.float32))

    lohi = np.zeros((6, 16), np.int32)
    for c in range(3):
        lohi[c, :] = CHUNK_LO[c]
        lohi[c + 3, :] = CHUNK_HI[c]
    lohi = jnp.asarray(lohi)

    ridx = np.clip(np.asarray(CHUNK_LO)[:, None] - 2 + np.arange(CHUNK_ROWS)[None, :],
                   0, H - 1)
    rows = heatmap[ridx]
    chunks = jnp.concatenate(
        [rows[:, :, :1], rows[:, :, :1], rows, rows[:, :, -1:], rows[:, :, -1:]],
        axis=2).reshape(3, TABLE_WORDS)
    chunks = lax.bitcast_convert_type(chunks, jnp.int32)

    out_parts = pl.kernel(
        _sc_body,
        out_type=jax.ShapeDtypeStruct((N_TILES, OUT_FLAT), jnp.int32),
        mesh=plsc.VectorSubcoreMesh(core_axis_name="c", subcore_axis_name="s"),
        compiler_params=pltpu.CompilerParams(
            needs_layout_passes=False, use_tc_tiling_on_sc=False),
        scratch_types=[
            pltpu.VMEM((TABLE_WORDS,), jnp.int32),
            pltpu.VMEM((N_GROUPS, 6, 16), jnp.float32),
            pltpu.VMEM((N_GROUPS, 16), jnp.float32),
            pltpu.VMEM((2 * NUM_SAMPLES + 6, 16), jnp.float32),
            pltpu.VMEM((6, 16), jnp.int32),
            pltpu.VMEM((2 * PAIRS_PER_TILE,), jnp.int32),
        ],
    )(chunks, fields_hbm, tu, lohi, oidx)

    line_map = jnp.sum(out_parts, axis=0)[:N_JUNC * N_JUNC].reshape(N_JUNC, N_JUNC)
    return line_map, junctions, heatmap

# --- scband reference (transcript-rebuilt; emitter-appended) ---
"""Pipeline reference for scband-sold2-detector-69466801045725 (READ-ONLY COPY).

The authoritative reference and input builder live on the scoring server;
editing this copy changes nothing except your own understanding.
"""

import jax, jax.numpy as jnp
import numpy as np

H, W = 512, 512
N_JUNC = 300
NUM_SAMPLES = 64
DETECT_THRESH = 0.5
INLIER_THRESH = 0.0
LOCAL_PATCH_RADIUS = 2.0
LAMBDA_RADIUS = 2.0
GROUP_SIZE = 10000


def setup_inputs(seed: int = 0) -> dict:
    key = jax.random.key(seed)
    k1, k2 = jax.random.split(key)
    # junction coordinates spread over the image plane (row, col) in pixel units
    junctions = jax.random.uniform(k1, (N_JUNC, 2), dtype=jnp.float32) * jnp.array([H - 1, W - 1], dtype=jnp.float32)
    heatmap = jax.random.uniform(k2, (H, W), dtype=jnp.float32)
    return {"junctions": junctions, "heatmap": heatmap}


def _patch_offsets():
    # circular patch of integer offsets with radius LOCAL_PATCH_RADIUS
    r = int(LOCAL_PATCH_RADIUS)
    hh, ww = np.where(np.zeros((2 * r + 1, 2 * r + 1)) >= 0)
    pts = np.stack([hh, ww], -1).astype(np.float32)
    center = np.array([[r, r]], dtype=np.float32)
    d = np.sqrt(((pts - center) ** 2).sum(-1))
    pts = pts[d <= LOCAL_PATCH_RADIUS] - r
    return jnp.asarray(pts, dtype=jnp.float32)


def _detect_local_max(heatmap, cand_h, cand_w, normalized_seg_length):
    # linear local-maximum search radius per candidate segment
    dist_thresh = 0.5 * (2.0 ** 0.5) + LAMBDA_RADIUS * normalized_seg_length
    dist_thresh = jnp.broadcast_to(dist_thresh[..., None], cand_h.shape)
    cand_points = jnp.stack([cand_h, cand_w], -1)                 # Nc x S x 2
    cand_points_round = jnp.round(cand_points)
    patch_points = _patch_offsets()                               # P x 2
    patch_points_shifted = cand_points_round[:, :, None, :] + patch_points[None, None]  # Nc x S x P x 2
    patch_dist = jnp.sqrt(jnp.sum((cand_points[:, :, None, :] - patch_points_shifted) ** 2, -1))
    patch_dist_mask = patch_dist < dist_thresh[..., None]
    points_H = jnp.clip(patch_points_shifted[..., 0], 0, H - 1).astype(jnp.int32)
    points_W = jnp.clip(patch_points_shifted[..., 1], 0, W - 1).astype(jnp.int32)
    sampled_feat = heatmap[points_H, points_W]                    # gather Nc x S x P
    sampled_feat = sampled_feat * patch_dist_mask.astype(heatmap.dtype)
    return jnp.max(sampled_feat, axis=-1)                        # Nc x S


def reference(junctions, heatmap):
    num_junctions = junctions.shape[0]
    # candidate map = strict upper triangular (no candidate suppression)
    idx0, idx1 = np.triu_indices(num_junctions, k=1)
    idx0 = jnp.asarray(idx0)
    idx1 = jnp.asarray(idx1)
    cand_start = junctions[idx0]
    cand_end = junctions[idx1]
    sampler = jnp.linspace(0.0, 1.0, NUM_SAMPLES)[None]
    cand_samples_h = cand_start[:, 0:1] * sampler + cand_end[:, 0:1] * (1.0 - sampler)
    cand_samples_w = cand_start[:, 1:2] * sampler + cand_end[:, 1:2] * (1.0 - sampler)
    cand_h = jnp.clip(cand_samples_h, 0.0, H - 1)
    cand_w = jnp.clip(cand_samples_w, 0.0, W - 1)
    seg_len = jnp.sqrt(jnp.sum((cand_start - cand_end) ** 2, axis=-1))
    norm_len = seg_len / (H ** 2 + W ** 2) ** 0.5
    num_cand = cand_h.shape[0]
    feats = []
    for s in range(0, num_cand, GROUP_SIZE):
        e = min(s + GROUP_SIZE, num_cand)
        feats.append(_detect_local_max(heatmap, cand_h[s:e], cand_w[s:e], norm_len[s:e]))
    sampled_feat = jnp.concatenate(feats, 0)
    mean_scores = jnp.mean(sampled_feat, axis=-1)
    detection_results = mean_scores > DETECT_THRESH
    det = detection_results.astype(jnp.int32)
    line_map = jnp.zeros((num_junctions, num_junctions), dtype=jnp.int32)
    line_map = line_map.at[idx0, idx1].set(det)
    line_map = line_map.at[idx1, idx0].set(det)
    return line_map, junctions, heatmap

if __name__ == "__main__":
    import jax
    _d = setup_inputs()
    print(jax.jit(kernel)(*tuple(_d.values())))

</pallas_src>

<mosaic_0001>
#map = affine_map<(d0, d1) -> (0, 0)>
#map1 = affine_map<(d0, d1) -> (0, 0, 0, 0)>
module attributes {stable_mosaic.version = 14 : i64} {
  func.func @_sc_body(%arg0: i32, %arg1: i32, %arg2: memref<3x90816xi32, #tpu.memory_space<hbm>>, %arg3: memref<32x88x6x16xf32, #tpu.memory_space<hbm>>, %arg4: memref<134x16xf32, #tpu.memory_space<hbm>>, %arg5: memref<6x16xi32, #tpu.memory_space<hbm>>, %arg6: memref<32x2816xi32, #tpu.memory_space<hbm>>, %arg7: memref<32x90304xi32, #tpu.memory_space<hbm>>, %arg8: memref<90816xi32, #tpu.memory_space<vmem>>, %arg9: memref<88x6x16xf32, #tpu.memory_space<vmem>>, %arg10: memref<88x16xf32, #tpu.memory_space<vmem>>, %arg11: memref<134x16xf32, #tpu.memory_space<vmem>>, %arg12: memref<6x16xi32, #tpu.memory_space<vmem>>, %arg13: memref<2816xi32, #tpu.memory_space<vmem>>) attributes {dimension_semantics = [#tpu.dimension_semantics<core_parallel>, #tpu.dimension_semantics<subcore_parallel>], iteration_bounds = array<i64: 2, 16>, scalar_prefetch = 0 : i64, scratch_operands = 6 : i64, tpu.core_type = #tpu.core_type<sc_vector_subcore>, window_params = [{transform_indices = #map}, {transform_indices = #map1}, {transform_indices = #map}, {transform_indices = #map}, {transform_indices = #map}, {transform_indices = #map}]} {
    %mul3A = arith.constant 2 : i32
    %mul3A_0 = arith.muli %arg1, %mul3A : i32
    %add3A = arith.addi %mul3A_0, %arg0 : i32
    "tpu.region"() ({
      %run_scoped3A = tpu.sem_alloc : memref<!tpu.dma_semaphore, #tpu.memory_space<semaphore_mem>>
      %dma_start3A = arith.constant 0 : i32
      %dma_start3A_1425 = arith.constant 0 : i32
      %dma_start3A_1426 = arith.constant 0 : i32
      %dma_start3A_1427 = tpu.memref_slice %arg3[%add3A, %dma_start3A, %dma_start3A_1425, %dma_start3A_1426] : memref<32x88x6x16xf32, #tpu.memory_space<hbm>> -> memref<1x88x6x16xf32, #tpu.memory_space<hbm>>
      %dma_start3A_1428 = tpu.memref_squeeze %dma_start3A_1427 : memref<1x88x6x16xf32, #tpu.memory_space<hbm>> -> memref<88x6x16xf32, #tpu.memory_space<hbm>>
      %dma_start3A_1429 = arith.constant 0 : i32
      %dma_start3A_1430 = arith.constant 0 : i32
      %dma_start3A_1431 = arith.constant 0 : i32
      %dma_start3A_1432 = tpu.memref_slice %arg3[%add3A, %dma_start3A_1429, %dma_start3A_1430, %dma_start3A_1431] : memref<32x88x6x16xf32, #tpu.memory_space<hbm>> -> memref<1x88x6x16xf32, #tpu.memory_space<hbm>>
      %dma_start3A_1433 = tpu.memref_squeeze %dma_start3A_1432 : memref<1x88x6x16xf32, #tpu.memory_space<hbm>> -> memref<88x6x16xf32, #tpu.memory_space<hbm>>
      tpu.enqueue_dma source(%dma_start3A_1433 : memref<88x6x16xf32, #tpu.memory_space<hbm>>) target(%arg9 : memref<88x6x16xf32, #tpu.memory_space<vmem>>) target_semaphore(%run_scoped3A : memref<!tpu.dma_semaphore, #tpu.memory_space<semaphore_mem>>)
      %dma_wait3A = arith.constant 0 : i32
      %dma_wait3A_1434 = arith.constant 0 : i32
      %dma_wait3A_1435 = arith.constant 0 : i32
      %dma_wait3A_1436 = tpu.memref_slice %arg3[%add3A, %dma_wait3A, %dma_wait3A_1434, %dma_wait3A_1435] : memref<32x88x6x16xf32, #tpu.memory_space<hbm>> -> memref<1x88x6x16xf32, #tpu.memory_space<hbm>>
      %dma_wait3A_1437 = tpu.memref_squeeze %dma_wait3A_1436 : memref<1x88x6x16xf32, #tpu.memory_space<hbm>> -> memref<88x6x16xf32, #tpu.memory_space<hbm>>
      %dma_wait3A_1438 = arith.constant 0 : i32
      %dma_wait3A_1439 = arith.constant 0 : i32
      %dma_wait3A_1440 = arith.constant 0 : i32
      %dma_wait3A_1441 = tpu.memref_slice %arg3[%add3A, %dma_wait3A_1438, %dma_wait3A_1439, %dma_wait3A_1440] : memref<32x88x6x16xf32, #tpu.memory_space<hbm>> -> memref<1x88x6x16xf32, #tpu.memory_space<hbm>>
      %dma_wait3A_1442 = tpu.memref_squeeze %dma_wait3A_1441 : memref<1x88x6x16xf32, #tpu.memory_space<hbm>> -> memref<88x6x16xf32, #tpu.memory_space<hbm>>
      tpu.wait_dma2 semaphore(%run_scoped3A : memref<!tpu.dma_semaphore, #tpu.memory_space<semaphore_mem>>) src(%dma_wait3A_1442 : memref<88x6x16xf32, #tpu.memory_space<hbm>>) dst(%arg9 : memref<88x6x16xf32, #tpu.memory_space<vmem>>)
      tpu.yield
    }) : () -> ()
    "tpu.region"() ({
      %run_scoped3A = tpu.sem_alloc : memref<!tpu.dma_semaphore, #tpu.memory_space<semaphore_mem>>
      tpu.enqueue_dma source(%arg4 : memref<134x16xf32, #tpu.memory_space<hbm>>) target(%arg11 : memref<134x16xf32, #tpu.memory_space<vmem>>) target_semaphore(%run_scoped3A : memref<!tpu.dma_semaphore, #tpu.memory_space<semaphore_mem>>)
      tpu.wait_dma2 semaphore(%run_scoped3A : memref<!tpu.dma_semaphore, #tpu.memory_space<semaphore_mem>>) src(%arg4 : memref<134x16xf32, #tpu.memory_space<hbm>>) dst(%arg11 : memref<134x16xf32, #tpu.memory_space<vmem>>)
      tpu.yield
    }) : () -> ()
    "tpu.region"() ({
      %run_scoped3A = tpu.sem_alloc : memref<!tpu.dma_semaphore, #tpu.memory_space<semaphore_mem>>
      tpu.enqueue_dma source(%arg5 : memref<6x16xi32, #tpu.memory_space<hbm>>) target(%arg12 : memref<6x16xi32, #tpu.memory_space<vmem>>) target_semaphore(%run_scoped3A : memref<!tpu.dma_semaphore, #tpu.memory_space<semaphore_mem>>)
      tpu.wait_dma2 semaphore(%run_scoped3A : memref<!tpu.dma_semaphore, #tpu.memory_space<semaphore_mem>>) src(%arg5 : memref<6x16xi32, #tpu.memory_space<hbm>>) dst(%arg12 : memref<6x16xi32, #tpu.memory_space<vmem>>)
      tpu.yield
    }) : () -> ()
    "tpu.region"() ({
      %run_scoped3A = tpu.sem_alloc : memref<!tpu.dma_semaphore, #tpu.memory_space<semaphore_mem>>
      %dma_start3A = arith.constant 0 : i32
      %dma_start3A_1425 = tpu.memref_slice %arg6[%add3A, %dma_start3A] : memref<32x2816xi32, #tpu.memory_space<hbm>> -> memref<1x2816xi32, #tpu.memory_space<hbm>>
      %dma_start3A_1426 = tpu.memref_squeeze %dma_start3A_1425 : memref<1x2816xi32, #tpu.memory_space<hbm>> -> memref<2816xi32, #tpu.memory_space<hbm>>
      %dma_start3A_1427 = arith.constant 0 : i32
      %dma_start3A_1428 = tpu.memref_slice %arg6[%add3A, %dma_start3A_1427] : memref<32x2816xi32, #tpu.memory_space<hbm>> -> memref<1x2816xi32, #tpu.memory_space<hbm>>
      %dma_start3A_1429 = tpu.memref_squeeze %dma_start3A_1428 : memref<1x2816xi32, #tpu.memory_space<hbm>> -> memref<2816xi32, #tpu.memory_space<hbm>>
      tpu.enqueue_dma source(%dma_start3A_1429 : memref<2816xi32, #tpu.memory_space<hbm>>) target(%arg13 : memref<2816xi32, #tpu.memory_space<vmem>>) target_semaphore(%run_scoped3A : memref<!tpu.dma_semaphore, #tpu.memory_space<semaphore_mem>>)
      %dma_wait3A = arith.constant 0 : i32
      %dma_wait3A_1430 = tpu.memref_slice %arg6[%add3A, %dma_wait3A] : memref<32x2816xi32, #tpu.memory_space<hbm>> -> memref<1x2816xi32, #tpu.memory_space<hbm>>
      %dma_wait3A_1431 = tpu.memref_squeeze %dma_wait3A_1430 : memref<1x2816xi32, #tpu.memory_space<hbm>> -> memref<2816xi32, #tpu.memory_space<hbm>>
      %dma_wait3A_1432 = arith.constant 0 : i32
      %dma_wait3A_1433 = tpu.memref_slice %arg6[%add3A, %dma_wait3A_1432] : memref<32x2816xi32, #tpu.memory_space<hbm>> -> memref<1x2816xi32, #tpu.memory_space<hbm>>
      %dma_wait3A_1434 = tpu.memref_squeeze %dma_wait3A_1433 : memref<1x2816xi32, #tpu.memory_space<hbm>> -> memref<2816xi32, #tpu.memory_space<hbm>>
      tpu.wait_dma2 semaphore(%run_scoped3A : memref<!tpu.dma_semaphore, #tpu.memory_space<semaphore_mem>>) src(%dma_wait3A_1434 : memref<2816xi32, #tpu.memory_space<hbm>>) dst(%arg13 : memref<2816xi32, #tpu.memory_space<vmem>>)
      tpu.yield
    }) : () -> ()
    %broadcast_in_dim3A = arith.constant 0.000000e+00 : f32
    %broadcast_in_dim3A_1 = vector.broadcast %broadcast_in_dim3A : f32 to vector<16xf32>
    %scan3A = arith.constant 0 : i32
    %scan3A_2 = arith.constant 0 : i32
    %scan3A_3 = arith.constant 88 : i32
    %scan3A_4 = arith.addi %scan3A_2, %scan3A_3 : i32
    %scan3A_5 = arith.constant 1 : i32
    scf.for %scan3A_1425 = %scan3A_2 to %scan3A_4 step %scan3A_5  : i32 {
      %swap3A = arith.index_cast %scan3A_1425 : i32 to index
      %swap3A_1426 = arith.constant 0 : index
      %swap3A_1427 = tpu.vector_load %arg10[%swap3A, %swap3A_1426] {strides = array<i32>} : memref<88x16xf32, #tpu.memory_space<vmem>>, vector<16xf32>,
      tpu.vector_store %arg10[%swap3A, %swap3A_1426], %broadcast_in_dim3A_1 {strides = array<i32>} : memref<88x16xf32, #tpu.memory_space<vmem>>, vector<16xf32>,
    }
    %scan3A_6 = arith.constant 88 : i32
    %scan3A_7 = arith.constant 0 : i32
    %scan3A_8 = arith.constant 0 : i32
    %scan3A_9 = arith.constant 3 : i32
    %scan3A_10 = arith.addi %scan3A_8, %scan3A_9 : i32
    %scan3A_11 = arith.constant 1 : i32
    scf.for %scan3A_1425 = %scan3A_8 to %scan3A_10 step %scan3A_11  : i32 {
      "tpu.region"() ({
        %run_scoped3A = tpu.sem_alloc : memref<!tpu.dma_semaphore, #tpu.memory_space<semaphore_mem>>
        %dma_start3A = arith.constant 0 : i32
        %dma_start3A_1446 = tpu.memref_slice %arg2[%scan3A_1425, %dma_start3A] : memref<3x90816xi32, #tpu.memory_space<hbm>> -> memref<1x90816xi32, #tpu.memory_space<hbm>>
        %dma_start3A_1447 = tpu.memref_squeeze %dma_start3A_1446 : memref<1x90816xi32, #tpu.memory_space<hbm>> -> memref<90816xi32, #tpu.memory_space<hbm>>
        %dma_start3A_1448 = arith.constant 0 : i32
        %dma_start3A_1449 = tpu.memref_slice %arg2[%scan3A_1425, %dma_start3A_1448] : memref<3x90816xi32, #tpu.memory_space<hbm>> -> memref<1x90816xi32, #tpu.memory_space<hbm>>
        %dma_start3A_1450 = tpu.memref_squeeze %dma_start3A_1449 : memref<1x90816xi32, #tpu.memory_space<hbm>> -> memref<90816xi32, #tpu.memory_space<hbm>>
        tpu.enqueue_dma source(%dma_start3A_1450 : memref<90816xi32, #tpu.memory_space<hbm>>) target(%arg8 : memref<90816xi32, #tpu.memory_space<vmem>>) target_semaphore(%run_scoped3A : memref<!tpu.dma_semaphore, #tpu.memory_space<semaphore_mem>>)
        %dma_wait3A = arith.constant 0 : i32
        %dma_wait3A_1451 = tpu.memref_slice %arg2[%scan3A_1425, %dma_wait3A] : memref<3x90816xi32, #tpu.memory_space<hbm>> -> memref<1x90816xi32, #tpu.memory_space<hbm>>
        %dma_wait3A_1452 = tpu.memref_squeeze %dma_wait3A_1451 : memref<1x90816xi32, #tpu.memory_space<hbm>> -> memref<90816xi32, #tpu.memory_space<hbm>>
        %dma_wait3A_1453 = arith.constant 0 : i32
        %dma_wait3A_1454 = tpu.memref_slice %arg2[%scan3A_1425, %dma_wait3A_1453] : memref<3x90816xi32, #tpu.memory_space<hbm>> -> memref<1x90816xi32, #tpu.memory_space<hbm>>
        %dma_wait3A_1455 = tpu.memref_squeeze %dma_wait3A_1454 : memref<1x90816xi32, #tpu.memory_space<hbm>> -> memref<90816xi32, #tpu.memory_space<hbm>>
        tpu.wait_dma2 semaphore(%run_scoped3A : memref<!tpu.dma_semaphore, #tpu.memory_space<semaphore_mem>>) src(%dma_wait3A_1455 : memref<90816xi32, #tpu.memory_space<hbm>>) dst(%arg8 : memref<90816xi32, #tpu.memory_space<vmem>>)
        tpu.yield
      }) : () -> ()
      %get3A_1426 = arith.index_cast %scan3A_1425 : i32 to index
      %get3A_1427 = arith.constant 0 : index
      %get3A_1428 = tpu.vector_load %arg12[%get3A_1426, %get3A_1427] {strides = array<i32>} : memref<6x16xi32, #tpu.memory_space<vmem>>, vector<16xi32>,
      %add3A_1429 = arith.constant 3 : i32
      %add3A_1430 = arith.addi %scan3A_1425, %add3A_1429 : i32
      %get3A_1431 = arith.index_cast %add3A_1430 : i32 to index
      %get3A_1432 = arith.constant 0 : index
      %get3A_1433 = tpu.vector_load %arg12[%get3A_1431, %get3A_1432] {strides = array<i32>} : memref<6x16xi32, #tpu.memory_space<vmem>>, vector<16xi32>,
      %add3A_1434 = arith.constant 128 : i32
      %add3A_1435 = arith.addi %add3A_1434, %scan3A_1425 : i32
      %get3A_1436 = arith.index_cast %add3A_1435 : i32 to index
      %get3A_1437 = arith.constant 0 : index
      %get3A_1438 = tpu.vector_load %arg11[%get3A_1436, %get3A_1437] {strides = array<i32>} : memref<134x16xf32, #tpu.memory_space<vmem>>, vector<16xf32>,
      %add3A_1439 = arith.constant 131 : i32
      %add3A_1440 = arith.addi %add3A_1439, %scan3A_1425 : i32
      %get3A_1441 = arith.index_cast %add3A_1440 : i32 to index
      %get3A_1442 = arith.constant 0 : index
      %get3A_1443 = tpu.vector_load %arg11[%get3A_1441, %get3A_1442] {strides = array<i32>} : memref<134x16xf32, #tpu.memory_space<vmem>>, vector<16xf32>,
      %parallel_loop3A = arith.constant 0 : i32
      %parallel_loop3A_1444 = arith.constant 88 : i32
      %parallel_loop3A_1445 = arith.constant 1 : i32
      scf.for %parallel_loop3A_1446 = %parallel_loop3A to %parallel_loop3A_1444 step %parallel_loop3A_1445  : i32 {
        %parallel_loop3A_1447 = arith.constant 0 : i32
        %parallel_loop3A_1448 = arith.index_cast %parallel_loop3A_1446 : i32 to index
        %parallel_loop3A_1449 = arith.index_cast %parallel_loop3A_1447 : i32 to index
        %parallel_loop3A_1450 = arith.constant 0 : index
        %parallel_loop3A_1451 = tpu.vector_load %arg9[%parallel_loop3A_1448, %parallel_loop3A_1449, %parallel_loop3A_1450] {strides = array<i32>} : memref<88x6x16xf32, #tpu.memory_space<vmem>>, vector<16xf32>,
        %parallel_loop3A_1452 = arith.constant 1 : i32
        %parallel_loop3A_1453 = arith.index_cast %parallel_loop3A_1446 : i32 to index
        %parallel_loop3A_1454 = arith.index_cast %parallel_loop3A_1452 : i32 to index
        %parallel_loop3A_1455 = arith.constant 0 : index
        %parallel_loop3A_1456 = tpu.vector_load %arg9[%parallel_loop3A_1453, %parallel_loop3A_1454, %parallel_loop3A_1455] {strides = array<i32>} : memref<88x6x16xf32, #tpu.memory_space<vmem>>, vector<16xf32>,
        %parallel_loop3A_1457 = arith.constant 2 : i32
        %parallel_loop3A_1458 = arith.index_cast %parallel_loop3A_1446 : i32 to index
        %parallel_loop3A_1459 = arith.index_cast %parallel_loop3A_1457 : i32 to index
        %parallel_loop3A_1460 = arith.constant 0 : index
        %parallel_loop3A_1461 = tpu.vector_load %arg9[%parallel_loop3A_1458, %parallel_loop3A_1459, %parallel_loop3A_1460] {strides = array<i32>} : memref<88x6x16xf32, #tpu.memory_space<vmem>>, vector<16xf32>,
        %parallel_loop3A_1462 = arith.constant 3 : i32
        %parallel_loop3A_1463 = arith.index_cast %parallel_loop3A_1446 : i32 to index
        %parallel_loop3A_1464 = arith.index_cast %parallel_loop3A_1462 : i32 to index
        %parallel_loop3A_1465 = arith.constant 0 : index
        %parallel_loop3A_1466 = tpu.vector_load %arg9[%parallel_loop3A_1463, %parallel_loop3A_1464, %parallel_loop3A_1465] {strides = array<i32>} : memref<88x6x16xf32, #tpu.memory_space<vmem>>, vector<16xf32>,
        %parallel_loop3A_1467 = arith.constant 4 : i32
        %parallel_loop3A_1468 = arith.index_cast %parallel_loop3A_1446 : i32 to index
        %parallel_loop3A_1469 = arith.index_cast %parallel_loop3A_1467 : i32 to index
        %parallel_loop3A_1470 = arith.constant 0 : index
        %parallel_loop3A_1471 = tpu.vector_load %arg9[%parallel_loop3A_1468, %parallel_loop3A_1469, %parallel_loop3A_1470] {strides = array<i32>} : memref<88x6x16xf32, #tpu.memory_space<vmem>>, vector<16xf32>,
        %parallel_loop3A_1472 = arith.index_cast %parallel_loop3A_1446 : i32 to index
        %parallel_loop3A_1473 = arith.constant 0 : index
        %parallel_loop3A_1474 = tpu.vector_load %arg10[%parallel_loop3A_1472, %parallel_loop3A_1473] {strides = array<i32>} : memref<88x16xf32, #tpu.memory_space<vmem>>, vector<16xf32>,
        %parallel_loop3A_1475 = arith.subf %parallel_loop3A_1451, %parallel_loop3A_1461 : vector<16xf32>
        %parallel_loop3A_1476 = arith.constant 1.000000e+00 : f32
        %parallel_loop3A_1477 = vector.broadcast %parallel_loop3A_1476 : f32 to vector<16xf32>
        %parallel_loop3A_1478 = arith.divf %parallel_loop3A_1477, %parallel_loop3A_1475 : vector<16xf32>
        %parallel_loop3A_1479 = arith.subf %get3A_1438, %parallel_loop3A_1461 : vector<16xf32>
        %parallel_loop3A_1480 = arith.mulf %parallel_loop3A_1479, %parallel_loop3A_1478 : vector<16xf32>
        %parallel_loop3A_1481 = arith.subf %get3A_1443, %parallel_loop3A_1461 : vector<16xf32>
        %parallel_loop3A_1482 = arith.mulf %parallel_loop3A_1481, %parallel_loop3A_1478 : vector<16xf32>
        %parallel_loop3A_1483 = arith.constant 0.000000e+00 : f32
        %parallel_loop3A_1484 = vector.broadcast %parallel_loop3A_1483 : f32 to vector<16xf32>
        %parallel_loop3A_1485 = arith.cmpf oeq, %parallel_loop3A_1475, %parallel_loop3A_1484 : vector<16xf32>
        %parallel_loop3A_1486 = arith.minimumf %parallel_loop3A_1480, %parallel_loop3A_1482 : vector<16xf32>
        %parallel_loop3A_1487 = arith.constant 0.000000e+00 : f32
        %parallel_loop3A_1488 = vector.broadcast %parallel_loop3A_1487 : f32 to vector<16xf32>
        %parallel_loop3A_1489 = arith.select %parallel_loop3A_1485, %parallel_loop3A_1488, %parallel_loop3A_1486 : vector<16xi1>, vector<16xf32>
        %parallel_loop3A_1490 = arith.maximumf %parallel_loop3A_1480, %parallel_loop3A_1482 : vector<16xf32>
        %parallel_loop3A_1491 = arith.constant 1.000000e+00 : f32
        %parallel_loop3A_1492 = vector.broadcast %parallel_loop3A_1491 : f32 to vector<16xf32>
        %parallel_loop3A_1493 = arith.select %parallel_loop3A_1485, %parallel_loop3A_1492, %parallel_loop3A_1490 : vector<16xi1>, vector<16xf32>
        %parallel_loop3A_1494 = arith.constant 0.000000e+00 : f32
        %parallel_loop3A_1495 = vector.broadcast %parallel_loop3A_1494 : f32 to vector<16xf32>
        %parallel_loop3A_1496 = arith.cmpf olt, %parallel_loop3A_1493, %parallel_loop3A_1495 : vector<16xf32>
        %parallel_loop3A_1497 = arith.constant 1.000000e+00 : f32
        %parallel_loop3A_1498 = vector.broadcast %parallel_loop3A_1497 : f32 to vector<16xf32>
        %parallel_loop3A_1499 = arith.cmpf ogt, %parallel_loop3A_1489, %parallel_loop3A_1498 : vector<16xf32>
        %parallel_loop3A_1500 = arith.ori %parallel_loop3A_1496, %parallel_loop3A_1499 : vector<16xi1>
        %parallel_loop3A_1501 = arith.constant 0.000000e+00 : f32
        %parallel_loop3A_1502 = arith.constant 1.000000e+00 : f32
        %parallel_loop3A_1503 = vector.broadcast %parallel_loop3A_1501 : f32 to vector<16xf32>
        %parallel_loop3A_1504 = arith.maximumf %parallel_loop3A_1503, %parallel_loop3A_1489 : vector<16xf32>
        %parallel_loop3A_1505 = vector.broadcast %parallel_loop3A_1502 : f32 to vector<16xf32>
        %parallel_loop3A_1506 = arith.minimumf %parallel_loop3A_1505, %parallel_loop3A_1504 : vector<16xf32>
        %parallel_loop3A_1507 = arith.constant 0.000000e+00 : f32
        %parallel_loop3A_1508 = arith.constant 1.000000e+00 : f32
        %parallel_loop3A_1509 = vector.broadcast %parallel_loop3A_1507 : f32 to vector<16xf32>
        %parallel_loop3A_1510 = arith.maximumf %parallel_loop3A_1509, %parallel_loop3A_1493 : vector<16xf32>
        %parallel_loop3A_1511 = vector.broadcast %parallel_loop3A_1508 : f32 to vector<16xf32>
        %parallel_loop3A_1512 = arith.minimumf %parallel_loop3A_1511, %parallel_loop3A_1510 : vector<16xf32>
        %parallel_loop3A_1513 = arith.constant 6.300000e+01 : f32
        %parallel_loop3A_1514 = vector.broadcast %parallel_loop3A_1513 : f32 to vector<16xf32>
        %parallel_loop3A_1515 = arith.mulf %parallel_loop3A_1506, %parallel_loop3A_1514 : vector<16xf32>
        %parallel_loop3A_1516 = arith.fptosi %parallel_loop3A_1515 : vector<16xf32> to vector<16xi32>
        %parallel_loop3A_1517 = arith.constant 1 : i32
        %parallel_loop3A_1518 = vector.broadcast %parallel_loop3A_1517 : i32 to vector<16xi32>
        %parallel_loop3A_1519 = arith.subi %parallel_loop3A_1516, %parallel_loop3A_1518 : vector<16xi32>
        %parallel_loop3A_1520 = arith.constant 0 : i32
        %parallel_loop3A_1521 = arith.constant 64 : i32
        %parallel_loop3A_1522 = vector.broadcast %parallel_loop3A_1520 : i32 to vector<16xi32>
        %parallel_loop3A_1523 = arith.maxsi %parallel_loop3A_1522, %parallel_loop3A_1519 : vector<16xi32>
        %parallel_loop3A_1524 = vector.broadcast %parallel_loop3A_1521 : i32 to vector<16xi32>
        %parallel_loop3A_1525 = arith.minsi %parallel_loop3A_1524, %parallel_loop3A_1523 : vector<16xi32>
        %parallel_loop3A_1526 = arith.constant 6.300000e+01 : f32
        %parallel_loop3A_1527 = vector.broadcast %parallel_loop3A_1526 : f32 to vector<16xf32>
        %parallel_loop3A_1528 = arith.mulf %parallel_loop3A_1512, %parallel_loop3A_1527 : vector<16xf32>
        %parallel_loop3A_1529 = arith.fptosi %parallel_loop3A_1528 : vector<16xf32> to vector<16xi32>
        %parallel_loop3A_1530 = arith.constant 2 : i32
        %parallel_loop3A_1531 = vector.broadcast %parallel_loop3A_1530 : i32 to vector<16xi32>
        %parallel_loop3A_1532 = arith.addi %parallel_loop3A_1529, %parallel_loop3A_1531 : vector<16xi32>
        %parallel_loop3A_1533 = arith.constant 0 : i32
        %parallel_loop3A_1534 = arith.constant 64 : i32
        %parallel_loop3A_1535 = vector.broadcast %parallel_loop3A_1533 : i32 to vector<16xi32>
        %parallel_loop3A_1536 = arith.maxsi %parallel_loop3A_1535, %parallel_loop3A_1532 : vector<16xi32>
        %parallel_loop3A_1537 = vector.broadcast %parallel_loop3A_1534 : i32 to vector<16xi32>
        %parallel_loop3A_1538 = arith.minsi %parallel_loop3A_1537, %parallel_loop3A_1536 : vector<16xi32>
        %parallel_loop3A_1539 = arith.constant 64 : i32
        %parallel_loop3A_1540 = vector.broadcast %parallel_loop3A_1539 : i32 to vector<16xi32>
        %parallel_loop3A_1541 = arith.select %parallel_loop3A_1500, %parallel_loop3A_1540, %parallel_loop3A_1525 : vector<16xi1>, vector<16xi32>
        %parallel_loop3A_1542 = arith.constant 0 : i32
        %parallel_loop3A_1543 = vector.broadcast %parallel_loop3A_1542 : i32 to vector<16xi32>
        %parallel_loop3A_1544 = arith.select %parallel_loop3A_1500, %parallel_loop3A_1543, %parallel_loop3A_1538 : vector<16xi1>, vector<16xi32>
        %parallel_loop3A_1545 = arith.constant true
        %parallel_loop3A_1546 = vector.broadcast %parallel_loop3A_1545 : i1 to vector<16xi1>
        %parallel_loop3A_1547 = arith.constant -2147483648 : i32
        %parallel_loop3A_1548 = vector.broadcast %parallel_loop3A_1547 : i32 to vector<16xi32>
        %parallel_loop3A_1549 = arith.xori %parallel_loop3A_1541, %parallel_loop3A_1548 : vector<16xi32>
        %parallel_loop3A_1550 = tpu.scan <min>, %parallel_loop3A_1549 masked %parallel_loop3A_1546 : vector<16xi32>, vector<16xi1> -> vector<16xi32>
        %parallel_loop3A_1551 = arith.xori %parallel_loop3A_1550, %parallel_loop3A_1548 : vector<16xi32>
        %parallel_loop3A_1552 = vector.extract %parallel_loop3A_1551[15] : i32 from vector<16xi32>
        %parallel_loop3A_1553 = arith.constant true
        %parallel_loop3A_1554 = vector.broadcast %parallel_loop3A_1553 : i1 to vector<16xi1>
        %parallel_loop3A_1555 = arith.constant -2147483648 : i32
        %parallel_loop3A_1556 = vector.broadcast %parallel_loop3A_1555 : i32 to vector<16xi32>
        %parallel_loop3A_1557 = arith.xori %parallel_loop3A_1544, %parallel_loop3A_1556 : vector<16xi32>
        %parallel_loop3A_1558 = tpu.scan <max>, %parallel_loop3A_1557 masked %parallel_loop3A_1554 : vector<16xi32>, vector<16xi1> -> vector<16xi32>
        %parallel_loop3A_1559 = arith.xori %parallel_loop3A_1558, %parallel_loop3A_1556 : vector<16xi32>
        %parallel_loop3A_1560 = vector.extract %parallel_loop3A_1559[15] : i32 from vector<16xi32>
        %parallel_loop3A_1561 = arith.subi %parallel_loop3A_1560, %parallel_loop3A_1552 : i32
        %parallel_loop3A_1562 = arith.addi %parallel_loop3A_1552, %parallel_loop3A_1561 : i32
        %parallel_loop3A_1563 = arith.constant 1 : i32
        %parallel_loop3A_1564 = arith.divsi %parallel_loop3A_1561, %parallel_loop3A_1563 : i32
        %parallel_loop3A_1565 = arith.muli %parallel_loop3A_1564, %parallel_loop3A_1563 : i32
        %parallel_loop3A_1566 = arith.addi %parallel_loop3A_1552, %parallel_loop3A_1565 : i32
        %parallel_loop3A_1567 = arith.constant 1 : i32
        %parallel_loop3A_1568 = scf.for %while3A = %parallel_loop3A_1552 to %parallel_loop3A_1566 step %parallel_loop3A_1567 iter_args(%while3A_1574 = %parallel_loop3A_1474) -> (vector<16xf32>)  : i32 {
          %parallel_loop3A_1575 = arith.index_cast %while3A : i32 to index
          %parallel_loop3A_1576 = arith.constant 0 : index
          %parallel_loop3A_1577 = tpu.vector_load %arg11[%parallel_loop3A_1575, %parallel_loop3A_1576] {strides = array<i32>} : memref<134x16xf32, #tpu.memory_space<vmem>>, vector<16xf32>,
          %parallel_loop3A_1578 = arith.constant 64 : i32
          %parallel_loop3A_1579 = arith.addi %while3A, %parallel_loop3A_1578 : i32
          %parallel_loop3A_1580 = arith.index_cast %parallel_loop3A_1579 : i32 to index
          %parallel_loop3A_1581 = arith.constant 0 : index
          %parallel_loop3A_1582 = tpu.vector_load %arg11[%parallel_loop3A_1580, %parallel_loop3A_1581] {strides = array<i32>} : memref<134x16xf32, #tpu.memory_space<vmem>>, vector<16xf32>,
          %parallel_loop3A_1583 = arith.mulf %parallel_loop3A_1451, %parallel_loop3A_1577 : vector<16xf32>
          %parallel_loop3A_1584 = arith.mulf %parallel_loop3A_1461, %parallel_loop3A_1582 : vector<16xf32>
          %parallel_loop3A_1585 = arith.addf %parallel_loop3A_1583, %parallel_loop3A_1584 : vector<16xf32>
          %parallel_loop3A_1586 = arith.constant 0.000000e+00 : f32
          %parallel_loop3A_1587 = arith.constant 5.110000e+02 : f32
          %parallel_loop3A_1588 = vector.broadcast %parallel_loop3A_1586 : f32 to vector<16xf32>
          %parallel_loop3A_1589 = arith.maximumf %parallel_loop3A_1588, %parallel_loop3A_1585 : vector<16xf32>
          %parallel_loop3A_1590 = vector.broadcast %parallel_loop3A_1587 : f32 to vector<16xf32>
          %parallel_loop3A_1591 = arith.minimumf %parallel_loop3A_1590, %parallel_loop3A_1589 : vector<16xf32>
          %parallel_loop3A_1592 = arith.mulf %parallel_loop3A_1456, %parallel_loop3A_1577 : vector<16xf32>
          %parallel_loop3A_1593 = arith.mulf %parallel_loop3A_1466, %parallel_loop3A_1582 : vector<16xf32>
          %parallel_loop3A_1594 = arith.addf %parallel_loop3A_1592, %parallel_loop3A_1593 : vector<16xf32>
          %parallel_loop3A_1595 = arith.constant 0.000000e+00 : f32
          %parallel_loop3A_1596 = arith.constant 5.110000e+02 : f32
          %parallel_loop3A_1597 = vector.broadcast %parallel_loop3A_1595 : f32 to vector<16xf32>
          %parallel_loop3A_1598 = arith.maximumf %parallel_loop3A_1597, %parallel_loop3A_1594 : vector<16xf32>
          %parallel_loop3A_1599 = vector.broadcast %parallel_loop3A_1596 : f32 to vector<16xf32>
          %parallel_loop3A_1600 = arith.minimumf %parallel_loop3A_1599, %parallel_loop3A_1598 : vector<16xf32>
          %parallel_loop3A_1601 = arith.constant 5.000000e-01 : f32
          %parallel_loop3A_1602 = vector.broadcast %parallel_loop3A_1601 : f32 to vector<16xf32>
          %parallel_loop3A_1603 = arith.addf %parallel_loop3A_1591, %parallel_loop3A_1602 : vector<16xf32>
          %parallel_loop3A_1604 = arith.fptosi %parallel_loop3A_1603 : vector<16xf32> to vector<16xi32>
          %parallel_loop3A_1605 = arith.sitofp %parallel_loop3A_1604 : vector<16xi32> to vector<16xf32>
          %parallel_loop3A_1606 = arith.subf %parallel_loop3A_1605, %parallel_loop3A_1591 : vector<16xf32>
          %parallel_loop3A_1607 = arith.constant 5.000000e-01 : f32
          %parallel_loop3A_1608 = vector.broadcast %parallel_loop3A_1607 : f32 to vector<16xf32>
          %parallel_loop3A_1609 = arith.cmpf oeq, %parallel_loop3A_1606, %parallel_loop3A_1608 : vector<16xf32>
          %parallel_loop3A_1610 = arith.constant 1 : i32
          %parallel_loop3A_1611 = vector.broadcast %parallel_loop3A_1610 : i32 to vector<16xi32>
          %parallel_loop3A_1612 = arith.andi %parallel_loop3A_1604, %parallel_loop3A_1611 : vector<16xi32>
          %parallel_loop3A_1613 = arith.constant 1 : i32
          %parallel_loop3A_1614 = vector.broadcast %parallel_loop3A_1613 : i32 to vector<16xi32>
          %parallel_loop3A_1615 = arith.cmpi eq, %parallel_loop3A_1612, %parallel_loop3A_1614 : vector<16xi32>
          %parallel_loop3A_1616 = arith.andi %parallel_loop3A_1609, %parallel_loop3A_1615 : vector<16xi1>
          %parallel_loop3A_1617 = arith.constant 1 : i32
          %parallel_loop3A_1618 = arith.constant 0 : i32
          %parallel_loop3A_1619 = vector.broadcast %parallel_loop3A_1617 : i32 to vector<16xi32>
          %parallel_loop3A_1620 = vector.broadcast %parallel_loop3A_1618 : i32 to vector<16xi32>
          %parallel_loop3A_1621 = arith.select %parallel_loop3A_1616, %parallel_loop3A_1619, %parallel_loop3A_1620 : vector<16xi1>, vector<16xi32>
          %parallel_loop3A_1622 = arith.subi %parallel_loop3A_1604, %parallel_loop3A_1621 : vector<16xi32>
          %parallel_loop3A_1623 = arith.sitofp %parallel_loop3A_1622 : vector<16xi32> to vector<16xf32>
          %parallel_loop3A_1624 = arith.constant 5.000000e-01 : f32
          %parallel_loop3A_1625 = vector.broadcast %parallel_loop3A_1624 : f32 to vector<16xf32>
          %parallel_loop3A_1626 = arith.addf %parallel_loop3A_1600, %parallel_loop3A_1625 : vector<16xf32>
          %parallel_loop3A_1627 = arith.fptosi %parallel_loop3A_1626 : vector<16xf32> to vector<16xi32>
          %parallel_loop3A_1628 = arith.sitofp %parallel_loop3A_1627 : vector<16xi32> to vector<16xf32>
          %parallel_loop3A_1629 = arith.subf %parallel_loop3A_1628, %parallel_loop3A_1600 : vector<16xf32>
          %parallel_loop3A_1630 = arith.constant 5.000000e-01 : f32
          %parallel_loop3A_1631 = vector.broadcast %parallel_loop3A_1630 : f32 to vector<16xf32>
          %parallel_loop3A_1632 = arith.cmpf oeq, %parallel_loop3A_1629, %parallel_loop3A_1631 : vector<16xf32>
          %parallel_loop3A_1633 = arith.constant 1 : i32
          %parallel_loop3A_1634 = vector.broadcast %parallel_loop3A_1633 : i32 to vector<16xi32>
          %parallel_loop3A_1635 = arith.andi %parallel_loop3A_1627, %parallel_loop3A_1634 : vector<16xi32>
          %parallel_loop3A_1636 = arith.constant 1 : i32
          %parallel_loop3A_1637 = vector.broadcast %parallel_loop3A_1636 : i32 to vector<16xi32>
          %parallel_loop3A_1638 = arith.cmpi eq, %parallel_loop3A_1635, %parallel_loop3A_1637 : vector<16xi32>
          %parallel_loop3A_1639 = arith.andi %parallel_loop3A_1632, %parallel_loop3A_1638 : vector<16xi1>
          %parallel_loop3A_1640 = arith.constant 1 : i32
          %parallel_loop3A_1641 = arith.constant 0 : i32
          %parallel_loop3A_1642 = vector.broadcast %parallel_loop3A_1640 : i32 to vector<16xi32>
          %parallel_loop3A_1643 = vector.broadcast %parallel_loop3A_1641 : i32 to vector<16xi32>
          %parallel_loop3A_1644 = arith.select %parallel_loop3A_1639, %parallel_loop3A_1642, %parallel_loop3A_1643 : vector<16xi1>, vector<16xi32>
          %parallel_loop3A_1645 = arith.subi %parallel_loop3A_1627, %parallel_loop3A_1644 : vector<16xi32>
          %parallel_loop3A_1646 = arith.sitofp %parallel_loop3A_1645 : vector<16xi32> to vector<16xf32>
          %parallel_loop3A_1647 = arith.subf %parallel_loop3A_1591, %parallel_loop3A_1623 : vector<16xf32>
          %parallel_loop3A_1648 = arith.subf %parallel_loop3A_1600, %parallel_loop3A_1646 : vector<16xf32>
          %parallel_loop3A_1649 = arith.cmpi sge, %parallel_loop3A_1622, %get3A_1428 : vector<16xi32>
          %parallel_loop3A_1650 = arith.cmpi slt, %parallel_loop3A_1622, %get3A_1433 : vector<16xi32>
          %parallel_loop3A_1651 = arith.andi %parallel_loop3A_1649, %parallel_loop3A_1650 : vector<16xi1>
          %parallel_loop3A_1652 = arith.constant -1.000000e+00 : f32
          %parallel_loop3A_1653 = vector.broadcast %parallel_loop3A_1652 : f32 to vector<16xf32>
          %parallel_loop3A_1654 = arith.select %parallel_loop3A_1651, %parallel_loop3A_1471, %parallel_loop3A_1653 : vector<16xi1>, vector<16xf32>
          %parallel_loop3A_1655 = arith.constant 2 : i32
          %parallel_loop3A_1656 = vector.broadcast %parallel_loop3A_1655 : i32 to vector<16xi32>
          %parallel_loop3A_1657 = arith.addi %parallel_loop3A_1622, %parallel_loop3A_1656 : vector<16xi32>
          %parallel_loop3A_1658 = arith.subi %parallel_loop3A_1657, %get3A_1428 : vector<16xi32>
          %parallel_loop3A_1659 = arith.constant -2 : i32
          %parallel_loop3A_1660 = vector.broadcast %parallel_loop3A_1659 : i32 to vector<16xi32>
          %parallel_loop3A_1661 = arith.addi %parallel_loop3A_1658, %parallel_loop3A_1660 : vector<16xi32>
          %parallel_loop3A_1662 = arith.constant 0 : i32
          %parallel_loop3A_1663 = arith.constant 175 : i32
          %parallel_loop3A_1664 = vector.broadcast %parallel_loop3A_1662 : i32 to vector<16xi32>
          %parallel_loop3A_1665 = arith.maxsi %parallel_loop3A_1664, %parallel_loop3A_1661 : vector<16xi32>
          %parallel_loop3A_1666 = vector.broadcast %parallel_loop3A_1663 : i32 to vector<16xi32>
          %parallel_loop3A_1667 = arith.minsi %parallel_loop3A_1666, %parallel_loop3A_1665 : vector<16xi32>
          %parallel_loop3A_1668 = arith.constant 516 : i32
          %parallel_loop3A_1669 = vector.broadcast %parallel_loop3A_1668 : i32 to vector<16xi32>
          %parallel_loop3A_1670 = arith.muli %parallel_loop3A_1667, %parallel_loop3A_1669 : vector<16xi32>
          %parallel_loop3A_1671 = arith.constant 0 : i32
          %parallel_loop3A_1672 = vector.broadcast %parallel_loop3A_1671 : i32 to vector<16xi32>
          %parallel_loop3A_1673 = arith.addi %parallel_loop3A_1645, %parallel_loop3A_1672 : vector<16xi32>
          %parallel_loop3A_1674 = arith.constant -2.000000e+00 : f32
          %parallel_loop3A_1675 = vector.broadcast %parallel_loop3A_1674 : f32 to vector<16xf32>
          %parallel_loop3A_1676 = arith.subf %parallel_loop3A_1647, %parallel_loop3A_1675 : vector<16xf32>
          %parallel_loop3A_1677 = arith.constant -2.000000e+00 : f32
          %parallel_loop3A_1678 = vector.broadcast %parallel_loop3A_1677 : f32 to vector<16xf32>
          %parallel_loop3A_1679 = arith.subf %parallel_loop3A_1648, %parallel_loop3A_1678 : vector<16xf32>
          %parallel_loop3A_1680 = arith.mulf %parallel_loop3A_1676, %parallel_loop3A_1676 : vector<16xf32>
          %parallel_loop3A_1681 = arith.mulf %parallel_loop3A_1679, %parallel_loop3A_1679 : vector<16xf32>
          %parallel_loop3A_1682 = arith.constant -1 : i32
          %parallel_loop3A_1683 = vector.broadcast %parallel_loop3A_1682 : i32 to vector<16xi32>
          %parallel_loop3A_1684 = arith.addi %parallel_loop3A_1658, %parallel_loop3A_1683 : vector<16xi32>
          %parallel_loop3A_1685 = arith.constant 0 : i32
          %parallel_loop3A_1686 = arith.constant 175 : i32
          %parallel_loop3A_1687 = vector.broadcast %parallel_loop3A_1685 : i32 to vector<16xi32>
          %parallel_loop3A_1688 = arith.maxsi %parallel_loop3A_1687, %parallel_loop3A_1684 : vector<16xi32>
          %parallel_loop3A_1689 = vector.broadcast %parallel_loop3A_1686 : i32 to vector<16xi32>
          %parallel_loop3A_1690 = arith.minsi %parallel_loop3A_1689, %parallel_loop3A_1688 : vector<16xi32>
          %parallel_loop3A_1691 = arith.constant 516 : i32
          %parallel_loop3A_1692 = vector.broadcast %parallel_loop3A_1691 : i32 to vector<16xi32>
          %parallel_loop3A_1693 = arith.muli %parallel_loop3A_1690, %parallel_loop3A_1692 : vector<16xi32>
          %parallel_loop3A_1694 = arith.constant 1 : i32
          %parallel_loop3A_1695 = vector.broadcast %parallel_loop3A_1694 : i32 to vector<16xi32>
          %parallel_loop3A_1696 = arith.addi %parallel_loop3A_1645, %parallel_loop3A_1695 : vector<16xi32>
          %parallel_loop3A_1697 = arith.constant -1.000000e+00 : f32
          %parallel_loop3A_1698 = vector.broadcast %parallel_loop3A_1697 : f32 to vector<16xf32>
          %parallel_loop3A_1699 = arith.subf %parallel_loop3A_1647, %parallel_loop3A_1698 : vector<16xf32>
          %parallel_loop3A_1700 = arith.constant -1.000000e+00 : f32
          %parallel_loop3A_1701 = vector.broadcast %parallel_loop3A_1700 : f32 to vector<16xf32>
          %parallel_loop3A_1702 = arith.subf %parallel_loop3A_1648, %parallel_loop3A_1701 : vector<16xf32>
          %parallel_loop3A_1703 = arith.mulf %parallel_loop3A_1699, %parallel_loop3A_1699 : vector<16xf32>
          %parallel_loop3A_1704 = arith.mulf %parallel_loop3A_1702, %parallel_loop3A_1702 : vector<16xf32>
          %parallel_loop3A_1705 = arith.constant 0 : i32
          %parallel_loop3A_1706 = vector.broadcast %parallel_loop3A_1705 : i32 to vector<16xi32>
          %parallel_loop3A_1707 = arith.addi %parallel_loop3A_1658, %parallel_loop3A_1706 : vector<16xi32>
          %parallel_loop3A_1708 = arith.constant 0 : i32
          %parallel_loop3A_1709 = arith.constant 175 : i32
          %parallel_loop3A_1710 = vector.broadcast %parallel_loop3A_1708 : i32 to vector<16xi32>
          %parallel_loop3A_1711 = arith.maxsi %parallel_loop3A_1710, %parallel_loop3A_1707 : vector<16xi32>
          %parallel_loop3A_1712 = vector.broadcast %parallel_loop3A_1709 : i32 to vector<16xi32>
          %parallel_loop3A_1713 = arith.minsi %parallel_loop3A_1712, %parallel_loop3A_1711 : vector<16xi32>
          %parallel_loop3A_1714 = arith.constant 516 : i32
          %parallel_loop3A_1715 = vector.broadcast %parallel_loop3A_1714 : i32 to vector<16xi32>
          %parallel_loop3A_1716 = arith.muli %parallel_loop3A_1713, %parallel_loop3A_1715 : vector<16xi32>
          %parallel_loop3A_1717 = arith.constant 2 : i32
          %parallel_loop3A_1718 = vector.broadcast %parallel_loop3A_1717 : i32 to vector<16xi32>
          %parallel_loop3A_1719 = arith.addi %parallel_loop3A_1645, %parallel_loop3A_1718 : vector<16xi32>
          %parallel_loop3A_1720 = arith.constant 0.000000e+00 : f32
          %parallel_loop3A_1721 = vector.broadcast %parallel_loop3A_1720 : f32 to vector<16xf32>
          %parallel_loop3A_1722 = arith.subf %parallel_loop3A_1647, %parallel_loop3A_1721 : vector<16xf32>
          %parallel_loop3A_1723 = arith.constant 0.000000e+00 : f32
          %parallel_loop3A_1724 = vector.broadcast %parallel_loop3A_1723 : f32 to vector<16xf32>
          %parallel_loop3A_1725 = arith.subf %parallel_loop3A_1648, %parallel_loop3A_1724 : vector<16xf32>
          %parallel_loop3A_1726 = arith.mulf %parallel_loop3A_1722, %parallel_loop3A_1722 : vector<16xf32>
          %parallel_loop3A_1727 = arith.mulf %parallel_loop3A_1725, %parallel_loop3A_1725 : vector<16xf32>
          %parallel_loop3A_1728 = arith.constant 1 : i32
          %parallel_loop3A_1729 = vector.broadcast %parallel_loop3A_1728 : i32 to vector<16xi32>
          %parallel_loop3A_1730 = arith.addi %parallel_loop3A_1658, %parallel_loop3A_1729 : vector<16xi32>
          %parallel_loop3A_1731 = arith.constant 0 : i32
          %parallel_loop3A_1732 = arith.constant 175 : i32
          %parallel_loop3A_1733 = vector.broadcast %parallel_loop3A_1731 : i32 to vector<16xi32>
          %parallel_loop3A_1734 = arith.maxsi %parallel_loop3A_1733, %parallel_loop3A_1730 : vector<16xi32>
          %parallel_loop3A_1735 = vector.broadcast %parallel_loop3A_1732 : i32 to vector<16xi32>
          %parallel_loop3A_1736 = arith.minsi %parallel_loop3A_1735, %parallel_loop3A_1734 : vector<16xi32>
          %parallel_loop3A_1737 = arith.constant 516 : i32
          %parallel_loop3A_1738 = vector.broadcast %parallel_loop3A_1737 : i32 to vector<16xi32>
          %parallel_loop3A_1739 = arith.muli %parallel_loop3A_1736, %parallel_loop3A_1738 : vector<16xi32>
          %parallel_loop3A_1740 = arith.constant 3 : i32
          %parallel_loop3A_1741 = vector.broadcast %parallel_loop3A_1740 : i32 to vector<16xi32>
          %parallel_loop3A_1742 = arith.addi %parallel_loop3A_1645, %parallel_loop3A_1741 : vector<16xi32>
          %parallel_loop3A_1743 = arith.constant 1.000000e+00 : f32
          %parallel_loop3A_1744 = vector.broadcast %parallel_loop3A_1743 : f32 to vector<16xf32>
          %parallel_loop3A_1745 = arith.subf %parallel_loop3A_1647, %parallel_loop3A_1744 : vector<16xf32>
          %parallel_loop3A_1746 = arith.constant 1.000000e+00 : f32
          %parallel_loop3A_1747 = vector.broadcast %parallel_loop3A_1746 : f32 to vector<16xf32>
          %parallel_loop3A_1748 = arith.subf %parallel_loop3A_1648, %parallel_loop3A_1747 : vector<16xf32>
          %parallel_loop3A_1749 = arith.mulf %parallel_loop3A_1745, %parallel_loop3A_1745 : vector<16xf32>
          %parallel_loop3A_1750 = arith.mulf %parallel_loop3A_1748, %parallel_loop3A_1748 : vector<16xf32>
          %parallel_loop3A_1751 = arith.constant 2 : i32
          %parallel_loop3A_1752 = vector.broadcast %parallel_loop3A_1751 : i32 to vector<16xi32>
          %parallel_loop3A_1753 = arith.addi %parallel_loop3A_1658, %parallel_loop3A_1752 : vector<16xi32>
          %parallel_loop3A_1754 = arith.constant 0 : i32
          %parallel_loop3A_1755 = arith.constant 175 : i32
          %parallel_loop3A_1756 = vector.broadcast %parallel_loop3A_1754 : i32 to vector<16xi32>
          %parallel_loop3A_1757 = arith.maxsi %parallel_loop3A_1756, %parallel_loop3A_1753 : vector<16xi32>
          %parallel_loop3A_1758 = vector.broadcast %parallel_loop3A_1755 : i32 to vector<16xi32>
          %parallel_loop3A_1759 = arith.minsi %parallel_loop3A_1758, %parallel_loop3A_1757 : vector<16xi32>
          %parallel_loop3A_1760 = arith.constant 516 : i32
          %parallel_loop3A_1761 = vector.broadcast %parallel_loop3A_1760 : i32 to vector<16xi32>
          %parallel_loop3A_1762 = arith.muli %parallel_loop3A_1759, %parallel_loop3A_1761 : vector<16xi32>
          %parallel_loop3A_1763 = arith.constant 4 : i32
          %parallel_loop3A_1764 = vector.broadcast %parallel_loop3A_1763 : i32 to vector<16xi32>
          %parallel_loop3A_1765 = arith.addi %parallel_loop3A_1645, %parallel_loop3A_1764 : vector<16xi32>
          %parallel_loop3A_1766 = arith.constant 2.000000e+00 : f32
          %parallel_loop3A_1767 = vector.broadcast %parallel_loop3A_1766 : f32 to vector<16xf32>
          %parallel_loop3A_1768 = arith.subf %parallel_loop3A_1647, %parallel_loop3A_1767 : vector<16xf32>
          %parallel_loop3A_1769 = arith.constant 2.000000e+00 : f32
          %parallel_loop3A_1770 = vector.broadcast %parallel_loop3A_1769 : f32 to vector<16xf32>
          %parallel_loop3A_1771 = arith.subf %parallel_loop3A_1648, %parallel_loop3A_1770 : vector<16xf32>
          %parallel_loop3A_1772 = arith.mulf %parallel_loop3A_1768, %parallel_loop3A_1768 : vector<16xf32>
          %parallel_loop3A_1773 = arith.mulf %parallel_loop3A_1771, %parallel_loop3A_1771 : vector<16xf32>
          %parallel_loop3A_1774 = arith.addi %parallel_loop3A_1670, %parallel_loop3A_1719 : vector<16xi32>
          %parallel_loop3A_1775 = tpu.vector_load_idx %arg8[%parallel_loop3A_1774] : memref<90816xi32, #tpu.memory_space<vmem>>[vector<16xi32>], vector<16xi32>,
          %parallel_loop3A_1776 = vector.bitcast %parallel_loop3A_1775 : vector<16xi32> to vector<16xf32>
          %parallel_loop3A_1777 = arith.addf %parallel_loop3A_1680, %parallel_loop3A_1727 : vector<16xf32>
          %parallel_loop3A_1778 = arith.cmpf olt, %parallel_loop3A_1777, %parallel_loop3A_1654 : vector<16xf32>
          %parallel_loop3A_1779 = arith.constant 0.000000e+00 : f32
          %parallel_loop3A_1780 = vector.broadcast %parallel_loop3A_1779 : f32 to vector<16xf32>
          %parallel_loop3A_1781 = arith.select %parallel_loop3A_1778, %parallel_loop3A_1776, %parallel_loop3A_1780 : vector<16xi1>, vector<16xf32>
          %parallel_loop3A_1782 = arith.addi %parallel_loop3A_1693, %parallel_loop3A_1696 : vector<16xi32>
          %parallel_loop3A_1783 = tpu.vector_load_idx %arg8[%parallel_loop3A_1782] : memref<90816xi32, #tpu.memory_space<vmem>>[vector<16xi32>], vector<16xi32>,
          %parallel_loop3A_1784 = vector.bitcast %parallel_loop3A_1783 : vector<16xi32> to vector<16xf32>
          %parallel_loop3A_1785 = arith.addf %parallel_loop3A_1703, %parallel_loop3A_1704 : vector<16xf32>
          %parallel_loop3A_1786 = arith.cmpf olt, %parallel_loop3A_1785, %parallel_loop3A_1654 : vector<16xf32>
          %parallel_loop3A_1787 = arith.constant 0.000000e+00 : f32
          %parallel_loop3A_1788 = vector.broadcast %parallel_loop3A_1787 : f32 to vector<16xf32>
          %parallel_loop3A_1789 = arith.select %parallel_loop3A_1786, %parallel_loop3A_1784, %parallel_loop3A_1788 : vector<16xi1>, vector<16xf32>
          %parallel_loop3A_1790 = arith.addi %parallel_loop3A_1693, %parallel_loop3A_1719 : vector<16xi32>
          %parallel_loop3A_1791 = tpu.vector_load_idx %arg8[%parallel_loop3A_1790] : memref<90816xi32, #tpu.memory_space<vmem>>[vector<16xi32>], vector<16xi32>,
          %parallel_loop3A_1792 = vector.bitcast %parallel_loop3A_1791 : vector<16xi32> to vector<16xf32>
          %parallel_loop3A_1793 = arith.addf %parallel_loop3A_1703, %parallel_loop3A_1727 : vector<16xf32>
          %parallel_loop3A_1794 = arith.cmpf olt, %parallel_loop3A_1793, %parallel_loop3A_1654 : vector<16xf32>
          %parallel_loop3A_1795 = arith.constant 0.000000e+00 : f32
          %parallel_loop3A_1796 = vector.broadcast %parallel_loop3A_1795 : f32 to vector<16xf32>
          %parallel_loop3A_1797 = arith.select %parallel_loop3A_1794, %parallel_loop3A_1792, %parallel_loop3A_1796 : vector<16xi1>, vector<16xf32>
          %parallel_loop3A_1798 = arith.addi %parallel_loop3A_1693, %parallel_loop3A_1742 : vector<16xi32>
          %parallel_loop3A_1799 = tpu.vector_load_idx %arg8[%parallel_loop3A_1798] : memref<90816xi32, #tpu.memory_space<vmem>>[vector<16xi32>], vector<16xi32>,
          %parallel_loop3A_1800 = vector.bitcast %parallel_loop3A_1799 : vector<16xi32> to vector<16xf32>
          %parallel_loop3A_1801 = arith.addf %parallel_loop3A_1703, %parallel_loop3A_1750 : vector<16xf32>
          %parallel_loop3A_1802 = arith.cmpf olt, %parallel_loop3A_1801, %parallel_loop3A_1654 : vector<16xf32>
          %parallel_loop3A_1803 = arith.constant 0.000000e+00 : f32
          %parallel_loop3A_1804 = vector.broadcast %parallel_loop3A_1803 : f32 to vector<16xf32>
          %parallel_loop3A_1805 = arith.select %parallel_loop3A_1802, %parallel_loop3A_1800, %parallel_loop3A_1804 : vector<16xi1>, vector<16xf32>
          %parallel_loop3A_1806 = arith.addi %parallel_loop3A_1716, %parallel_loop3A_1673 : vector<16xi32>
          %parallel_loop3A_1807 = tpu.vector_load_idx %arg8[%parallel_loop3A_1806] : memref<90816xi32, #tpu.memory_space<vmem>>[vector<16xi32>], vector<16xi32>,
          %parallel_loop3A_1808 = vector.bitcast %parallel_loop3A_1807 : vector<16xi32> to vector<16xf32>
          %parallel_loop3A_1809 = arith.addf %parallel_loop3A_1726, %parallel_loop3A_1681 : vector<16xf32>
          %parallel_loop3A_1810 = arith.cmpf olt, %parallel_loop3A_1809, %parallel_loop3A_1654 : vector<16xf32>
          %parallel_loop3A_1811 = arith.constant 0.000000e+00 : f32
          %parallel_loop3A_1812 = vector.broadcast %parallel_loop3A_1811 : f32 to vector<16xf32>
          %parallel_loop3A_1813 = arith.select %parallel_loop3A_1810, %parallel_loop3A_1808, %parallel_loop3A_1812 : vector<16xi1>, vector<16xf32>
          %parallel_loop3A_1814 = arith.addi %parallel_loop3A_1716, %parallel_loop3A_1696 : vector<16xi32>
          %parallel_loop3A_1815 = tpu.vector_load_idx %arg8[%parallel_loop3A_1814] : memref<90816xi32, #tpu.memory_space<vmem>>[vector<16xi32>], vector<16xi32>,
          %parallel_loop3A_1816 = vector.bitcast %parallel_loop3A_1815 : vector<16xi32> to vector<16xf32>
          %parallel_loop3A_1817 = arith.addf %parallel_loop3A_1726, %parallel_loop3A_1704 : vector<16xf32>
          %parallel_loop3A_1818 = arith.cmpf olt, %parallel_loop3A_1817, %parallel_loop3A_1654 : vector<16xf32>
          %parallel_loop3A_1819 = arith.constant 0.000000e+00 : f32
          %parallel_loop3A_1820 = vector.broadcast %parallel_loop3A_1819 : f32 to vector<16xf32>
          %parallel_loop3A_1821 = arith.select %parallel_loop3A_1818, %parallel_loop3A_1816, %parallel_loop3A_1820 : vector<16xi1>, vector<16xf32>
          %parallel_loop3A_1822 = arith.addi %parallel_loop3A_1716, %parallel_loop3A_1719 : vector<16xi32>
          %parallel_loop3A_1823 = tpu.vector_load_idx %arg8[%parallel_loop3A_1822] : memref<90816xi32, #tpu.memory_space<vmem>>[vector<16xi32>], vector<16xi32>,
          %parallel_loop3A_1824 = vector.bitcast %parallel_loop3A_1823 : vector<16xi32> to vector<16xf32>
          %parallel_loop3A_1825 = arith.addf %parallel_loop3A_1726, %parallel_loop3A_1727 : vector<16xf32>
          %parallel_loop3A_1826 = arith.cmpf olt, %parallel_loop3A_1825, %parallel_loop3A_1654 : vector<16xf32>
          %parallel_loop3A_1827 = arith.constant 0.000000e+00 : f32
          %parallel_loop3A_1828 = vector.broadcast %parallel_loop3A_1827 : f32 to vector<16xf32>
          %parallel_loop3A_1829 = arith.select %parallel_loop3A_1826, %parallel_loop3A_1824, %parallel_loop3A_1828 : vector<16xi1>, vector<16xf32>
          %parallel_loop3A_1830 = arith.addi %parallel_loop3A_1716, %parallel_loop3A_1742 : vector<16xi32>
          %parallel_loop3A_1831 = tpu.vector_load_idx %arg8[%parallel_loop3A_1830] : memref<90816xi32, #tpu.memory_space<vmem>>[vector<16xi32>], vector<16xi32>,
          %parallel_loop3A_1832 = vector.bitcast %parallel_loop3A_1831 : vector<16xi32> to vector<16xf32>
          %parallel_loop3A_1833 = arith.addf %parallel_loop3A_1726, %parallel_loop3A_1750 : vector<16xf32>
          %parallel_loop3A_1834 = arith.cmpf olt, %parallel_loop3A_1833, %parallel_loop3A_1654 : vector<16xf32>
          %parallel_loop3A_1835 = arith.constant 0.000000e+00 : f32
          %parallel_loop3A_1836 = vector.broadcast %parallel_loop3A_1835 : f32 to vector<16xf32>
          %parallel_loop3A_1837 = arith.select %parallel_loop3A_1834, %parallel_loop3A_1832, %parallel_loop3A_1836 : vector<16xi1>, vector<16xf32>
          %parallel_loop3A_1838 = arith.addi %parallel_loop3A_1716, %parallel_loop3A_1765 : vector<16xi32>
          %parallel_loop3A_1839 = tpu.vector_load_idx %arg8[%parallel_loop3A_1838] : memref<90816xi32, #tpu.memory_space<vmem>>[vector<16xi32>], vector<16xi32>,
          %parallel_loop3A_1840 = vector.bitcast %parallel_loop3A_1839 : vector<16xi32> to vector<16xf32>
          %parallel_loop3A_1841 = arith.addf %parallel_loop3A_1726, %parallel_loop3A_1773 : vector<16xf32>
          %parallel_loop3A_1842 = arith.cmpf olt, %parallel_loop3A_1841, %parallel_loop3A_1654 : vector<16xf32>
          %parallel_loop3A_1843 = arith.constant 0.000000e+00 : f32
          %parallel_loop3A_1844 = vector.broadcast %parallel_loop3A_1843 : f32 to vector<16xf32>
          %parallel_loop3A_1845 = arith.select %parallel_loop3A_1842, %parallel_loop3A_1840, %parallel_loop3A_1844 : vector<16xi1>, vector<16xf32>
          %parallel_loop3A_1846 = arith.addi %parallel_loop3A_1739, %parallel_loop3A_1696 : vector<16xi32>
          %parallel_loop3A_1847 = tpu.vector_load_idx %arg8[%parallel_loop3A_1846] : memref<90816xi32, #tpu.memory_space<vmem>>[vector<16xi32>], vector<16xi32>,
          %parallel_loop3A_1848 = vector.bitcast %parallel_loop3A_1847 : vector<16xi32> to vector<16xf32>
          %parallel_loop3A_1849 = arith.addf %parallel_loop3A_1749, %parallel_loop3A_1704 : vector<16xf32>
          %parallel_loop3A_1850 = arith.cmpf olt, %parallel_loop3A_1849, %parallel_loop3A_1654 : vector<16xf32>
          %parallel_loop3A_1851 = arith.constant 0.000000e+00 : f32
          %parallel_loop3A_1852 = vector.broadcast %parallel_loop3A_1851 : f32 to vector<16xf32>
          %parallel_loop3A_1853 = arith.select %parallel_loop3A_1850, %parallel_loop3A_1848, %parallel_loop3A_1852 : vector<16xi1>, vector<16xf32>
          %parallel_loop3A_1854 = arith.addi %parallel_loop3A_1739, %parallel_loop3A_1719 : vector<16xi32>
          %parallel_loop3A_1855 = tpu.vector_load_idx %arg8[%parallel_loop3A_1854] : memref<90816xi32, #tpu.memory_space<vmem>>[vector<16xi32>], vector<16xi32>,
          %parallel_loop3A_1856 = vector.bitcast %parallel_loop3A_1855 : vector<16xi32> to vector<16xf32>
          %parallel_loop3A_1857 = arith.addf %parallel_loop3A_1749, %parallel_loop3A_1727 : vector<16xf32>
          %parallel_loop3A_1858 = arith.cmpf olt, %parallel_loop3A_1857, %parallel_loop3A_1654 : vector<16xf32>
          %parallel_loop3A_1859 = arith.constant 0.000000e+00 : f32
          %parallel_loop3A_1860 = vector.broadcast %parallel_loop3A_1859 : f32 to vector<16xf32>
          %parallel_loop3A_1861 = arith.select %parallel_loop3A_1858, %parallel_loop3A_1856, %parallel_loop3A_1860 : vector<16xi1>, vector<16xf32>
          %parallel_loop3A_1862 = arith.addi %parallel_loop3A_1739, %parallel_loop3A_1742 : vector<16xi32>
          %parallel_loop3A_1863 = tpu.vector_load_idx %arg8[%parallel_loop3A_1862] : memref<90816xi32, #tpu.memory_space<vmem>>[vector<16xi32>], vector<16xi32>,
          %parallel_loop3A_1864 = vector.bitcast %parallel_loop3A_1863 : vector<16xi32> to vector<16xf32>
          %parallel_loop3A_1865 = arith.addf %parallel_loop3A_1749, %parallel_loop3A_1750 : vector<16xf32>
          %parallel_loop3A_1866 = arith.cmpf olt, %parallel_loop3A_1865, %parallel_loop3A_1654 : vector<16xf32>
          %parallel_loop3A_1867 = arith.constant 0.000000e+00 : f32
          %parallel_loop3A_1868 = vector.broadcast %parallel_loop3A_1867 : f32 to vector<16xf32>
          %parallel_loop3A_1869 = arith.select %parallel_loop3A_1866, %parallel_loop3A_1864, %parallel_loop3A_1868 : vector<16xi1>, vector<16xf32>
          %parallel_loop3A_1870 = arith.addi %parallel_loop3A_1762, %parallel_loop3A_1719 : vector<16xi32>
          %parallel_loop3A_1871 = tpu.vector_load_idx %arg8[%parallel_loop3A_1870] : memref<90816xi32, #tpu.memory_space<vmem>>[vector<16xi32>], vector<16xi32>,
          %parallel_loop3A_1872 = vector.bitcast %parallel_loop3A_1871 : vector<16xi32> to vector<16xf32>
          %parallel_loop3A_1873 = arith.addf %parallel_loop3A_1772, %parallel_loop3A_1727 : vector<16xf32>
          %parallel_loop3A_1874 = arith.cmpf olt, %parallel_loop3A_1873, %parallel_loop3A_1654 : vector<16xf32>
          %parallel_loop3A_1875 = arith.constant 0.000000e+00 : f32
          %parallel_loop3A_1876 = vector.broadcast %parallel_loop3A_1875 : f32 to vector<16xf32>
          %parallel_loop3A_1877 = arith.select %parallel_loop3A_1874, %parallel_loop3A_1872, %parallel_loop3A_1876 : vector<16xi1>, vector<16xf32>
          %parallel_loop3A_1878 = arith.maximumf %parallel_loop3A_1781, %parallel_loop3A_1789 : vector<16xf32>
          %parallel_loop3A_1879 = arith.maximumf %parallel_loop3A_1797, %parallel_loop3A_1805 : vector<16xf32>
          %parallel_loop3A_1880 = arith.maximumf %parallel_loop3A_1813, %parallel_loop3A_1821 : vector<16xf32>
          %parallel_loop3A_1881 = arith.maximumf %parallel_loop3A_1829, %parallel_loop3A_1837 : vector<16xf32>
          %parallel_loop3A_1882 = arith.maximumf %parallel_loop3A_1845, %parallel_loop3A_1853 : vector<16xf32>
          %parallel_loop3A_1883 = arith.maximumf %parallel_loop3A_1861, %parallel_loop3A_1869 : vector<16xf32>
          %parallel_loop3A_1884 = arith.maximumf %parallel_loop3A_1878, %parallel_loop3A_1879 : vector<16xf32>
          %parallel_loop3A_1885 = arith.maximumf %parallel_loop3A_1880, %parallel_loop3A_1881 : vector<16xf32>
          %parallel_loop3A_1886 = arith.maximumf %parallel_loop3A_1882, %parallel_loop3A_1883 : vector<16xf32>
          %parallel_loop3A_1887 = arith.maximumf %parallel_loop3A_1884, %parallel_loop3A_1885 : vector<16xf32>
          %parallel_loop3A_1888 = arith.maximumf %parallel_loop3A_1886, %parallel_loop3A_1877 : vector<16xf32>
          %parallel_loop3A_1889 = arith.maximumf %parallel_loop3A_1887, %parallel_loop3A_1888 : vector<16xf32>
          %parallel_loop3A_1890 = arith.addf %while3A_1574, %parallel_loop3A_1889 : vector<16xf32>
          scf.yield %parallel_loop3A_1890 : vector<16xf32>
        }
        %parallel_loop3A_1569 = arith.constant 1 : i32
        %parallel_loop3A_1570 = scf.for %while3A = %parallel_loop3A_1566 to %parallel_loop3A_1562 step %parallel_loop3A_1569 iter_args(%while3A_1574 = %parallel_loop3A_1568) -> (vector<16xf32>)  : i32 {
          %parallel_loop3A_1575 = arith.index_cast %while3A : i32 to index
          %parallel_loop3A_1576 = arith.constant 0 : index
          %parallel_loop3A_1577 = tpu.vector_load %arg11[%parallel_loop3A_1575, %parallel_loop3A_1576] {strides = array<i32>} : memref<134x16xf32, #tpu.memory_space<vmem>>, vector<16xf32>,
          %parallel_loop3A_1578 = arith.constant 64 : i32
          %parallel_loop3A_1579 = arith.addi %while3A, %parallel_loop3A_1578 : i32
          %parallel_loop3A_1580 = arith.index_cast %parallel_loop3A_1579 : i32 to index
          %parallel_loop3A_1581 = arith.constant 0 : index
          %parallel_loop3A_1582 = tpu.vector_load %arg11[%parallel_loop3A_1580, %parallel_loop3A_1581] {strides = array<i32>} : memref<134x16xf32, #tpu.memory_space<vmem>>, vector<16xf32>,
          %parallel_loop3A_1583 = arith.mulf %parallel_loop3A_1451, %parallel_loop3A_1577 : vector<16xf32>
          %parallel_loop3A_1584 = arith.mulf %parallel_loop3A_1461, %parallel_loop3A_1582 : vector<16xf32>
          %parallel_loop3A_1585 = arith.addf %parallel_loop3A_1583, %parallel_loop3A_1584 : vector<16xf32>
          %parallel_loop3A_1586 = arith.constant 0.000000e+00 : f32
          %parallel_loop3A_1587 = arith.constant 5.110000e+02 : f32
          %parallel_loop3A_1588 = vector.broadcast %parallel_loop3A_1586 : f32 to vector<16xf32>
          %parallel_loop3A_1589 = arith.maximumf %parallel_loop3A_1588, %parallel_loop3A_1585 : vector<16xf32>
          %parallel_loop3A_1590 = vector.broadcast %parallel_loop3A_1587 : f32 to vector<16xf32>
          %parallel_loop3A_1591 = arith.minimumf %parallel_loop3A_1590, %parallel_loop3A_1589 : vector<16xf32>
          %parallel_loop3A_1592 = arith.mulf %parallel_loop3A_1456, %parallel_loop3A_1577 : vector<16xf32>
          %parallel_loop3A_1593 = arith.mulf %parallel_loop3A_1466, %parallel_loop3A_1582 : vector<16xf32>
          %parallel_loop3A_1594 = arith.addf %parallel_loop3A_1592, %parallel_loop3A_1593 : vector<16xf32>
          %parallel_loop3A_1595 = arith.constant 0.000000e+00 : f32
          %parallel_loop3A_1596 = arith.constant 5.110000e+02 : f32
          %parallel_loop3A_1597 = vector.broadcast %parallel_loop3A_1595 : f32 to vector<16xf32>
          %parallel_loop3A_1598 = arith.maximumf %parallel_loop3A_1597, %parallel_loop3A_1594 : vector<16xf32>
          %parallel_loop3A_1599 = vector.broadcast %parallel_loop3A_1596 : f32 to vector<16xf32>
          %parallel_loop3A_1600 = arith.minimumf %parallel_loop3A_1599, %parallel_loop3A_1598 : vector<16xf32>
          %parallel_loop3A_1601 = arith.constant 5.000000e-01 : f32
          %parallel_loop3A_1602 = vector.broadcast %parallel_loop3A_1601 : f32 to vector<16xf32>
          %parallel_loop3A_1603 = arith.addf %parallel_loop3A_1591, %parallel_loop3A_1602 : vector<16xf32>
          %parallel_loop3A_1604 = arith.fptosi %parallel_loop3A_1603 : vector<16xf32> to vector<16xi32>
          %parallel_loop3A_1605 = arith.sitofp %parallel_loop3A_1604 : vector<16xi32> to vector<16xf32>
          %parallel_loop3A_1606 = arith.subf %parallel_loop3A_1605, %parallel_loop3A_1591 : vector<16xf32>
          %parallel_loop3A_1607 = arith.constant 5.000000e-01 : f32
          %parallel_loop3A_1608 = vector.broadcast %parallel_loop3A_1607 : f32 to vector<16xf32>
          %parallel_loop3A_1609 = arith.cmpf oeq, %parallel_loop3A_1606, %parallel_loop3A_1608 : vector<16xf32>
          %parallel_loop3A_1610 = arith.constant 1 : i32
          %parallel_loop3A_1611 = vector.broadcast %parallel_loop3A_1610 : i32 to vector<16xi32>
          %parallel_loop3A_1612 = arith.andi %parallel_loop3A_1604, %parallel_loop3A_1611 : vector<16xi32>
          %parallel_loop3A_1613 = arith.constant 1 : i32
          %parallel_loop3A_1614 = vector.broadcast %parallel_loop3A_1613 : i32 to vector<16xi32>
          %parallel_loop3A_1615 = arith.cmpi eq, %parallel_loop3A_1612, %parallel_loop3A_1614 : vector<16xi32>
          %parallel_loop3A_1616 = arith.andi %parallel_loop3A_1609, %parallel_loop3A_1615 : vector<16xi1>
          %parallel_loop3A_1617 = arith.constant 1 : i32
          %parallel_loop3A_1618 = arith.constant 0 : i32
          %parallel_loop3A_1619 = vector.broadcast %parallel_loop3A_1617 : i32 to vector<16xi32>
          %parallel_loop3A_1620 = vector.broadcast %parallel_loop3A_1618 : i32 to vector<16xi32>
          %parallel_loop3A_1621 = arith.select %parallel_loop3A_1616, %parallel_loop3A_1619, %parallel_loop3A_1620 : vector<16xi1>, vector<16xi32>
          %parallel_loop3A_1622 = arith.subi %parallel_loop3A_1604, %parallel_loop3A_1621 : vector<16xi32>
          %parallel_loop3A_1623 = arith.sitofp %parallel_loop3A_1622 : vector<16xi32> to vector<16xf32>
          %parallel_loop3A_1624 = arith.constant 5.000000e-01 : f32
          %parallel_loop3A_1625 = vector.broadcast %parallel_loop3A_1624 : f32 to vector<16xf32>
          %parallel_loop3A_1626 = arith.addf %parallel_loop3A_1600, %parallel_loop3A_1625 : vector<16xf32>
          %parallel_loop3A_1627 = arith.fptosi %parallel_loop3A_1626 : vector<16xf32> to vector<16xi32>
          %parallel_loop3A_1628 = arith.sitofp %parallel_loop3A_1627 : vector<16xi32> to vector<16xf32>
          %parallel_loop3A_1629 = arith.subf %parallel_loop3A_1628, %parallel_loop3A_1600 : vector<16xf32>
          %parallel_loop3A_1630 = arith.constant 5.000000e-01 : f32
          %parallel_loop3A_1631 = vector.broadcast %parallel_loop3A_1630 : f32 to vector<16xf32>
          %parallel_loop3A_1632 = arith.cmpf oeq, %parallel_loop3A_1629, %parallel_loop3A_1631 : vector<16xf32>
          %parallel_loop3A_1633 = arith.constant 1 : i32
          %parallel_loop3A_1634 = vector.broadcast %parallel_loop3A_1633 : i32 to vector<16xi32>
          %parallel_loop3A_1635 = arith.andi %parallel_loop3A_1627, %parallel_loop3A_1634 : vector<16xi32>
          %parallel_loop3A_1636 = arith.constant 1 : i32
          %parallel_loop3A_1637 = vector.broadcast %parallel_loop3A_1636 : i32 to vector<16xi32>
          %parallel_loop3A_1638 = arith.cmpi eq, %parallel_loop3A_1635, %parallel_loop3A_1637 : vector<16xi32>
          %parallel_loop3A_1639 = arith.andi %parallel_loop3A_1632, %parallel_loop3A_1638 : vector<16xi1>
          %parallel_loop3A_1640 = arith.constant 1 : i32
          %parallel_loop3A_1641 = arith.constant 0 : i32
          %parallel_loop3A_1642 = vector.broadcast %parallel_loop3A_1640 : i32 to vector<16xi32>
          %parallel_loop3A_1643 = vector.broadcast %parallel_loop3A_1641 : i32 to vector<16xi32>
          %parallel_loop3A_1644 = arith.select %parallel_loop3A_1639, %parallel_loop3A_1642, %parallel_loop3A_1643 : vector<16xi1>, vector<16xi32>
          %parallel_loop3A_1645 = arith.subi %parallel_loop3A_1627, %parallel_loop3A_1644 : vector<16xi32>
          %parallel_loop3A_1646 = arith.sitofp %parallel_loop3A_1645 : vector<16xi32> to vector<16xf32>
          %parallel_loop3A_1647 = arith.subf %parallel_loop3A_1591, %parallel_loop3A_1623 : vector<16xf32>
          %parallel_loop3A_1648 = arith.subf %parallel_loop3A_1600, %parallel_loop3A_1646 : vector<16xf32>
          %parallel_loop3A_1649 = arith.cmpi sge, %parallel_loop3A_1622, %get3A_1428 : vector<16xi32>
          %parallel_loop3A_1650 = arith.cmpi slt, %parallel_loop3A_1622, %get3A_1433 : vector<16xi32>
          %parallel_loop3A_1651 = arith.andi %parallel_loop3A_1649, %parallel_loop3A_1650 : vector<16xi1>
          %parallel_loop3A_1652 = arith.constant -1.000000e+00 : f32
          %parallel_loop3A_1653 = vector.broadcast %parallel_loop3A_1652 : f32 to vector<16xf32>
          %parallel_loop3A_1654 = arith.select %parallel_loop3A_1651, %parallel_loop3A_1471, %parallel_loop3A_1653 : vector<16xi1>, vector<16xf32>
          %parallel_loop3A_1655 = arith.constant 2 : i32
          %parallel_loop3A_1656 = vector.broadcast %parallel_loop3A_1655 : i32 to vector<16xi32>
          %parallel_loop3A_1657 = arith.addi %parallel_loop3A_1622, %parallel_loop3A_1656 : vector<16xi32>
          %parallel_loop3A_1658 = arith.subi %parallel_loop3A_1657, %get3A_1428 : vector<16xi32>
          %parallel_loop3A_1659 = arith.constant -2 : i32
          %parallel_loop3A_1660 = vector.broadcast %parallel_loop3A_1659 : i32 to vector<16xi32>
          %parallel_loop3A_1661 = arith.addi %parallel_loop3A_1658, %parallel_loop3A_1660 : vector<16xi32>
          %parallel_loop3A_1662 = arith.constant 0 : i32
          %parallel_loop3A_1663 = arith.constant 175 : i32
          %parallel_loop3A_1664 = vector.broadcast %parallel_loop3A_1662 : i32 to vector<16xi32>
          %parallel_loop3A_1665 = arith.maxsi %parallel_loop3A_1664, %parallel_loop3A_1661 : vector<16xi32>
          %parallel_loop3A_1666 = vector.broadcast %parallel_loop3A_1663 : i32 to vector<16xi32>
          %parallel_loop3A_1667 = arith.minsi %parallel_loop3A_1666, %parallel_loop3A_1665 : vector<16xi32>
          %parallel_loop3A_1668 = arith.constant 516 : i32
          %parallel_loop3A_1669 = vector.broadcast %parallel_loop3A_1668 : i32 to vector<16xi32>
          %parallel_loop3A_1670 = arith.muli %parallel_loop3A_1667, %parallel_loop3A_1669 : vector<16xi32>
          %parallel_loop3A_1671 = arith.constant 0 : i32
          %parallel_loop3A_1672 = vector.broadcast %parallel_loop3A_1671 : i32 to vector<16xi32>
          %parallel_loop3A_1673 = arith.addi %parallel_loop3A_1645, %parallel_loop3A_1672 : vector<16xi32>
          %parallel_loop3A_1674 = arith.constant -2.000000e+00 : f32
          %parallel_loop3A_1675 = vector.broadcast %parallel_loop3A_1674 : f32 to vector<16xf32>
          %parallel_loop3A_1676 = arith.subf %parallel_loop3A_1647, %parallel_loop3A_1675 : vector<16xf32>
          %parallel_loop3A_1677 = arith.constant -2.000000e+00 : f32
          %parallel_loop3A_1678 = vector.broadcast %parallel_loop3A_1677 : f32 to vector<16xf32>
          %parallel_loop3A_1679 = arith.subf %parallel_loop3A_1648, %parallel_loop3A_1678 : vector<16xf32>
          %parallel_loop3A_1680 = arith.mulf %parallel_loop3A_1676, %parallel_loop3A_1676 : vector<16xf32>
          %parallel_loop3A_1681 = arith.mulf %parallel_loop3A_1679, %parallel_loop3A_1679 : vector<16xf32>
          %parallel_loop3A_1682 = arith.constant -1 : i32
          %parallel_loop3A_1683 = vector.broadcast %parallel_loop3A_1682 : i32 to vector<16xi32>
          %parallel_loop3A_1684 = arith.addi %parallel_loop3A_1658, %parallel_loop3A_1683 : vector<16xi32>
          %parallel_loop3A_1685 = arith.constant 0 : i32
          %parallel_loop3A_1686 = arith.constant 175 : i32
          %parallel_loop3A_1687 = vector.broadcast %parallel_loop3A_1685 : i32 to vector<16xi32>
          %parallel_loop3A_1688 = arith.maxsi %parallel_loop3A_1687, %parallel_loop3A_1684 : vector<16xi32>
          %parallel_loop3A_1689 = vector.broadcast %parallel_loop3A_1686 : i32 to vector<16xi32>
          %parallel_loop3A_1690 = arith.minsi %parallel_loop3A_1689, %parallel_loop3A_1688 : vector<16xi32>
          %parallel_loop3A_1691 = arith.constant 516 : i32
          %parallel_loop3A_1692 = vector.broadcast %parallel_loop3A_1691 : i32 to vector<16xi32>
          %parallel_loop3A_1693 = arith.muli %parallel_loop3A_1690, %parallel_loop3A_1692 : vector<16xi32>
          %parallel_loop3A_1694 = arith.constant 1 : i32
          %parallel_loop3A_1695 = vector.broadcast %parallel_loop3A_1694 : i32 to vector<16xi32>
          %parallel_loop3A_1696 = arith.addi %parallel_loop3A_1645, %parallel_loop3A_1695 : vector<16xi32>
          %parallel_loop3A_1697 = arith.constant -1.000000e+00 : f32
          %parallel_loop3A_1698 = vector.broadcast %parallel_loop3A_1697 : f32 to vector<16xf32>
          %parallel_loop3A_1699 = arith.subf %parallel_loop3A_1647, %parallel_loop3A_1698 : vector<16xf32>
          %parallel_loop3A_1700 = arith.constant -1.000000e+00 : f32
          %parallel_loop3A_1701 = vector.broadcast %parallel_loop3A_1700 : f32 to vector<16xf32>
          %parallel_loop3A_1702 = arith.subf %parallel_loop3A_1648, %parallel_loop3A_1701 : vector<16xf32>
          %parallel_loop3A_1703 = arith.mulf %parallel_loop3A_1699, %parallel_loop3A_1699 : vector<16xf32>
          %parallel_loop3A_1704 = arith.mulf %parallel_loop3A_1702, %parallel_loop3A_1702 : vector<16xf32>
          %parallel_loop3A_1705 = arith.constant 0 : i32
          %parallel_loop3A_1706 = vector.broadcast %parallel_loop3A_1705 : i32 to vector<16xi32>
          %parallel_loop3A_1707 = arith.addi %parallel_loop3A_1658, %parallel_loop3A_1706 : vector<16xi32>
          %parallel_loop3A_1708 = arith.constant 0 : i32
          %parallel_loop3A_1709 = arith.constant 175 : i32
          %parallel_loop3A_1710 = vector.broadcast %parallel_loop3A_1708 : i32 to vector<16xi32>
          %parallel_loop3A_1711 = arith.maxsi %parallel_loop3A_1710, %parallel_loop3A_1707 : vector<16xi32>
          %parallel_loop3A_1712 = vector.broadcast %parallel_loop3A_1709 : i32 to vector<16xi32>
          %parallel_loop3A_1713 = arith.minsi %parallel_loop3A_1712, %parallel_loop3A_1711 : vector<16xi32>
          %parallel_loop3A_1714 = arith.constant 516 : i32
          %parallel_loop3A_1715 = vector.broadcast %parallel_loop3A_1714 : i32 to vector<16xi32>
          %parallel_loop3A_1716 = arith.muli %parallel_loop3A_1713, %parallel_loop3A_1715 : vector<16xi32>
          %parallel_loop3A_1717 = arith.constant 2 : i32
          %parallel_loop3A_1718 = vector.broadcast %parallel_loop3A_1717 : i32 to vector<16xi32>
          %parallel_loop3A_1719 = arith.addi %parallel_loop3A_1645, %parallel_loop3A_1718 : vector<16xi32>
          %parallel_loop3A_1720 = arith.constant 0.000000e+00 : f32
          %parallel_loop3A_1721 = vector.broadcast %parallel_loop3A_1720 : f32 to vector<16xf32>
          %parallel_loop3A_1722 = arith.subf %parallel_loop3A_1647, %parallel_loop3A_1721 : vector<16xf32>
          %parallel_loop3A_1723 = arith.constant 0.000000e+00 : f32
          %parallel_loop3A_1724 = vector.broadcast %parallel_loop3A_1723 : f32 to vector<16xf32>
          %parallel_loop3A_1725 = arith.subf %parallel_loop3A_1648, %parallel_loop3A_1724 : vector<16xf32>
          %parallel_loop3A_1726 = arith.mulf %parallel_loop3A_1722, %parallel_loop3A_1722 : vector<16xf32>
          %parallel_loop3A_1727 = arith.mulf %parallel_loop3A_1725, %parallel_loop3A_1725 : vector<16xf32>
          %parallel_loop3A_1728 = arith.constant 1 : i32
          %parallel_loop3A_1729 = vector.broadcast %parallel_loop3A_1728 : i32 to vector<16xi32>
          %parallel_loop3A_1730 = arith.addi %parallel_loop3A_1658, %parallel_loop3A_1729 : vector<16xi32>
          %parallel_loop3A_1731 = arith.constant 0 : i32
          %parallel_loop3A_1732 = arith.constant 175 : i32
          %parallel_loop3A_1733 = vector.broadcast %parallel_loop3A_1731 : i32 to vector<16xi32>
          %parallel_loop3A_1734 = arith.maxsi %parallel_loop3A_1733, %parallel_loop3A_1730 : vector<16xi32>
          %parallel_loop3A_1735 = vector.broadcast %parallel_loop3A_1732 : i32 to vector<16xi32>
          %parallel_loop3A_1736 = arith.minsi %parallel_loop3A_1735, %parallel_loop3A_1734 : vector<16xi32>
          %parallel_loop3A_1737 = arith.constant 516 : i32
          %parallel_loop3A_1738 = vector.broadcast %parallel_loop3A_1737 : i32 to vector<16xi32>
          %parallel_loop3A_1739 = arith.muli %parallel_loop3A_1736, %parallel_loop3A_1738 : vector<16xi32>
          %parallel_loop3A_1740 = arith.constant 3 : i32
          %parallel_loop3A_1741 = vector.broadcast %parallel_loop3A_1740 : i32 to vector<16xi32>
          %parallel_loop3A_1742 = arith.addi %parallel_loop3A_1645, %parallel_loop3A_1741 : vector<16xi32>
          %parallel_loop3A_1743 = arith.constant 1.000000e+00 : f32
          %parallel_loop3A_1744 = vector.broadcast %parallel_loop3A_1743 : f32 to vector<16xf32>
          %parallel_loop3A_1745 = arith.subf %parallel_loop3A_1647, %parallel_loop3A_1744 : vector<16xf32>
          %parallel_loop3A_1746 = arith.constant 1.000000e+00 : f32
          %parallel_loop3A_1747 = vector.broadcast %parallel_loop3A_1746 : f32 to vector<16xf32>
          %parallel_loop3A_1748 = arith.subf %parallel_loop3A_1648, %parallel_loop3A_1747 : vector<16xf32>
          %parallel_loop3A_1749 = arith.mulf %parallel_loop3A_1745, %parallel_loop3A_1745 : vector<16xf32>
          %parallel_loop3A_1750 = arith.mulf %parallel_loop3A_1748, %parallel_loop3A_1748 : vector<16xf32>
          %parallel_loop3A_1751 = arith.constant 2 : i32
          %parallel_loop3A_1752 = vector.broadcast %parallel_loop3A_1751 : i32 to vector<16xi32>
          %parallel_loop3A_1753 = arith.addi %parallel_loop3A_1658, %parallel_loop3A_1752 : vector<16xi32>
          %parallel_loop3A_1754 = arith.constant 0 : i32
          %parallel_loop3A_1755 = arith.constant 175 : i32
          %parallel_loop3A_1756 = vector.broadcast %parallel_loop3A_1754 : i32 to vector<16xi32>
          %parallel_loop3A_1757 = arith.maxsi %parallel_loop3A_1756, %parallel_loop3A_1753 : vector<16xi32>
          %parallel_loop3A_1758 = vector.broadcast %parallel_loop3A_1755 : i32 to vector<16xi32>
          %parallel_loop3A_1759 = arith.minsi %parallel_loop3A_1758, %parallel_loop3A_1757 : vector<16xi32>
          %parallel_loop3A_1760 = arith.constant 516 : i32
          %parallel_loop3A_1761 = vector.broadcast %parallel_loop3A_1760 : i32 to vector<16xi32>
          %parallel_loop3A_1762 = arith.muli %parallel_loop3A_1759, %parallel_loop3A_1761 : vector<16xi32>
          %parallel_loop3A_1763 = arith.constant 4 : i32
          %parallel_loop3A_1764 = vector.broadcast %parallel_loop3A_1763 : i32 to vector<16xi32>
          %parallel_loop3A_1765 = arith.addi %parallel_loop3A_1645, %parallel_loop3A_1764 : vector<16xi32>
          %parallel_loop3A_1766 = arith.constant 2.000000e+00 : f32
          %parallel_loop3A_1767 = vector.broadcast %parallel_loop3A_1766 : f32 to vector<16xf32>
          %parallel_loop3A_1768 = arith.subf %parallel_loop3A_1647, %parallel_loop3A_1767 : vector<16xf32>
          %parallel_loop3A_1769 = arith.constant 2.000000e+00 : f32
          %parallel_loop3A_1770 = vector.broadcast %parallel_loop3A_1769 : f32 to vector<16xf32>
          %parallel_loop3A_1771 = arith.subf %parallel_loop3A_1648, %parallel_loop3A_1770 : vector<16xf32>
          %parallel_loop3A_1772 = arith.mulf %parallel_loop3A_1768, %parallel_loop3A_1768 : vector<16xf32>
          %parallel_loop3A_1773 = arith.mulf %parallel_loop3A_1771, %parallel_loop3A_1771 : vector<16xf32>
          %parallel_loop3A_1774 = arith.addi %parallel_loop3A_1670, %parallel_loop3A_1719 : vector<16xi32>
          %parallel_loop3A_1775 = tpu.vector_load_idx %arg8[%parallel_loop3A_1774] : memref<90816xi32, #tpu.memory_space<vmem>>[vector<16xi32>], vector<16xi32>,
          %parallel_loop3A_1776 = vector.bitcast %parallel_loop3A_1775 : vector<16xi32> to vector<16xf32>
          %parallel_loop3A_1777 = arith.addf %parallel_loop3A_1680, %parallel_loop3A_1727 : vector<16xf32>
          %parallel_loop3A_1778 = arith.cmpf olt, %parallel_loop3A_1777, %parallel_loop3A_1654 : vector<16xf32>
          %parallel_loop3A_1779 = arith.constant 0.000000e+00 : f32
          %parallel_loop3A_1780 = vector.broadcast %parallel_loop3A_1779 : f32 to vector<16xf32>
          %parallel_loop3A_1781 = arith.select %parallel_loop3A_1778, %parallel_loop3A_1776, %parallel_loop3A_1780 : vector<16xi1>, vector<16xf32>
          %parallel_loop3A_1782 = arith.addi %parallel_loop3A_1693, %parallel_loop3A_1696 : vector<16xi32>
          %parallel_loop3A_1783 = tpu.vector_load_idx %arg8[%parallel_loop3A_1782] : memref<90816xi32, #tpu.memory_space<vmem>>[vector<16xi32>], vector<16xi32>,
          %parallel_loop3A_1784 = vector.bitcast %parallel_loop3A_1783 : vector<16xi32> to vector<16xf32>
          %parallel_loop3A_1785 = arith.addf %parallel_loop3A_1703, %parallel_loop3A_1704 : vector<16xf32>
          %parallel_loop3A_1786 = arith.cmpf olt, %parallel_loop3A_1785, %parallel_loop3A_1654 : vector<16xf32>
          %parallel_loop3A_1787 = arith.constant 0.000000e+00 : f32
          %parallel_loop3A_1788 = vector.broadcast %parallel_loop3A_1787 : f32 to vector<16xf32>
          %parallel_loop3A_1789 = arith.select %parallel_loop3A_1786, %parallel_loop3A_1784, %parallel_loop3A_1788 : vector<16xi1>, vector<16xf32>
          %parallel_loop3A_1790 = arith.addi %parallel_loop3A_1693, %parallel_loop3A_1719 : vector<16xi32>
          %parallel_loop3A_1791 = tpu.vector_load_idx %arg8[%parallel_loop3A_1790] : memref<90816xi32, #tpu.memory_space<vmem>>[vector<16xi32>], vector<16xi32>,
          %parallel_loop3A_1792 = vector.bitcast %parallel_loop3A_1791 : vector<16xi32> to vector<16xf32>
          %parallel_loop3A_1793 = arith.addf %parallel_loop3A_1703, %parallel_loop3A_1727 : vector<16xf32>
          %parallel_loop3A_1794 = arith.cmpf olt, %parallel_loop3A_1793, %parallel_loop3A_1654 : vector<16xf32>
          %parallel_loop3A_1795 = arith.constant 0.000000e+00 : f32
          %parallel_loop3A_1796 = vector.broadcast %parallel_loop3A_1795 : f32 to vector<16xf32>
          %parallel_loop3A_1797 = arith.select %parallel_loop3A_1794, %parallel_loop3A_1792, %parallel_loop3A_1796 : vector<16xi1>, vector<16xf32>
          %parallel_loop3A_1798 = arith.addi %parallel_loop3A_1693, %parallel_loop3A_1742 : vector<16xi32>
          %parallel_loop3A_1799 = tpu.vector_load_idx %arg8[%parallel_loop3A_1798] : memref<90816xi32, #tpu.memory_space<vmem>>[vector<16xi32>], vector<16xi32>,
          %parallel_loop3A_1800 = vector.bitcast %parallel_loop3A_1799 : vector<16xi32> to vector<16xf32>
          %parallel_loop3A_1801 = arith.addf %parallel_loop3A_1703, %parallel_loop3A_1750 : vector<16xf32>
          %parallel_loop3A_1802 = arith.cmpf olt, %parallel_loop3A_1801, %parallel_loop3A_1654 : vector<16xf32>
          %parallel_loop3A_1803 = arith.constant 0.000000e+00 : f32
          %parallel_loop3A_1804 = vector.broadcast %parallel_loop3A_1803 : f32 to vector<16xf32>
          %parallel_loop3A_1805 = arith.select %parallel_loop3A_1802, %parallel_loop3A_1800, %parallel_loop3A_1804 : vector<16xi1>, vector<16xf32>
          %parallel_loop3A_1806 = arith.addi %parallel_loop3A_1716, %parallel_loop3A_1673 : vector<16xi32>
          %parallel_loop3A_1807 = tpu.vector_load_idx %arg8[%parallel_loop3A_1806] : memref<90816xi32, #tpu.memory_space<vmem>>[vector<16xi32>], vector<16xi32>,
          %parallel_loop3A_1808 = vector.bitcast %parallel_loop3A_1807 : vector<16xi32> to vector<16xf32>
          %parallel_loop3A_1809 = arith.addf %parallel_loop3A_1726, %parallel_loop3A_1681 : vector<16xf32>
          %parallel_loop3A_1810 = arith.cmpf olt, %parallel_loop3A_1809, %parallel_loop3A_1654 : vector<16xf32>
          %parallel_loop3A_1811 = arith.constant 0.000000e+00 : f32
          %parallel_loop3A_1812 = vector.broadcast %parallel_loop3A_1811 : f32 to vector<16xf32>
          %parallel_loop3A_1813 = arith.select %parallel_loop3A_1810, %parallel_loop3A_1808, %parallel_loop3A_1812 : vector<16xi1>, vector<16xf32>
          %parallel_loop3A_1814 = arith.addi %parallel_loop3A_1716, %parallel_loop3A_1696 : vector<16xi32>
          %parallel_loop3A_1815 = tpu.vector_load_idx %arg8[%parallel_loop3A_1814] : memref<90816xi32, #tpu.memory_space<vmem>>[vector<16xi32>], vector<16xi32>,
          %parallel_loop3A_1816 = vector.bitcast %parallel_loop3A_1815 : vector<16xi32> to vector<16xf32>
          %parallel_loop3A_1817 = arith.addf %parallel_loop3A_1726, %parallel_loop3A_1704 : vector<16xf32>
          %parallel_loop3A_1818 = arith.cmpf olt, %parallel_loop3A_1817, %parallel_loop3A_1654 : vector<16xf32>
          %parallel_loop3A_1819 = arith.constant 0.000000e+00 : f32
          %parallel_loop3A_1820 = vector.broadcast %parallel_loop3A_1819 : f32 to vector<16xf32>
          %parallel_loop3A_1821 = arith.select %parallel_loop3A_1818, %parallel_loop3A_1816, %parallel_loop3A_1820 : vector<16xi1>, vector<16xf32>
          %parallel_loop3A_1822 = arith.addi %parallel_loop3A_1716, %parallel_loop3A_1719 : vector<16xi32>
          %parallel_loop3A_1823 = tpu.vector_load_idx %arg8[%parallel_loop3A_1822] : memref<90816xi32, #tpu.memory_space<vmem>>[vector<16xi32>], vector<16xi32>,
          %parallel_loop3A_1824 = vector.bitcast %parallel_loop3A_1823 : vector<16xi32> to vector<16xf32>
          %parallel_loop3A_1825 = arith.addf %parallel_loop3A_1726, %parallel_loop3A_1727 : vector<16xf32>
          %parallel_loop3A_1826 = arith.cmpf olt, %parallel_loop3A_1825, %parallel_loop3A_1654 : vector<16xf32>
          %parallel_loop3A_1827 = arith.constant 0.000000e+00 : f32
          %parallel_loop3A_1828 = vector.broadcast %parallel_loop3A_1827 : f32 to vector<16xf32>
          %parallel_loop3A_1829 = arith.select %parallel_loop3A_1826, %parallel_loop3A_1824, %parallel_loop3A_1828 : vector<16xi1>, vector<16xf32>
          %parallel_loop3A_1830 = arith.addi %parallel_loop3A_1716, %parallel_loop3A_1742 : vector<16xi32>
          %parallel_loop3A_1831 = tpu.vector_load_idx %arg8[%parallel_loop3A_1830] : memref<90816xi32, #tpu.memory_space<vmem>>[vector<16xi32>], vector<16xi32>,
          %parallel_loop3A_1832 = vector.bitcast %parallel_loop3A_1831 : vector<16xi32> to vector<16xf32>
          %parallel_loop3A_1833 = arith.addf %parallel_loop3A_1726, %parallel_loop3A_1750 : vector<16xf32>
          %parallel_loop3A_1834 = arith.cmpf olt, %parallel_loop3A_1833, %parallel_loop3A_1654 : vector<16xf32>
          %parallel_loop3A_1835 = arith.constant 0.000000e+00 : f32
          %parallel_loop3A_1836 = vector.broadcast %parallel_loop3A_1835 : f32 to vector<16xf32>
          %parallel_loop3A_1837 = arith.select %parallel_loop3A_1834, %parallel_loop3A_1832, %parallel_loop3A_1836 : vector<16xi1>, vector<16xf32>
          %parallel_loop3A_1838 = arith.addi %parallel_loop3A_1716, %parallel_loop3A_1765 : vector<16xi32>
          %parallel_loop3A_1839 = tpu.vector_load_idx %arg8[%parallel_loop3A_1838] : memref<90816xi32, #tpu.memory_space<vmem>>[vector<16xi32>], vector<16xi32>,
          %parallel_loop3A_1840 = vector.bitcast %parallel_loop3A_1839 : vector<16xi32> to vector<16xf32>
          %parallel_loop3A_1841 = arith.addf %parallel_loop3A_1726, %parallel_loop3A_1773 : vector<16xf32>
          %parallel_loop3A_1842 = arith.cmpf olt, %parallel_loop3A_1841, %parallel_loop3A_1654 : vector<16xf32>
          %parallel_loop3A_1843 = arith.constant 0.000000e+00 : f32
          %parallel_loop3A_1844 = vector.broadcast %parallel_loop3A_1843 : f32 to vector<16xf32>
          %parallel_loop3A_1845 = arith.select %parallel_loop3A_1842, %parallel_loop3A_1840, %parallel_loop3A_1844 : vector<16xi1>, vector<16xf32>
          %parallel_loop3A_1846 = arith.addi %parallel_loop3A_1739, %parallel_loop3A_1696 : vector<16xi32>
          %parallel_loop3A_1847 = tpu.vector_load_idx %arg8[%parallel_loop3A_1846] : memref<90816xi32, #tpu.memory_space<vmem>>[vector<16xi32>], vector<16xi32>,
          %parallel_loop3A_1848 = vector.bitcast %parallel_loop3A_1847 : vector<16xi32> to vector<16xf32>
          %parallel_loop3A_1849 = arith.addf %parallel_loop3A_1749, %parallel_loop3A_1704 : vector<16xf32>
          %parallel_loop3A_1850 = arith.cmpf olt, %parallel_loop3A_1849, %parallel_loop3A_1654 : vector<16xf32>
          %parallel_loop3A_1851 = arith.constant 0.000000e+00 : f32
          %parallel_loop3A_1852 = vector.broadcast %parallel_loop3A_1851 : f32 to vector<16xf32>
          %parallel_loop3A_1853 = arith.select %parallel_loop3A_1850, %parallel_loop3A_1848, %parallel_loop3A_1852 : vector<16xi1>, vector<16xf32>
          %parallel_loop3A_1854 = arith.addi %parallel_loop3A_1739, %parallel_loop3A_1719 : vector<16xi32>
          %parallel_loop3A_1855 = tpu.vector_load_idx %arg8[%parallel_loop3A_1854] : memref<90816xi32, #tpu.memory_space<vmem>>[vector<16xi32>], vector<16xi32>,
          %parallel_loop3A_1856 = vector.bitcast %parallel_loop3A_1855 : vector<16xi32> to vector<16xf32>
          %parallel_loop3A_1857 = arith.addf %parallel_loop3A_1749, %parallel_loop3A_1727 : vector<16xf32>
          %parallel_loop3A_1858 = arith.cmpf olt, %parallel_loop3A_1857, %parallel_loop3A_1654 : vector<16xf32>
          %parallel_loop3A_1859 = arith.constant 0.000000e+00 : f32
          %parallel_loop3A_1860 = vector.broadcast %parallel_loop3A_1859 : f32 to vector<16xf32>
          %parallel_loop3A_1861 = arith.select %parallel_loop3A_1858, %parallel_loop3A_1856, %parallel_loop3A_1860 : vector<16xi1>, vector<16xf32>
          %parallel_loop3A_1862 = arith.addi %parallel_loop3A_1739, %parallel_loop3A_1742 : vector<16xi32>
          %parallel_loop3A_1863 = tpu.vector_load_idx %arg8[%parallel_loop3A_1862] : memref<90816xi32, #tpu.memory_space<vmem>>[vector<16xi32>], vector<16xi32>,
          %parallel_loop3A_1864 = vector.bitcast %parallel_loop3A_1863 : vector<16xi32> to vector<16xf32>
          %parallel_loop3A_1865 = arith.addf %parallel_loop3A_1749, %parallel_loop3A_1750 : vector<16xf32>
          %parallel_loop3A_1866 = arith.cmpf olt, %parallel_loop3A_1865, %parallel_loop3A_1654 : vector<16xf32>
          %parallel_loop3A_1867 = arith.constant 0.000000e+00 : f32
          %parallel_loop3A_1868 = vector.broadcast %parallel_loop3A_1867 : f32 to vector<16xf32>
          %parallel_loop3A_1869 = arith.select %parallel_loop3A_1866, %parallel_loop3A_1864, %parallel_loop3A_1868 : vector<16xi1>, vector<16xf32>
          %parallel_loop3A_1870 = arith.addi %parallel_loop3A_1762, %parallel_loop3A_1719 : vector<16xi32>
          %parallel_loop3A_1871 = tpu.vector_load_idx %arg8[%parallel_loop3A_1870] : memref<90816xi32, #tpu.memory_space<vmem>>[vector<16xi32>], vector<16xi32>,
          %parallel_loop3A_1872 = vector.bitcast %parallel_loop3A_1871 : vector<16xi32> to vector<16xf32>
          %parallel_loop3A_1873 = arith.addf %parallel_loop3A_1772, %parallel_loop3A_1727 : vector<16xf32>
          %parallel_loop3A_1874 = arith.cmpf olt, %parallel_loop3A_1873, %parallel_loop3A_1654 : vector<16xf32>
          %parallel_loop3A_1875 = arith.constant 0.000000e+00 : f32
          %parallel_loop3A_1876 = vector.broadcast %parallel_loop3A_1875 : f32 to vector<16xf32>
          %parallel_loop3A_1877 = arith.select %parallel_loop3A_1874, %parallel_loop3A_1872, %parallel_loop3A_1876 : vector<16xi1>, vector<16xf32>
          %parallel_loop3A_1878 = arith.maximumf %parallel_loop3A_1781, %parallel_loop3A_1789 : vector<16xf32>
          %parallel_loop3A_1879 = arith.maximumf %parallel_loop3A_1797, %parallel_loop3A_1805 : vector<16xf32>
          %parallel_loop3A_1880 = arith.maximumf %parallel_loop3A_1813, %parallel_loop3A_1821 : vector<16xf32>
          %parallel_loop3A_1881 = arith.maximumf %parallel_loop3A_1829, %parallel_loop3A_1837 : vector<16xf32>
          %parallel_loop3A_1882 = arith.maximumf %parallel_loop3A_1845, %parallel_loop3A_1853 : vector<16xf32>
          %parallel_loop3A_1883 = arith.maximumf %parallel_loop3A_1861, %parallel_loop3A_1869 : vector<16xf32>
          %parallel_loop3A_1884 = arith.maximumf %parallel_loop3A_1878, %parallel_loop3A_1879 : vector<16xf32>
          %parallel_loop3A_1885 = arith.maximumf %parallel_loop3A_1880, %parallel_loop3A_1881 : vector<16xf32>
          %parallel_loop3A_1886 = arith.maximumf %parallel_loop3A_1882, %parallel_loop3A_1883 : vector<16xf32>
          %parallel_loop3A_1887 = arith.maximumf %parallel_loop3A_1884, %parallel_loop3A_1885 : vector<16xf32>
          %parallel_loop3A_1888 = arith.maximumf %parallel_loop3A_1886, %parallel_loop3A_1877 : vector<16xf32>
          %parallel_loop3A_1889 = arith.maximumf %parallel_loop3A_1887, %parallel_loop3A_1888 : vector<16xf32>
          %parallel_loop3A_1890 = arith.addf %while3A_1574, %parallel_loop3A_1889 : vector<16xf32>
          scf.yield %parallel_loop3A_1890 : vector<16xf32>
        }
        %parallel_loop3A_1571 = arith.index_cast %parallel_loop3A_1446 : i32 to index
        %parallel_loop3A_1572 = arith.constant 0 : index
        %parallel_loop3A_1573 = tpu.vector_load %arg10[%parallel_loop3A_1571, %parallel_loop3A_1572] {strides = array<i32>} : memref<88x16xf32, #tpu.memory_space<vmem>>, vector<16xf32>,
        tpu.vector_store %arg10[%parallel_loop3A_1571, %parallel_loop3A_1572], %parallel_loop3A_1570 {strides = array<i32>} : memref<88x16xf32, #tpu.memory_space<vmem>>, vector<16xf32>,
      } {sc.loop_unroll_factor = 1 : i64, sc.parallel_access}
    }
    %scan3A_12 = arith.constant 3 : i32
    %broadcast_in_dim3A_13 = arith.constant 0 : i32
    %broadcast_in_dim3A_14 = vector.broadcast %broadcast_in_dim3A_13 : i32 to vector<16xi32>
    %scan3A_15 = arith.constant 0 : i32
    %scan3A_16 = arith.constant 0 : i32
    %scan3A_17 = arith.constant 5644 : i32
    %scan3A_18 = arith.addi %scan3A_16, %scan3A_17 : i32
    %scan3A_19 = arith.constant 1 : i32
    scf.for %scan3A_1425 = %scan3A_16 to %scan3A_18 step %scan3A_19  : i32 {
      %mul3A_1426 = arith.constant 16 : i32
      %mul3A_1427 = arith.muli %scan3A_1425, %mul3A_1426 : i32
      %swap3A = arith.index_cast %mul3A_1427 : i32 to index
      %swap3A_1428 = tpu.vector_load %arg8[%swap3A] {strides = array<i32>} : memref<90816xi32, #tpu.memory_space<vmem>>, vector<16xi32>,
      tpu.vector_store %arg8[%swap3A], %broadcast_in_dim3A_14 {strides = array<i32>} : memref<90816xi32, #tpu.memory_space<vmem>>, vector<16xi32>,
    }
    %scan3A_20 = arith.constant 5644 : i32
    %get3A = arith.constant 0 : i32
    %get3A_21 = arith.index_cast %get3A : i32 to index
    %get3A_22 = arith.constant 0 : index
    %get3A_23 = tpu.vector_load %arg10[%get3A_21, %get3A_22] {strides = array<i32>} : memref<88x16xf32, #tpu.memory_space<vmem>>, vector<16xf32>,
    %gt3A = arith.constant 3.200000e+01 : f32
    %gt3A_24 = vector.broadcast %gt3A : f32 to vector<16xf32>
    %gt3A_25 = arith.cmpf ogt, %get3A_23, %gt3A_24 : vector<16xf32>
    %jit3A = arith.constant 1 : i32
    %jit3A_26 = arith.constant 0 : i32
    %broadcast_in_dim3A_27 = vector.broadcast %jit3A : i32 to vector<16xi32>
    %broadcast_in_dim3A_28 = vector.broadcast %jit3A_26 : i32 to vector<16xi32>
    %select_n3A = arith.select %gt3A_25, %broadcast_in_dim3A_27, %broadcast_in_dim3A_28 : vector<16xi1>, vector<16xi32>
    %get3A_29 = arith.constant 0 : index
    %get3A_30 = tpu.vector_load %arg13[%get3A_29] {strides = array<i32>} : memref<2816xi32, #tpu.memory_space<vmem>>, vector<16xi32>,
    %get3A_31 = arith.constant 1408 : index
    %get3A_32 = tpu.vector_load %arg13[%get3A_31] {strides = array<i32>} : memref<2816xi32, #tpu.memory_space<vmem>>, vector<16xi32>,
    tpu.vector_store_idx %arg8[%get3A_30], %select_n3A : memref<90816xi32, #tpu.memory_space<vmem>>[vector<16xi32>], vector<16xi32>,
    tpu.vector_store_idx %arg8[%get3A_32], %select_n3A : memref<90816xi32, #tpu.memory_space<vmem>>[vector<16xi32>], vector<16xi32>,
    %get3A_33 = arith.constant 1 : i32
    %get3A_34 = arith.index_cast %get3A_33 : i32 to index
    %get3A_35 = arith.constant 0 : index
    %get3A_36 = tpu.vector_load %arg10[%get3A_34, %get3A_35] {strides = array<i32>} : memref<88x16xf32, #tpu.memory_space<vmem>>, vector<16xf32>,
    %gt3A_37 = arith.constant 3.200000e+01 : f32
    %gt3A_38 = vector.broadcast %gt3A_37 : f32 to vector<16xf32>
    %gt3A_39 = arith.cmpf ogt, %get3A_36, %gt3A_38 : vector<16xf32>
    %jit3A_40 = arith.constant 1 : i32
    %jit3A_41 = arith.constant 0 : i32
    %broadcast_in_dim3A_42 = vector.broadcast %jit3A_40 : i32 to vector<16xi32>
    %broadcast_in_dim3A_43 = vector.broadcast %jit3A_41 : i32 to vector<16xi32>
    %select_n3A_44 = arith.select %gt3A_39, %broadcast_in_dim3A_42, %broadcast_in_dim3A_43 : vector<16xi1>, vector<16xi32>
    %get3A_45 = arith.constant 16 : index
    %get3A_46 = tpu.vector_load %arg13[%get3A_45] {strides = array<i32>} : memref<2816xi32, #tpu.memory_space<vmem>>, vector<16xi32>,
    %get3A_47 = arith.constant 1424 : index
    %get3A_48 = tpu.vector_load %arg13[%get3A_47] {strides = array<i32>} : memref<2816xi32, #tpu.memory_space<vmem>>, vector<16xi32>,
    tpu.vector_store_idx %arg8[%get3A_46], %select_n3A_44 : memref<90816xi32, #tpu.memory_space<vmem>>[vector<16xi32>], vector<16xi32>,
    tpu.vector_store_idx %arg8[%get3A_48], %select_n3A_44 : memref<90816xi32, #tpu.memory_space<vmem>>[vector<16xi32>], vector<16xi32>,
    %get3A_49 = arith.constant 2 : i32
    %get3A_50 = arith.index_cast %get3A_49 : i32 to index
    %get3A_51 = arith.constant 0 : index
    %get3A_52 = tpu.vector_load %arg10[%get3A_50, %get3A_51] {strides = array<i32>} : memref<88x16xf32, #tpu.memory_space<vmem>>, vector<16xf32>,
    %gt3A_53 = arith.constant 3.200000e+01 : f32
    %gt3A_54 = vector.broadcast %gt3A_53 : f32 to vector<16xf32>
    %gt3A_55 = arith.cmpf ogt, %get3A_52, %gt3A_54 : vector<16xf32>
    %jit3A_56 = arith.constant 1 : i32
    %jit3A_57 = arith.constant 0 : i32
    %broadcast_in_dim3A_58 = vector.broadcast %jit3A_56 : i32 to vector<16xi32>
    %broadcast_in_dim3A_59 = vector.broadcast %jit3A_57 : i32 to vector<16xi32>
    %select_n3A_60 = arith.select %gt3A_55, %broadcast_in_dim3A_58, %broadcast_in_dim3A_59 : vector<16xi1>, vector<16xi32>
    %get3A_61 = arith.constant 32 : index
    %get3A_62 = tpu.vector_load %arg13[%get3A_61] {strides = array<i32>} : memref<2816xi32, #tpu.memory_space<vmem>>, vector<16xi32>,
    %get3A_63 = arith.constant 1440 : index
    %get3A_64 = tpu.vector_load %arg13[%get3A_63] {strides = array<i32>} : memref<2816xi32, #tpu.memory_space<vmem>>, vector<16xi32>,
    tpu.vector_store_idx %arg8[%get3A_62], %select_n3A_60 : memref<90816xi32, #tpu.memory_space<vmem>>[vector<16xi32>], vector<16xi32>,
    tpu.vector_store_idx %arg8[%get3A_64], %select_n3A_60 : memref<90816xi32, #tpu.memory_space<vmem>>[vector<16xi32>], vector<16xi32>,
    %get3A_65 = arith.constant 3 : i32
    %get3A_66 = arith.index_cast %get3A_65 : i32 to index
    %get3A_67 = arith.constant 0 : index
    %get3A_68 = tpu.vector_load %arg10[%get3A_66, %get3A_67] {strides = array<i32>} : memref<88x16xf32, #tpu.memory_space<vmem>>, vector<16xf32>,
    %gt3A_69 = arith.constant 3.200000e+01 : f32
    %gt3A_70 = vector.broadcast %gt3A_69 : f32 to vector<16xf32>
    %gt3A_71 = arith.cmpf ogt, %get3A_68, %gt3A_70 : vector<16xf32>
    %jit3A_72 = arith.constant 1 : i32
    %jit3A_73 = arith.constant 0 : i32
    %broadcast_in_dim3A_74 = vector.broadcast %jit3A_72 : i32 to vector<16xi32>
    %broadcast_in_dim3A_75 = vector.broadcast %jit3A_73 : i32 to vector<16xi32>
    %select_n3A_76 = arith.select %gt3A_71, %broadcast_in_dim3A_74, %broadcast_in_dim3A_75 : vector<16xi1>, vector<16xi32>
    %get3A_77 = arith.constant 48 : index
    %get3A_78 = tpu.vector_load %arg13[%get3A_77] {strides = array<i32>} : memref<2816xi32, #tpu.memory_space<vmem>>, vector<16xi32>,
    %get3A_79 = arith.constant 1456 : index
    %get3A_80 = tpu.vector_load %arg13[%get3A_79] {strides = array<i32>} : memref<2816xi32, #tpu.memory_space<vmem>>, vector<16xi32>,
    tpu.vector_store_idx %arg8[%get3A_78], %select_n3A_76 : memref<90816xi32, #tpu.memory_space<vmem>>[vector<16xi32>], vector<16xi32>,
    tpu.vector_store_idx %arg8[%get3A_80], %select_n3A_76 : memref<90816xi32, #tpu.memory_space<vmem>>[vector<16xi32>], vector<16xi32>,
    %get3A_81 = arith.constant 4 : i32
    %get3A_82 = arith.index_cast %get3A_81 : i32 to index
    %get3A_83 = arith.constant 0 : index
    %get3A_84 = tpu.vector_load %arg10[%get3A_82, %get3A_83] {strides = array<i32>} : memref<88x16xf32, #tpu.memory_space<vmem>>, vector<16xf32>,
    %gt3A_85 = arith.constant 3.200000e+01 : f32
    %gt3A_86 = vector.broadcast %gt3A_85 : f32 to vector<16xf32>
    %gt3A_87 = arith.cmpf ogt, %get3A_84, %gt3A_86 : vector<16xf32>
    %jit3A_88 = arith.constant 1 : i32
    %jit3A_89 = arith.constant 0 : i32
    %broadcast_in_dim3A_90 = vector.broadcast %jit3A_88 : i32 to vector<16xi32>
    %broadcast_in_dim3A_91 = vector.broadcast %jit3A_89 : i32 to vector<16xi32>
    %select_n3A_92 = arith.select %gt3A_87, %broadcast_in_dim3A_90, %broadcast_in_dim3A_91 : vector<16xi1>, vector<16xi32>
    %get3A_93 = arith.constant 64 : index
    %get3A_94 = tpu.vector_load %arg13[%get3A_93] {strides = array<i32>} : memref<2816xi32, #tpu.memory_space<vmem>>, vector<16xi32>,
    %get3A_95 = arith.constant 1472 : index
    %get3A_96 = tpu.vector_load %arg13[%get3A_95] {strides = array<i32>} : memref<2816xi32, #tpu.memory_space<vmem>>, vector<16xi32>,
    tpu.vector_store_idx %arg8[%get3A_94], %select_n3A_92 : memref<90816xi32, #tpu.memory_space<vmem>>[vector<16xi32>], vector<16xi32>,
    tpu.vector_store_idx %arg8[%get3A_96], %select_n3A_92 : memref<90816xi32, #tpu.memory_space<vmem>>[vector<16xi32>], vector<16xi32>,
    %get3A_97 = arith.constant 5 : i32
    %get3A_98 = arith.index_cast %get3A_97 : i32 to index
    %get3A_99 = arith.constant 0 : index
    %get3A_100 = tpu.vector_load %arg10[%get3A_98, %get3A_99] {strides = array<i32>} : memref<88x16xf32, #tpu.memory_space<vmem>>, vector<16xf32>,
    %gt3A_101 = arith.constant 3.200000e+01 : f32
    %gt3A_102 = vector.broadcast %gt3A_101 : f32 to vector<16xf32>
    %gt3A_103 = arith.cmpf ogt, %get3A_100, %gt3A_102 : vector<16xf32>
    %jit3A_104 = arith.constant 1 : i32
    %jit3A_105 = arith.constant 0 : i32
    %broadcast_in_dim3A_106 = vector.broadcast %jit3A_104 : i32 to vector<16xi32>
    %broadcast_in_dim3A_107 = vector.broadcast %jit3A_105 : i32 to vector<16xi32>
    %select_n3A_108 = arith.select %gt3A_103, %broadcast_in_dim3A_106, %broadcast_in_dim3A_107 : vector<16xi1>, vector<16xi32>
    %get3A_109 = arith.constant 80 : index
    %get3A_110 = tpu.vector_load %arg13[%get3A_109] {strides = array<i32>} : memref<2816xi32, #tpu.memory_space<vmem>>, vector<16xi32>,
    %get3A_111 = arith.constant 1488 : index
    %get3A_112 = tpu.vector_load %arg13[%get3A_111] {strides = array<i32>} : memref<2816xi32, #tpu.memory_space<vmem>>, vector<16xi32>,
    tpu.vector_store_idx %arg8[%get3A_110], %select_n3A_108 : memref<90816xi32, #tpu.memory_space<vmem>>[vector<16xi32>], vector<16xi32>,
    tpu.vector_store_idx %arg8[%get3A_112], %select_n3A_108 : memref<90816xi32, #tpu.memory_space<vmem>>[vector<16xi32>], vector<16xi32>,
    %get3A_113 = arith.constant 6 : i32
    %get3A_114 = arith.index_cast %get3A_113 : i32 to index
    %get3A_115 = arith.constant 0 : index
    %get3A_116 = tpu.vector_load %arg10[%get3A_114, %get3A_115] {strides = array<i32>} : memref<88x16xf32, #tpu.memory_space<vmem>>, vector<16xf32>,
    %gt3A_117 = arith.constant 3.200000e+01 : f32
    %gt3A_118 = vector.broadcast %gt3A_117 : f32 to vector<16xf32>
    %gt3A_119 = arith.cmpf ogt, %get3A_116, %gt3A_118 : vector<16xf32>
    %jit3A_120 = arith.constant 1 : i32
    %jit3A_121 = arith.constant 0 : i32
    %broadcast_in_dim3A_122 = vector.broadcast %jit3A_120 : i32 to vector<16xi32>
    %broadcast_in_dim3A_123 = vector.broadcast %jit3A_121 : i32 to vector<16xi32>
    %select_n3A_124 = arith.select %gt3A_119, %broadcast_in_dim3A_122, %broadcast_in_dim3A_123 : vector<16xi1>, vector<16xi32>
    %get3A_125 = arith.constant 96 : index
    %get3A_126 = tpu.vector_load %arg13[%get3A_125] {strides = array<i32>} : memref<2816xi32, #tpu.memory_space<vmem>>, vector<16xi32>,
    %get3A_127 = arith.constant 1504 : index
    %get3A_128 = tpu.vector_load %arg13[%get3A_127] {strides = array<i32>} : memref<2816xi32, #tpu.memory_space<vmem>>, vector<16xi32>,
    tpu.vector_store_idx %arg8[%get3A_126], %select_n3A_124 : memref<90816xi32, #tpu.memory_space<vmem>>[vector<16xi32>], vector<16xi32>,
    tpu.vector_store_idx %arg8[%get3A_128], %select_n3A_124 : memref<90816xi32, #tpu.memory_space<vmem>>[vector<16xi32>], vector<16xi32>,
    %get3A_129 = arith.constant 7 : i32
    %get3A_130 = arith.index_cast %get3A_129 : i32 to index
    %get3A_131 = arith.constant 0 : index
    %get3A_132 = tpu.vector_load %arg10[%get3A_130, %get3A_131] {strides = array<i32>} : memref<88x16xf32, #tpu.memory_space<vmem>>, vector<16xf32>,
    %gt3A_133 = arith.constant 3.200000e+01 : f32
    %gt3A_134 = vector.broadcast %gt3A_133 : f32 to vector<16xf32>
    %gt3A_135 = arith.cmpf ogt, %get3A_132, %gt3A_134 : vector<16xf32>
    %jit3A_136 = arith.constant 1 : i32
    %jit3A_137 = arith.constant 0 : i32
    %broadcast_in_dim3A_138 = vector.broadcast %jit3A_136 : i32 to vector<16xi32>
    %broadcast_in_dim3A_139 = vector.broadcast %jit3A_137 : i32 to vector<16xi32>
    %select_n3A_140 = arith.select %gt3A_135, %broadcast_in_dim3A_138, %broadcast_in_dim3A_139 : vector<16xi1>, vector<16xi32>
    %get3A_141 = arith.constant 112 : index
    %get3A_142 = tpu.vector_load %arg13[%get3A_141] {strides = array<i32>} : memref<2816xi32, #tpu.memory_space<vmem>>, vector<16xi32>,
    %get3A_143 = arith.constant 1520 : index
    %get3A_144 = tpu.vector_load %arg13[%get3A_143] {strides = array<i32>} : memref<2816xi32, #tpu.memory_space<vmem>>, vector<16xi32>,
    tpu.vector_store_idx %arg8[%get3A_142], %select_n3A_140 : memref<90816xi32, #tpu.memory_space<vmem>>[vector<16xi32>], vector<16xi32>,
    tpu.vector_store_idx %arg8[%get3A_144], %select_n3A_140 : memref<90816xi32, #tpu.memory_space<vmem>>[vector<16xi32>], vector<16xi32>,
    %get3A_145 = arith.constant 8 : i32
    %get3A_146 = arith.index_cast %get3A_145 : i32 to index
    %get3A_147 = arith.constant 0 : index
    %get3A_148 = tpu.vector_load %arg10[%get3A_146, %get3A_147] {strides = array<i32>} : memref<88x16xf32, #tpu.memory_space<vmem>>, vector<16xf32>,
    %gt3A_149 = arith.constant 3.200000e+01 : f32
    %gt3A_150 = vector.broadcast %gt3A_149 : f32 to vector<16xf32>
    %gt3A_151 = arith.cmpf ogt, %get3A_148, %gt3A_150 : vector<16xf32>
    %jit3A_152 = arith.constant 1 : i32
    %jit3A_153 = arith.constant 0 : i32
    %broadcast_in_dim3A_154 = vector.broadcast %jit3A_152 : i32 to vector<16xi32>
    %broadcast_in_dim3A_155 = vector.broadcast %jit3A_153 : i32 to vector<16xi32>
    %select_n3A_156 = arith.select %gt3A_151, %broadcast_in_dim3A_154, %broadcast_in_dim3A_155 : vector<16xi1>, vector<16xi32>
    %get3A_157 = arith.constant 128 : index
    %get3A_158 = tpu.vector_load %arg13[%get3A_157] {strides = array<i32>} : memref<2816xi32, #tpu.memory_space<vmem>>, vector<16xi32>,
    %get3A_159 = arith.constant 1536 : index
    %get3A_160 = tpu.vector_load %arg13[%get3A_159] {strides = array<i32>} : memref<2816xi32, #tpu.memory_space<vmem>>, vector<16xi32>,
    tpu.vector_store_idx %arg8[%get3A_158], %select_n3A_156 : memref<90816xi32, #tpu.memory_space<vmem>>[vector<16xi32>], vector<16xi32>,
    tpu.vector_store_idx %arg8[%get3A_160], %select_n3A_156 : memref<90816xi32, #tpu.memory_space<vmem>>[vector<16xi32>], vector<16xi32>,
    %get3A_161 = arith.constant 9 : i32
    %get3A_162 = arith.index_cast %get3A_161 : i32 to index
    %get3A_163 = arith.constant 0 : index
    %get3A_164 = tpu.vector_load %arg10[%get3A_162, %get3A_163] {strides = array<i32>} : memref<88x16xf32, #tpu.memory_space<vmem>>, vector<16xf32>,
    %gt3A_165 = arith.constant 3.200000e+01 : f32
    %gt3A_166 = vector.broadcast %gt3A_165 : f32 to vector<16xf32>
    %gt3A_167 = arith.cmpf ogt, %get3A_164, %gt3A_166 : vector<16xf32>
    %jit3A_168 = arith.constant 1 : i32
    %jit3A_169 = arith.constant 0 : i32
    %broadcast_in_dim3A_170 = vector.broadcast %jit3A_168 : i32 to vector<16xi32>
    %broadcast_in_dim3A_171 = vector.broadcast %jit3A_169 : i32 to vector<16xi32>
    %select_n3A_172 = arith.select %gt3A_167, %broadcast_in_dim3A_170, %broadcast_in_dim3A_171 : vector<16xi1>, vector<16xi32>
    %get3A_173 = arith.constant 144 : index
    %get3A_174 = tpu.vector_load %arg13[%get3A_173] {strides = array<i32>} : memref<2816xi32, #tpu.memory_space<vmem>>, vector<16xi32>,
    %get3A_175 = arith.constant 1552 : index
    %get3A_176 = tpu.vector_load %arg13[%get3A_175] {strides = array<i32>} : memref<2816xi32, #tpu.memory_space<vmem>>, vector<16xi32>,
    tpu.vector_store_idx %arg8[%get3A_174], %select_n3A_172 : memref<90816xi32, #tpu.memory_space<vmem>>[vector<16xi32>], vector<16xi32>,
    tpu.vector_store_idx %arg8[%get3A_176], %select_n3A_172 : memref<90816xi32, #tpu.memory_space<vmem>>[vector<16xi32>], vector<16xi32>,
    %get3A_177 = arith.constant 10 : i32
    %get3A_178 = arith.index_cast %get3A_177 : i32 to index
    %get3A_179 = arith.constant 0 : index
    %get3A_180 = tpu.vector_load %arg10[%get3A_178, %get3A_179] {strides = array<i32>} : memref<88x16xf32, #tpu.memory_space<vmem>>, vector<16xf32>,
    %gt3A_181 = arith.constant 3.200000e+01 : f32
    %gt3A_182 = vector.broadcast %gt3A_181 : f32 to vector<16xf32>
    %gt3A_183 = arith.cmpf ogt, %get3A_180, %gt3A_182 : vector<16xf32>
    %jit3A_184 = arith.constant 1 : i32
    %jit3A_185 = arith.constant 0 : i32
    %broadcast_in_dim3A_186 = vector.broadcast %jit3A_184 : i32 to vector<16xi32>
    %broadcast_in_dim3A_187 = vector.broadcast %jit3A_185 : i32 to vector<16xi32>
    %select_n3A_188 = arith.select %gt3A_183, %broadcast_in_dim3A_186, %broadcast_in_dim3A_187 : vector<16xi1>, vector<16xi32>
    %get3A_189 = arith.constant 160 : index
    %get3A_190 = tpu.vector_load %arg13[%get3A_189] {strides = array<i32>} : memref<2816xi32, #tpu.memory_space<vmem>>, vector<16xi32>,
    %get3A_191 = arith.constant 1568 : index
    %get3A_192 = tpu.vector_load %arg13[%get3A_191] {strides = array<i32>} : memref<2816xi32, #tpu.memory_space<vmem>>, vector<16xi32>,
    tpu.vector_store_idx %arg8[%get3A_190], %select_n3A_188 : memref<90816xi32, #tpu.memory_space<vmem>>[vector<16xi32>], vector<16xi32>,
    tpu.vector_store_idx %arg8[%get3A_192], %select_n3A_188 : memref<90816xi32, #tpu.memory_space<vmem>>[vector<16xi32>], vector<16xi32>,
    %get3A_193 = arith.constant 11 : i32
    %get3A_194 = arith.index_cast %get3A_193 : i32 to index
    %get3A_195 = arith.constant 0 : index
    %get3A_196 = tpu.vector_load %arg10[%get3A_194, %get3A_195] {strides = array<i32>} : memref<88x16xf32, #tpu.memory_space<vmem>>, vector<16xf32>,
    %gt3A_197 = arith.constant 3.200000e+01 : f32
    %gt3A_198 = vector.broadcast %gt3A_197 : f32 to vector<16xf32>
    %gt3A_199 = arith.cmpf ogt, %get3A_196, %gt3A_198 : vector<16xf32>
    %jit3A_200 = arith.constant 1 : i32
    %jit3A_201 = arith.constant 0 : i32
    %broadcast_in_dim3A_202 = vector.broadcast %jit3A_200 : i32 to vector<16xi32>
    %broadcast_in_dim3A_203 = vector.broadcast %jit3A_201 : i32 to vector<16xi32>
    %select_n3A_204 = arith.select %gt3A_199, %broadcast_in_dim3A_202, %broadcast_in_dim3A_203 : vector<16xi1>, vector<16xi32>
    %get3A_205 = arith.constant 176 : index
    %get3A_206 = tpu.vector_load %arg13[%get3A_205] {strides = array<i32>} : memref<2816xi32, #tpu.memory_space<vmem>>, vector<16xi32>,
    %get3A_207 = arith.constant 1584 : index
    %get3A_208 = tpu.vector_load %arg13[%get3A_207] {strides = array<i32>} : memref<2816xi32, #tpu.memory_space<vmem>>, vector<16xi32>,
    tpu.vector_store_idx %arg8[%get3A_206], %select_n3A_204 : memref<90816xi32, #tpu.memory_space<vmem>>[vector<16xi32>], vector<16xi32>,
    tpu.vector_store_idx %arg8[%get3A_208], %select_n3A_204 : memref<90816xi32, #tpu.memory_space<vmem>>[vector<16xi32>], vector<16xi32>,
    %get3A_209 = arith.constant 12 : i32
    %get3A_210 = arith.index_cast %get3A_209 : i32 to index
    %get3A_211 = arith.constant 0 : index
    %get3A_212 = tpu.vector_load %arg10[%get3A_210, %get3A_211] {strides = array<i32>} : memref<88x16xf32, #tpu.memory_space<vmem>>, vector<16xf32>,
    %gt3A_213 = arith.constant 3.200000e+01 : f32
    %gt3A_214 = vector.broadcast %gt3A_213 : f32 to vector<16xf32>
    %gt3A_215 = arith.cmpf ogt, %get3A_212, %gt3A_214 : vector<16xf32>
    %jit3A_216 = arith.constant 1 : i32
    %jit3A_217 = arith.constant 0 : i32
    %broadcast_in_dim3A_218 = vector.broadcast %jit3A_216 : i32 to vector<16xi32>
    %broadcast_in_dim3A_219 = vector.broadcast %jit3A_217 : i32 to vector<16xi32>
    %select_n3A_220 = arith.select %gt3A_215, %broadcast_in_dim3A_218, %broadcast_in_dim3A_219 : vector<16xi1>, vector<16xi32>
    %get3A_221 = arith.constant 192 : index
    %get3A_222 = tpu.vector_load %arg13[%get3A_221] {strides = array<i32>} : memref<2816xi32, #tpu.memory_space<vmem>>, vector<16xi32>,
    %get3A_223 = arith.constant 1600 : index
    %get3A_224 = tpu.vector_load %arg13[%get3A_223] {strides = array<i32>} : memref<2816xi32, #tpu.memory_space<vmem>>, vector<16xi32>,
    tpu.vector_store_idx %arg8[%get3A_222], %select_n3A_220 : memref<90816xi32, #tpu.memory_space<vmem>>[vector<16xi32>], vector<16xi32>,
    tpu.vector_store_idx %arg8[%get3A_224], %select_n3A_220 : memref<90816xi32, #tpu.memory_space<vmem>>[vector<16xi32>], vector<16xi32>,
    %get3A_225 = arith.constant 13 : i32
    %get3A_226 = arith.index_cast %get3A_225 : i32 to index
    %get3A_227 = arith.constant 0 : index
    %get3A_228 = tpu.vector_load %arg10[%get3A_226, %get3A_227] {strides = array<i32>} : memref<88x16xf32, #tpu.memory_space<vmem>>, vector<16xf32>,
    %gt3A_229 = arith.constant 3.200000e+01 : f32
    %gt3A_230 = vector.broadcast %gt3A_229 : f32 to vector<16xf32>
    %gt3A_231 = arith.cmpf ogt, %get3A_228, %gt3A_230 : vector<16xf32>
    %jit3A_232 = arith.constant 1 : i32
    %jit3A_233 = arith.constant 0 : i32
    %broadcast_in_dim3A_234 = vector.broadcast %jit3A_232 : i32 to vector<16xi32>
    %broadcast_in_dim3A_235 = vector.broadcast %jit3A_233 : i32 to vector<16xi32>
    %select_n3A_236 = arith.select %gt3A_231, %broadcast_in_dim3A_234, %broadcast_in_dim3A_235 : vector<16xi1>, vector<16xi32>
    %get3A_237 = arith.constant 208 : index
    %get3A_238 = tpu.vector_load %arg13[%get3A_237] {strides = array<i32>} : memref<2816xi32, #tpu.memory_space<vmem>>, vector<16xi32>,
    %get3A_239 = arith.constant 1616 : index
    %get3A_240 = tpu.vector_load %arg13[%get3A_239] {strides = array<i32>} : memref<2816xi32, #tpu.memory_space<vmem>>, vector<16xi32>,
    tpu.vector_store_idx %arg8[%get3A_238], %select_n3A_236 : memref<90816xi32, #tpu.memory_space<vmem>>[vector<16xi32>], vector<16xi32>,
    tpu.vector_store_idx %arg8[%get3A_240], %select_n3A_236 : memref<90816xi32, #tpu.memory_space<vmem>>[vector<16xi32>], vector<16xi32>,
    %get3A_241 = arith.constant 14 : i32
    %get3A_242 = arith.index_cast %get3A_241 : i32 to index
    %get3A_243 = arith.constant 0 : index
    %get3A_244 = tpu.vector_load %arg10[%get3A_242, %get3A_243] {strides = array<i32>} : memref<88x16xf32, #tpu.memory_space<vmem>>, vector<16xf32>,
    %gt3A_245 = arith.constant 3.200000e+01 : f32
    %gt3A_246 = vector.broadcast %gt3A_245 : f32 to vector<16xf32>
    %gt3A_247 = arith.cmpf ogt, %get3A_244, %gt3A_246 : vector<16xf32>
    %jit3A_248 = arith.constant 1 : i32
    %jit3A_249 = arith.constant 0 : i32
    %broadcast_in_dim3A_250 = vector.broadcast %jit3A_248 : i32 to vector<16xi32>
    %broadcast_in_dim3A_251 = vector.broadcast %jit3A_249 : i32 to vector<16xi32>
    %select_n3A_252 = arith.select %gt3A_247, %broadcast_in_dim3A_250, %broadcast_in_dim3A_251 : vector<16xi1>, vector<16xi32>
    %get3A_253 = arith.constant 224 : index
    %get3A_254 = tpu.vector_load %arg13[%get3A_253] {strides = array<i32>} : memref<2816xi32, #tpu.memory_space<vmem>>, vector<16xi32>,
    %get3A_255 = arith.constant 1632 : index
    %get3A_256 = tpu.vector_load %arg13[%get3A_255] {strides = array<i32>} : memref<2816xi32, #tpu.memory_space<vmem>>, vector<16xi32>,
    tpu.vector_store_idx %arg8[%get3A_254], %select_n3A_252 : memref<90816xi32, #tpu.memory_space<vmem>>[vector<16xi32>], vector<16xi32>,
    tpu.vector_store_idx %arg8[%get3A_256], %select_n3A_252 : memref<90816xi32, #tpu.memory_space<vmem>>[vector<16xi32>], vector<16xi32>,
    %get3A_257 = arith.constant 15 : i32
    %get3A_258 = arith.index_cast %get3A_257 : i32 to index
    %get3A_259 = arith.constant 0 : index
    %get3A_260 = tpu.vector_load %arg10[%get3A_258, %get3A_259] {strides = array<i32>} : memref<88x16xf32, #tpu.memory_space<vmem>>, vector<16xf32>,
    %gt3A_261 = arith.constant 3.200000e+01 : f32
    %gt3A_262 = vector.broadcast %gt3A_261 : f32 to vector<16xf32>
    %gt3A_263 = arith.cmpf ogt, %get3A_260, %gt3A_262 : vector<16xf32>
    %jit3A_264 = arith.constant 1 : i32
    %jit3A_265 = arith.constant 0 : i32
    %broadcast_in_dim3A_266 = vector.broadcast %jit3A_264 : i32 to vector<16xi32>
    %broadcast_in_dim3A_267 = vector.broadcast %jit3A_265 : i32 to vector<16xi32>
    %select_n3A_268 = arith.select %gt3A_263, %broadcast_in_dim3A_266, %broadcast_in_dim3A_267 : vector<16xi1>, vector<16xi32>
    %get3A_269 = arith.constant 240 : index
    %get3A_270 = tpu.vector_load %arg13[%get3A_269] {strides = array<i32>} : memref<2816xi32, #tpu.memory_space<vmem>>, vector<16xi32>,
    %get3A_271 = arith.constant 1648 : index
    %get3A_272 = tpu.vector_load %arg13[%get3A_271] {strides = array<i32>} : memref<2816xi32, #tpu.memory_space<vmem>>, vector<16xi32>,
    tpu.vector_store_idx %arg8[%get3A_270], %select_n3A_268 : memref<90816xi32, #tpu.memory_space<vmem>>[vector<16xi32>], vector<16xi32>,
    tpu.vector_store_idx %arg8[%get3A_272], %select_n3A_268 : memref<90816xi32, #tpu.memory_space<vmem>>[vector<16xi32>], vector<16xi32>,
    %get3A_273 = arith.constant 16 : i32
    %get3A_274 = arith.index_cast %get3A_273 : i32 to index
    %get3A_275 = arith.constant 0 : index
    %get3A_276 = tpu.vector_load %arg10[%get3A_274, %get3A_275] {strides = array<i32>} : memref<88x16xf32, #tpu.memory_space<vmem>>, vector<16xf32>,
    %gt3A_277 = arith.constant 3.200000e+01 : f32
    %gt3A_278 = vector.broadcast %gt3A_277 : f32 to vector<16xf32>
    %gt3A_279 = arith.cmpf ogt, %get3A_276, %gt3A_278 : vector<16xf32>
    %jit3A_280 = arith.constant 1 : i32
    %jit3A_281 = arith.constant 0 : i32
    %broadcast_in_dim3A_282 = vector.broadcast %jit3A_280 : i32 to vector<16xi32>
    %broadcast_in_dim3A_283 = vector.broadcast %jit3A_281 : i32 to vector<16xi32>
    %select_n3A_284 = arith.select %gt3A_279, %broadcast_in_dim3A_282, %broadcast_in_dim3A_283 : vector<16xi1>, vector<16xi32>
    %get3A_285 = arith.constant 256 : index
    %get3A_286 = tpu.vector_load %arg13[%get3A_285] {strides = array<i32>} : memref<2816xi32, #tpu.memory_space<vmem>>, vector<16xi32>,
    %get3A_287 = arith.constant 1664 : index
    %get3A_288 = tpu.vector_load %arg13[%get3A_287] {strides = array<i32>} : memref<2816xi32, #tpu.memory_space<vmem>>, vector<16xi32>,
    tpu.vector_store_idx %arg8[%get3A_286], %select_n3A_284 : memref<90816xi32, #tpu.memory_space<vmem>>[vector<16xi32>], vector<16xi32>,
    tpu.vector_store_idx %arg8[%get3A_288], %select_n3A_284 : memref<90816xi32, #tpu.memory_space<vmem>>[vector<16xi32>], vector<16xi32>,
    %get3A_289 = arith.constant 17 : i32
    %get3A_290 = arith.index_cast %get3A_289 : i32 to index
    %get3A_291 = arith.constant 0 : index
    %get3A_292 = tpu.vector_load %arg10[%get3A_290, %get3A_291] {strides = array<i32>} : memref<88x16xf32, #tpu.memory_space<vmem>>, vector<16xf32>,
    %gt3A_293 = arith.constant 3.200000e+01 : f32
    %gt3A_294 = vector.broadcast %gt3A_293 : f32 to vector<16xf32>
    %gt3A_295 = arith.cmpf ogt, %get3A_292, %gt3A_294 : vector<16xf32>
    %jit3A_296 = arith.constant 1 : i32
    %jit3A_297 = arith.constant 0 : i32
    %broadcast_in_dim3A_298 = vector.broadcast %jit3A_296 : i32 to vector<16xi32>
    %broadcast_in_dim3A_299 = vector.broadcast %jit3A_297 : i32 to vector<16xi32>
    %select_n3A_300 = arith.select %gt3A_295, %broadcast_in_dim3A_298, %broadcast_in_dim3A_299 : vector<16xi1>, vector<16xi32>
    %get3A_301 = arith.constant 272 : index
    %get3A_302 = tpu.vector_load %arg13[%get3A_301] {strides = array<i32>} : memref<2816xi32, #tpu.memory_space<vmem>>, vector<16xi32>,
    %get3A_303 = arith.constant 1680 : index
    %get3A_304 = tpu.vector_load %arg13[%get3A_303] {strides = array<i32>} : memref<2816xi32, #tpu.memory_space<vmem>>, vector<16xi32>,
    tpu.vector_store_idx %arg8[%get3A_302], %select_n3A_300 : memref<90816xi32, #tpu.memory_space<vmem>>[vector<16xi32>], vector<16xi32>,
    tpu.vector_store_idx %arg8[%get3A_304], %select_n3A_300 : memref<90816xi32, #tpu.memory_space<vmem>>[vector<16xi32>], vector<16xi32>,
    %get3A_305 = arith.constant 18 : i32
    %get3A_306 = arith.index_cast %get3A_305 : i32 to index
    %get3A_307 = arith.constant 0 : index
    %get3A_308 = tpu.vector_load %arg10[%get3A_306, %get3A_307] {strides = array<i32>} : memref<88x16xf32, #tpu.memory_space<vmem>>, vector<16xf32>,
    %gt3A_309 = arith.constant 3.200000e+01 : f32
    %gt3A_310 = vector.broadcast %gt3A_309 : f32 to vector<16xf32>
    %gt3A_311 = arith.cmpf ogt, %get3A_308, %gt3A_310 : vector<16xf32>
    %jit3A_312 = arith.constant 1 : i32
    %jit3A_313 = arith.constant 0 : i32
    %broadcast_in_dim3A_314 = vector.broadcast %jit3A_312 : i32 to vector<16xi32>
    %broadcast_in_dim3A_315 = vector.broadcast %jit3A_313 : i32 to vector<16xi32>
    %select_n3A_316 = arith.select %gt3A_311, %broadcast_in_dim3A_314, %broadcast_in_dim3A_315 : vector<16xi1>, vector<16xi32>
    %get3A_317 = arith.constant 288 : index
    %get3A_318 = tpu.vector_load %arg13[%get3A_317] {strides = array<i32>} : memref<2816xi32, #tpu.memory_space<vmem>>, vector<16xi32>,
    %get3A_319 = arith.constant 1696 : index
    %get3A_320 = tpu.vector_load %arg13[%get3A_319] {strides = array<i32>} : memref<2816xi32, #tpu.memory_space<vmem>>, vector<16xi32>,
    tpu.vector_store_idx %arg8[%get3A_318], %select_n3A_316 : memref<90816xi32, #tpu.memory_space<vmem>>[vector<16xi32>], vector<16xi32>,
    tpu.vector_store_idx %arg8[%get3A_320], %select_n3A_316 : memref<90816xi32, #tpu.memory_space<vmem>>[vector<16xi32>], vector<16xi32>,
    %get3A_321 = arith.constant 19 : i32
    %get3A_322 = arith.index_cast %get3A_321 : i32 to index
    %get3A_323 = arith.constant 0 : index
    %get3A_324 = tpu.vector_load %arg10[%get3A_322, %get3A_323] {strides = array<i32>} : memref<88x16xf32, #tpu.memory_space<vmem>>, vector<16xf32>,
    %gt3A_325 = arith.constant 3.200000e+01 : f32
    %gt3A_326 = vector.broadcast %gt3A_325 : f32 to vector<16xf32>
    %gt3A_327 = arith.cmpf ogt, %get3A_324, %gt3A_326 : vector<16xf32>
    %jit3A_328 = arith.constant 1 : i32
    %jit3A_329 = arith.constant 0 : i32
    %broadcast_in_dim3A_330 = vector.broadcast %jit3A_328 : i32 to vector<16xi32>
    %broadcast_in_dim3A_331 = vector.broadcast %jit3A_329 : i32 to vector<16xi32>
    %select_n3A_332 = arith.select %gt3A_327, %broadcast_in_dim3A_330, %broadcast_in_dim3A_331 : vector<16xi1>, vector<16xi32>
    %get3A_333 = arith.constant 304 : index
    %get3A_334 = tpu.vector_load %arg13[%get3A_333] {strides = array<i32>} : memref<2816xi32, #tpu.memory_space<vmem>>, vector<16xi32>,
    %get3A_335 = arith.constant 1712 : index
    %get3A_336 = tpu.vector_load %arg13[%get3A_335] {strides = array<i32>} : memref<2816xi32, #tpu.memory_space<vmem>>, vector<16xi32>,
    tpu.vector_store_idx %arg8[%get3A_334], %select_n3A_332 : memref<90816xi32, #tpu.memory_space<vmem>>[vector<16xi32>], vector<16xi32>,
    tpu.vector_store_idx %arg8[%get3A_336], %select_n3A_332 : memref<90816xi32, #tpu.memory_space<vmem>>[vector<16xi32>], vector<16xi32>,
    %get3A_337 = arith.constant 20 : i32
    %get3A_338 = arith.index_cast %get3A_337 : i32 to index
    %get3A_339 = arith.constant 0 : index
    %get3A_340 = tpu.vector_load %arg10[%get3A_338, %get3A_339] {strides = array<i32>} : memref<88x16xf32, #tpu.memory_space<vmem>>, vector<16xf32>,
    %gt3A_341 = arith.constant 3.200000e+01 : f32
    %gt3A_342 = vector.broadcast %gt3A_341 : f32 to vector<16xf32>
    %gt3A_343 = arith.cmpf ogt, %get3A_340, %gt3A_342 : vector<16xf32>
    %jit3A_344 = arith.constant 1 : i32
    %jit3A_345 = arith.constant 0 : i32
    %broadcast_in_dim3A_346 = vector.broadcast %jit3A_344 : i32 to vector<16xi32>
    %broadcast_in_dim3A_347 = vector.broadcast %jit3A_345 : i32 to vector<16xi32>
    %select_n3A_348 = arith.select %gt3A_343, %broadcast_in_dim3A_346, %broadcast_in_dim3A_347 : vector<16xi1>, vector<16xi32>
    %get3A_349 = arith.constant 320 : index
    %get3A_350 = tpu.vector_load %arg13[%get3A_349] {strides = array<i32>} : memref<2816xi32, #tpu.memory_space<vmem>>, vector<16xi32>,
    %get3A_351 = arith.constant 1728 : index
    %get3A_352 = tpu.vector_load %arg13[%get3A_351] {strides = array<i32>} : memref<2816xi32, #tpu.memory_space<vmem>>, vector<16xi32>,
    tpu.vector_store_idx %arg8[%get3A_350], %select_n3A_348 : memref<90816xi32, #tpu.memory_space<vmem>>[vector<16xi32>], vector<16xi32>,
    tpu.vector_store_idx %arg8[%get3A_352], %select_n3A_348 : memref<90816xi32, #tpu.memory_space<vmem>>[vector<16xi32>], vector<16xi32>,
    %get3A_353 = arith.constant 21 : i32
    %get3A_354 = arith.index_cast %get3A_353 : i32 to index
    %get3A_355 = arith.constant 0 : index
    %get3A_356 = tpu.vector_load %arg10[%get3A_354, %get3A_355] {strides = array<i32>} : memref<88x16xf32, #tpu.memory_space<vmem>>, vector<16xf32>,
    %gt3A_357 = arith.constant 3.200000e+01 : f32
    %gt3A_358 = vector.broadcast %gt3A_357 : f32 to vector<16xf32>
    %gt3A_359 = arith.cmpf ogt, %get3A_356, %gt3A_358 : vector<16xf32>
    %jit3A_360 = arith.constant 1 : i32
    %jit3A_361 = arith.constant 0 : i32
    %broadcast_in_dim3A_362 = vector.broadcast %jit3A_360 : i32 to vector<16xi32>
    %broadcast_in_dim3A_363 = vector.broadcast %jit3A_361 : i32 to vector<16xi32>
    %select_n3A_364 = arith.select %gt3A_359, %broadcast_in_dim3A_362, %broadcast_in_dim3A_363 : vector<16xi1>, vector<16xi32>
    %get3A_365 = arith.constant 336 : index
    %get3A_366 = tpu.vector_load %arg13[%get3A_365] {strides = array<i32>} : memref<2816xi32, #tpu.memory_space<vmem>>, vector<16xi32>,
    %get3A_367 = arith.constant 1744 : index
    %get3A_368 = tpu.vector_load %arg13[%get3A_367] {strides = array<i32>} : memref<2816xi32, #tpu.memory_space<vmem>>, vector<16xi32>,
    tpu.vector_store_idx %arg8[%get3A_366], %select_n3A_364 : memref<90816xi32, #tpu.memory_space<vmem>>[vector<16xi32>], vector<16xi32>,
    tpu.vector_store_idx %arg8[%get3A_368], %select_n3A_364 : memref<90816xi32, #tpu.memory_space<vmem>>[vector<16xi32>], vector<16xi32>,
    %get3A_369 = arith.constant 22 : i32
    %get3A_370 = arith.index_cast %get3A_369 : i32 to index
    %get3A_371 = arith.constant 0 : index
    %get3A_372 = tpu.vector_load %arg10[%get3A_370, %get3A_371] {strides = array<i32>} : memref<88x16xf32, #tpu.memory_space<vmem>>, vector<16xf32>,
    %gt3A_373 = arith.constant 3.200000e+01 : f32
    %gt3A_374 = vector.broadcast %gt3A_373 : f32 to vector<16xf32>
    %gt3A_375 = arith.cmpf ogt, %get3A_372, %gt3A_374 : vector<16xf32>
    %jit3A_376 = arith.constant 1 : i32
    %jit3A_377 = arith.constant 0 : i32
    %broadcast_in_dim3A_378 = vector.broadcast %jit3A_376 : i32 to vector<16xi32>
    %broadcast_in_dim3A_379 = vector.broadcast %jit3A_377 : i32 to vector<16xi32>
    %select_n3A_380 = arith.select %gt3A_375, %broadcast_in_dim3A_378, %broadcast_in_dim3A_379 : vector<16xi1>, vector<16xi32>
    %get3A_381 = arith.constant 352 : index
    %get3A_382 = tpu.vector_load %arg13[%get3A_381] {strides = array<i32>} : memref<2816xi32, #tpu.memory_space<vmem>>, vector<16xi32>,
    %get3A_383 = arith.constant 1760 : index
    %get3A_384 = tpu.vector_load %arg13[%get3A_383] {strides = array<i32>} : memref<2816xi32, #tpu.memory_space<vmem>>, vector<16xi32>,
    tpu.vector_store_idx %arg8[%get3A_382], %select_n3A_380 : memref<90816xi32, #tpu.memory_space<vmem>>[vector<16xi32>], vector<16xi32>,
    tpu.vector_store_idx %arg8[%get3A_384], %select_n3A_380 : memref<90816xi32, #tpu.memory_space<vmem>>[vector<16xi32>], vector<16xi32>,
    %get3A_385 = arith.constant 23 : i32
    %get3A_386 = arith.index_cast %get3A_385 : i32 to index
    %get3A_387 = arith.constant 0 : index
    %get3A_388 = tpu.vector_load %arg10[%get3A_386, %get3A_387] {strides = array<i32>} : memref<88x16xf32, #tpu.memory_space<vmem>>, vector<16xf32>,
    %gt3A_389 = arith.constant 3.200000e+01 : f32
    %gt3A_390 = vector.broadcast %gt3A_389 : f32 to vector<16xf32>
    %gt3A_391 = arith.cmpf ogt, %get3A_388, %gt3A_390 : vector<16xf32>
    %jit3A_392 = arith.constant 1 : i32
    %jit3A_393 = arith.constant 0 : i32
    %broadcast_in_dim3A_394 = vector.broadcast %jit3A_392 : i32 to vector<16xi32>
    %broadcast_in_dim3A_395 = vector.broadcast %jit3A_393 : i32 to vector<16xi32>
    %select_n3A_396 = arith.select %gt3A_391, %broadcast_in_dim3A_394, %broadcast_in_dim3A_395 : vector<16xi1>, vector<16xi32>
    %get3A_397 = arith.constant 368 : index
    %get3A_398 = tpu.vector_load %arg13[%get3A_397] {strides = array<i32>} : memref<2816xi32, #tpu.memory_space<vmem>>, vector<16xi32>,
    %get3A_399 = arith.constant 1776 : index
    %get3A_400 = tpu.vector_load %arg13[%get3A_399] {strides = array<i32>} : memref<2816xi32, #tpu.memory_space<vmem>>, vector<16xi32>,
    tpu.vector_store_idx %arg8[%get3A_398], %select_n3A_396 : memref<90816xi32, #tpu.memory_space<vmem>>[vector<16xi32>], vector<16xi32>,
    tpu.vector_store_idx %arg8[%get3A_400], %select_n3A_396 : memref<90816xi32, #tpu.memory_space<vmem>>[vector<16xi32>], vector<16xi32>,
    %get3A_401 = arith.constant 24 : i32
    %get3A_402 = arith.index_cast %get3A_401 : i32 to index
    %get3A_403 = arith.constant 0 : index
    %get3A_404 = tpu.vector_load %arg10[%get3A_402, %get3A_403] {strides = array<i32>} : memref<88x16xf32, #tpu.memory_space<vmem>>, vector<16xf32>,
    %gt3A_405 = arith.constant 3.200000e+01 : f32
    %gt3A_406 = vector.broadcast %gt3A_405 : f32 to vector<16xf32>
    %gt3A_407 = arith.cmpf ogt, %get3A_404, %gt3A_406 : vector<16xf32>
    %jit3A_408 = arith.constant 1 : i32
    %jit3A_409 = arith.constant 0 : i32
    %broadcast_in_dim3A_410 = vector.broadcast %jit3A_408 : i32 to vector<16xi32>
    %broadcast_in_dim3A_411 = vector.broadcast %jit3A_409 : i32 to vector<16xi32>
    %select_n3A_412 = arith.select %gt3A_407, %broadcast_in_dim3A_410, %broadcast_in_dim3A_411 : vector<16xi1>, vector<16xi32>
    %get3A_413 = arith.constant 384 : index
    %get3A_414 = tpu.vector_load %arg13[%get3A_413] {strides = array<i32>} : memref<2816xi32, #tpu.memory_space<vmem>>, vector<16xi32>,
    %get3A_415 = arith.constant 1792 : index
    %get3A_416 = tpu.vector_load %arg13[%get3A_415] {strides = array<i32>} : memref<2816xi32, #tpu.memory_space<vmem>>, vector<16xi32>,
    tpu.vector_store_idx %arg8[%get3A_414], %select_n3A_412 : memref<90816xi32, #tpu.memory_space<vmem>>[vector<16xi32>], vector<16xi32>,
    tpu.vector_store_idx %arg8[%get3A_416], %select_n3A_412 : memref<90816xi32, #tpu.memory_space<vmem>>[vector<16xi32>], vector<16xi32>,
    %get3A_417 = arith.constant 25 : i32
    %get3A_418 = arith.index_cast %get3A_417 : i32 to index
    %get3A_419 = arith.constant 0 : index
    %get3A_420 = tpu.vector_load %arg10[%get3A_418, %get3A_419] {strides = array<i32>} : memref<88x16xf32, #tpu.memory_space<vmem>>, vector<16xf32>,
    %gt3A_421 = arith.constant 3.200000e+01 : f32
    %gt3A_422 = vector.broadcast %gt3A_421 : f32 to vector<16xf32>
    %gt3A_423 = arith.cmpf ogt, %get3A_420, %gt3A_422 : vector<16xf32>
    %jit3A_424 = arith.constant 1 : i32
    %jit3A_425 = arith.constant 0 : i32
    %broadcast_in_dim3A_426 = vector.broadcast %jit3A_424 : i32 to vector<16xi32>
    %broadcast_in_dim3A_427 = vector.broadcast %jit3A_425 : i32 to vector<16xi32>
    %select_n3A_428 = arith.select %gt3A_423, %broadcast_in_dim3A_426, %broadcast_in_dim3A_427 : vector<16xi1>, vector<16xi32>
    %get3A_429 = arith.constant 400 : index
    %get3A_430 = tpu.vector_load %arg13[%get3A_429] {strides = array<i32>} : memref<2816xi32, #tpu.memory_space<vmem>>, vector<16xi32>,
    %get3A_431 = arith.constant 1808 : index
    %get3A_432 = tpu.vector_load %arg13[%get3A_431] {strides = array<i32>} : memref<2816xi32, #tpu.memory_space<vmem>>, vector<16xi32>,
    tpu.vector_store_idx %arg8[%get3A_430], %select_n3A_428 : memref<90816xi32, #tpu.memory_space<vmem>>[vector<16xi32>], vector<16xi32>,
    tpu.vector_store_idx %arg8[%get3A_432], %select_n3A_428 : memref<90816xi32, #tpu.memory_space<vmem>>[vector<16xi32>], vector<16xi32>,
    %get3A_433 = arith.constant 26 : i32
    %get3A_434 = arith.index_cast %get3A_433 : i32 to index
    %get3A_435 = arith.constant 0 : index
    %get3A_436 = tpu.vector_load %arg10[%get3A_434, %get3A_435] {strides = array<i32>} : memref<88x16xf32, #tpu.memory_space<vmem>>, vector<16xf32>,
    %gt3A_437 = arith.constant 3.200000e+01 : f32
    %gt3A_438 = vector.broadcast %gt3A_437 : f32 to vector<16xf32>
    %gt3A_439 = arith.cmpf ogt, %get3A_436, %gt3A_438 : vector<16xf32>
    %jit3A_440 = arith.constant 1 : i32
    %jit3A_441 = arith.constant 0 : i32
    %broadcast_in_dim3A_442 = vector.broadcast %jit3A_440 : i32 to vector<16xi32>
    %broadcast_in_dim3A_443 = vector.broadcast %jit3A_441 : i32 to vector<16xi32>
    %select_n3A_444 = arith.select %gt3A_439, %broadcast_in_dim3A_442, %broadcast_in_dim3A_443 : vector<16xi1>, vector<16xi32>
    %get3A_445 = arith.constant 416 : index
    %get3A_446 = tpu.vector_load %arg13[%get3A_445] {strides = array<i32>} : memref<2816xi32, #tpu.memory_space<vmem>>, vector<16xi32>,
    %get3A_447 = arith.constant 1824 : index
    %get3A_448 = tpu.vector_load %arg13[%get3A_447] {strides = array<i32>} : memref<2816xi32, #tpu.memory_space<vmem>>, vector<16xi32>,
    tpu.vector_store_idx %arg8[%get3A_446], %select_n3A_444 : memref<90816xi32, #tpu.memory_space<vmem>>[vector<16xi32>], vector<16xi32>,
    tpu.vector_store_idx %arg8[%get3A_448], %select_n3A_444 : memref<90816xi32, #tpu.memory_space<vmem>>[vector<16xi32>], vector<16xi32>,
    %get3A_449 = arith.constant 27 : i32
    %get3A_450 = arith.index_cast %get3A_449 : i32 to index
    %get3A_451 = arith.constant 0 : index
    %get3A_452 = tpu.vector_load %arg10[%get3A_450, %get3A_451] {strides = array<i32>} : memref<88x16xf32, #tpu.memory_space<vmem>>, vector<16xf32>,
    %gt3A_453 = arith.constant 3.200000e+01 : f32
    %gt3A_454 = vector.broadcast %gt3A_453 : f32 to vector<16xf32>
    %gt3A_455 = arith.cmpf ogt, %get3A_452, %gt3A_454 : vector<16xf32>
    %jit3A_456 = arith.constant 1 : i32
    %jit3A_457 = arith.constant 0 : i32
    %broadcast_in_dim3A_458 = vector.broadcast %jit3A_456 : i32 to vector<16xi32>
    %broadcast_in_dim3A_459 = vector.broadcast %jit3A_457 : i32 to vector<16xi32>
    %select_n3A_460 = arith.select %gt3A_455, %broadcast_in_dim3A_458, %broadcast_in_dim3A_459 : vector<16xi1>, vector<16xi32>
    %get3A_461 = arith.constant 432 : index
    %get3A_462 = tpu.vector_load %arg13[%get3A_461] {strides = array<i32>} : memref<2816xi32, #tpu.memory_space<vmem>>, vector<16xi32>,
    %get3A_463 = arith.constant 1840 : index
    %get3A_464 = tpu.vector_load %arg13[%get3A_463] {strides = array<i32>} : memref<2816xi32, #tpu.memory_space<vmem>>, vector<16xi32>,
    tpu.vector_store_idx %arg8[%get3A_462], %select_n3A_460 : memref<90816xi32, #tpu.memory_space<vmem>>[vector<16xi32>], vector<16xi32>,
    tpu.vector_store_idx %arg8[%get3A_464], %select_n3A_460 : memref<90816xi32, #tpu.memory_space<vmem>>[vector<16xi32>], vector<16xi32>,
    %get3A_465 = arith.constant 28 : i32
    %get3A_466 = arith.index_cast %get3A_465 : i32 to index
    %get3A_467 = arith.constant 0 : index
    %get3A_468 = tpu.vector_load %arg10[%get3A_466, %get3A_467] {strides = array<i32>} : memref<88x16xf32, #tpu.memory_space<vmem>>, vector<16xf32>,
    %gt3A_469 = arith.constant 3.200000e+01 : f32
    %gt3A_470 = vector.broadcast %gt3A_469 : f32 to vector<16xf32>
    %gt3A_471 = arith.cmpf ogt, %get3A_468, %gt3A_470 : vector<16xf32>
    %jit3A_472 = arith.constant 1 : i32
    %jit3A_473 = arith.constant 0 : i32
    %broadcast_in_dim3A_474 = vector.broadcast %jit3A_472 : i32 to vector<16xi32>
    %broadcast_in_dim3A_475 = vector.broadcast %jit3A_473 : i32 to vector<16xi32>
    %select_n3A_476 = arith.select %gt3A_471, %broadcast_in_dim3A_474, %broadcast_in_dim3A_475 : vector<16xi1>, vector<16xi32>
    %get3A_477 = arith.constant 448 : index
    %get3A_478 = tpu.vector_load %arg13[%get3A_477] {strides = array<i32>} : memref<2816xi32, #tpu.memory_space<vmem>>, vector<16xi32>,
    %get3A_479 = arith.constant 1856 : index
    %get3A_480 = tpu.vector_load %arg13[%get3A_479] {strides = array<i32>} : memref<2816xi32, #tpu.memory_space<vmem>>, vector<16xi32>,
    tpu.vector_store_idx %arg8[%get3A_478], %select_n3A_476 : memref<90816xi32, #tpu.memory_space<vmem>>[vector<16xi32>], vector<16xi32>,
    tpu.vector_store_idx %arg8[%get3A_480], %select_n3A_476 : memref<90816xi32, #tpu.memory_space<vmem>>[vector<16xi32>], vector<16xi32>,
    %get3A_481 = arith.constant 29 : i32
    %get3A_482 = arith.index_cast %get3A_481 : i32 to index
    %get3A_483 = arith.constant 0 : index
    %get3A_484 = tpu.vector_load %arg10[%get3A_482, %get3A_483] {strides = array<i32>} : memref<88x16xf32, #tpu.memory_space<vmem>>, vector<16xf32>,
    %gt3A_485 = arith.constant 3.200000e+01 : f32
    %gt3A_486 = vector.broadcast %gt3A_485 : f32 to vector<16xf32>
    %gt3A_487 = arith.cmpf ogt, %get3A_484, %gt3A_486 : vector<16xf32>
    %jit3A_488 = arith.constant 1 : i32
    %jit3A_489 = arith.constant 0 : i32
    %broadcast_in_dim3A_490 = vector.broadcast %jit3A_488 : i32 to vector<16xi32>
    %broadcast_in_dim3A_491 = vector.broadcast %jit3A_489 : i32 to vector<16xi32>
    %select_n3A_492 = arith.select %gt3A_487, %broadcast_in_dim3A_490, %broadcast_in_dim3A_491 : vector<16xi1>, vector<16xi32>
    %get3A_493 = arith.constant 464 : index
    %get3A_494 = tpu.vector_load %arg13[%get3A_493] {strides = array<i32>} : memref<2816xi32, #tpu.memory_space<vmem>>, vector<16xi32>,
    %get3A_495 = arith.constant 1872 : index
    %get3A_496 = tpu.vector_load %arg13[%get3A_495] {strides = array<i32>} : memref<2816xi32, #tpu.memory_space<vmem>>, vector<16xi32>,
    tpu.vector_store_idx %arg8[%get3A_494], %select_n3A_492 : memref<90816xi32, #tpu.memory_space<vmem>>[vector<16xi32>], vector<16xi32>,
    tpu.vector_store_idx %arg8[%get3A_496], %select_n3A_492 : memref<90816xi32, #tpu.memory_space<vmem>>[vector<16xi32>], vector<16xi32>,
    %get3A_497 = arith.constant 30 : i32
    %get3A_498 = arith.index_cast %get3A_497 : i32 to index
    %get3A_499 = arith.constant 0 : index
    %get3A_500 = tpu.vector_load %arg10[%get3A_498, %get3A_499] {strides = array<i32>} : memref<88x16xf32, #tpu.memory_space<vmem>>, vector<16xf32>,
    %gt3A_501 = arith.constant 3.200000e+01 : f32
    %gt3A_502 = vector.broadcast %gt3A_501 : f32 to vector<16xf32>
    %gt3A_503 = arith.cmpf ogt, %get3A_500, %gt3A_502 : vector<16xf32>
    %jit3A_504 = arith.constant 1 : i32
    %jit3A_505 = arith.constant 0 : i32
    %broadcast_in_dim3A_506 = vector.broadcast %jit3A_504 : i32 to vector<16xi32>
    %broadcast_in_dim3A_507 = vector.broadcast %jit3A_505 : i32 to vector<16xi32>
    %select_n3A_508 = arith.select %gt3A_503, %broadcast_in_dim3A_506, %broadcast_in_dim3A_507 : vector<16xi1>, vector<16xi32>
    %get3A_509 = arith.constant 480 : index
    %get3A_510 = tpu.vector_load %arg13[%get3A_509] {strides = array<i32>} : memref<2816xi32, #tpu.memory_space<vmem>>, vector<16xi32>,
    %get3A_511 = arith.constant 1888 : index
    %get3A_512 = tpu.vector_load %arg13[%get3A_511] {strides = array<i32>} : memref<2816xi32, #tpu.memory_space<vmem>>, vector<16xi32>,
    tpu.vector_store_idx %arg8[%get3A_510], %select_n3A_508 : memref<90816xi32, #tpu.memory_space<vmem>>[vector<16xi32>], vector<16xi32>,
    tpu.vector_store_idx %arg8[%get3A_512], %select_n3A_508 : memref<90816xi32, #tpu.memory_space<vmem>>[vector<16xi32>], vector<16xi32>,
    %get3A_513 = arith.constant 31 : i32
    %get3A_514 = arith.index_cast %get3A_513 : i32 to index
    %get3A_515 = arith.constant 0 : index
    %get3A_516 = tpu.vector_load %arg10[%get3A_514, %get3A_515] {strides = array<i32>} : memref<88x16xf32, #tpu.memory_space<vmem>>, vector<16xf32>,
    %gt3A_517 = arith.constant 3.200000e+01 : f32
    %gt3A_518 = vector.broadcast %gt3A_517 : f32 to vector<16xf32>
    %gt3A_519 = arith.cmpf ogt, %get3A_516, %gt3A_518 : vector<16xf32>
    %jit3A_520 = arith.constant 1 : i32
    %jit3A_521 = arith.constant 0 : i32
    %broadcast_in_dim3A_522 = vector.broadcast %jit3A_520 : i32 to vector<16xi32>
    %broadcast_in_dim3A_523 = vector.broadcast %jit3A_521 : i32 to vector<16xi32>
    %select_n3A_524 = arith.select %gt3A_519, %broadcast_in_dim3A_522, %broadcast_in_dim3A_523 : vector<16xi1>, vector<16xi32>
    %get3A_525 = arith.constant 496 : index
    %get3A_526 = tpu.vector_load %arg13[%get3A_525] {strides = array<i32>} : memref<2816xi32, #tpu.memory_space<vmem>>, vector<16xi32>,
    %get3A_527 = arith.constant 1904 : index
    %get3A_528 = tpu.vector_load %arg13[%get3A_527] {strides = array<i32>} : memref<2816xi32, #tpu.memory_space<vmem>>, vector<16xi32>,
    tpu.vector_store_idx %arg8[%get3A_526], %select_n3A_524 : memref<90816xi32, #tpu.memory_space<vmem>>[vector<16xi32>], vector<16xi32>,
    tpu.vector_store_idx %arg8[%get3A_528], %select_n3A_524 : memref<90816xi32, #tpu.memory_space<vmem>>[vector<16xi32>], vector<16xi32>,
    %get3A_529 = arith.constant 32 : i32
    %get3A_530 = arith.index_cast %get3A_529 : i32 to index
    %get3A_531 = arith.constant 0 : index
    %get3A_532 = tpu.vector_load %arg10[%get3A_530, %get3A_531] {strides = array<i32>} : memref<88x16xf32, #tpu.memory_space<vmem>>, vector<16xf32>,
    %gt3A_533 = arith.constant 3.200000e+01 : f32
    %gt3A_534 = vector.broadcast %gt3A_533 : f32 to vector<16xf32>
    %gt3A_535 = arith.cmpf ogt, %get3A_532, %gt3A_534 : vector<16xf32>
    %jit3A_536 = arith.constant 1 : i32
    %jit3A_537 = arith.constant 0 : i32
    %broadcast_in_dim3A_538 = vector.broadcast %jit3A_536 : i32 to vector<16xi32>
    %broadcast_in_dim3A_539 = vector.broadcast %jit3A_537 : i32 to vector<16xi32>
    %select_n3A_540 = arith.select %gt3A_535, %broadcast_in_dim3A_538, %broadcast_in_dim3A_539 : vector<16xi1>, vector<16xi32>
    %get3A_541 = arith.constant 512 : index
    %get3A_542 = tpu.vector_load %arg13[%get3A_541] {strides = array<i32>} : memref<2816xi32, #tpu.memory_space<vmem>>, vector<16xi32>,
    %get3A_543 = arith.constant 1920 : index
    %get3A_544 = tpu.vector_load %arg13[%get3A_543] {strides = array<i32>} : memref<2816xi32, #tpu.memory_space<vmem>>, vector<16xi32>,
    tpu.vector_store_idx %arg8[%get3A_542], %select_n3A_540 : memref<90816xi32, #tpu.memory_space<vmem>>[vector<16xi32>], vector<16xi32>,
    tpu.vector_store_idx %arg8[%get3A_544], %select_n3A_540 : memref<90816xi32, #tpu.memory_space<vmem>>[vector<16xi32>], vector<16xi32>,
    %get3A_545 = arith.constant 33 : i32
    %get3A_546 = arith.index_cast %get3A_545 : i32 to index
    %get3A_547 = arith.constant 0 : index
    %get3A_548 = tpu.vector_load %arg10[%get3A_546, %get3A_547] {strides = array<i32>} : memref<88x16xf32, #tpu.memory_space<vmem>>, vector<16xf32>,
    %gt3A_549 = arith.constant 3.200000e+01 : f32
    %gt3A_550 = vector.broadcast %gt3A_549 : f32 to vector<16xf32>
    %gt3A_551 = arith.cmpf ogt, %get3A_548, %gt3A_550 : vector<16xf32>
    %jit3A_552 = arith.constant 1 : i32
    %jit3A_553 = arith.constant 0 : i32
    %broadcast_in_dim3A_554 = vector.broadcast %jit3A_552 : i32 to vector<16xi32>
    %broadcast_in_dim3A_555 = vector.broadcast %jit3A_553 : i32 to vector<16xi32>
    %select_n3A_556 = arith.select %gt3A_551, %broadcast_in_dim3A_554, %broadcast_in_dim3A_555 : vector<16xi1>, vector<16xi32>
    %get3A_557 = arith.constant 528 : index
    %get3A_558 = tpu.vector_load %arg13[%get3A_557] {strides = array<i32>} : memref<2816xi32, #tpu.memory_space<vmem>>, vector<16xi32>,
    %get3A_559 = arith.constant 1936 : index
    %get3A_560 = tpu.vector_load %arg13[%get3A_559] {strides = array<i32>} : memref<2816xi32, #tpu.memory_space<vmem>>, vector<16xi32>,
    tpu.vector_store_idx %arg8[%get3A_558], %select_n3A_556 : memref<90816xi32, #tpu.memory_space<vmem>>[vector<16xi32>], vector<16xi32>,
    tpu.vector_store_idx %arg8[%get3A_560], %select_n3A_556 : memref<90816xi32, #tpu.memory_space<vmem>>[vector<16xi32>], vector<16xi32>,
    %get3A_561 = arith.constant 34 : i32
    %get3A_562 = arith.index_cast %get3A_561 : i32 to index
    %get3A_563 = arith.constant 0 : index
    %get3A_564 = tpu.vector_load %arg10[%get3A_562, %get3A_563] {strides = array<i32>} : memref<88x16xf32, #tpu.memory_space<vmem>>, vector<16xf32>,
    %gt3A_565 = arith.constant 3.200000e+01 : f32
    %gt3A_566 = vector.broadcast %gt3A_565 : f32 to vector<16xf32>
    %gt3A_567 = arith.cmpf ogt, %get3A_564, %gt3A_566 : vector<16xf32>
    %jit3A_568 = arith.constant 1 : i32
    %jit3A_569 = arith.constant 0 : i32
    %broadcast_in_dim3A_570 = vector.broadcast %jit3A_568 : i32 to vector<16xi32>
    %broadcast_in_dim3A_571 = vector.broadcast %jit3A_569 : i32 to vector<16xi32>
    %select_n3A_572 = arith.select %gt3A_567, %broadcast_in_dim3A_570, %broadcast_in_dim3A_571 : vector<16xi1>, vector<16xi32>
    %get3A_573 = arith.constant 544 : index
    %get3A_574 = tpu.vector_load %arg13[%get3A_573] {strides = array<i32>} : memref<2816xi32, #tpu.memory_space<vmem>>, vector<16xi32>,
    %get3A_575 = arith.constant 1952 : index
    %get3A_576 = tpu.vector_load %arg13[%get3A_575] {strides = array<i32>} : memref<2816xi32, #tpu.memory_space<vmem>>, vector<16xi32>,
    tpu.vector_store_idx %arg8[%get3A_574], %select_n3A_572 : memref<90816xi32, #tpu.memory_space<vmem>>[vector<16xi32>], vector<16xi32>,
    tpu.vector_store_idx %arg8[%get3A_576], %select_n3A_572 : memref<90816xi32, #tpu.memory_space<vmem>>[vector<16xi32>], vector<16xi32>,
    %get3A_577 = arith.constant 35 : i32
    %get3A_578 = arith.index_cast %get3A_577 : i32 to index
    %get3A_579 = arith.constant 0 : index
    %get3A_580 = tpu.vector_load %arg10[%get3A_578, %get3A_579] {strides = array<i32>} : memref<88x16xf32, #tpu.memory_space<vmem>>, vector<16xf32>,
    %gt3A_581 = arith.constant 3.200000e+01 : f32
    %gt3A_582 = vector.broadcast %gt3A_581 : f32 to vector<16xf32>
    %gt3A_583 = arith.cmpf ogt, %get3A_580, %gt3A_582 : vector<16xf32>
    %jit3A_584 = arith.constant 1 : i32
    %jit3A_585 = arith.constant 0 : i32
    %broadcast_in_dim3A_586 = vector.broadcast %jit3A_584 : i32 to vector<16xi32>
    %broadcast_in_dim3A_587 = vector.broadcast %jit3A_585 : i32 to vector<16xi32>
    %select_n3A_588 = arith.select %gt3A_583, %broadcast_in_dim3A_586, %broadcast_in_dim3A_587 : vector<16xi1>, vector<16xi32>
    %get3A_589 = arith.constant 560 : index
    %get3A_590 = tpu.vector_load %arg13[%get3A_589] {strides = array<i32>} : memref<2816xi32, #tpu.memory_space<vmem>>, vector<16xi32>,
    %get3A_591 = arith.constant 1968 : index
    %get3A_592 = tpu.vector_load %arg13[%get3A_591] {strides = array<i32>} : memref<2816xi32, #tpu.memory_space<vmem>>, vector<16xi32>,
    tpu.vector_store_idx %arg8[%get3A_590], %select_n3A_588 : memref<90816xi32, #tpu.memory_space<vmem>>[vector<16xi32>], vector<16xi32>,
    tpu.vector_store_idx %arg8[%get3A_592], %select_n3A_588 : memref<90816xi32, #tpu.memory_space<vmem>>[vector<16xi32>], vector<16xi32>,
    %get3A_593 = arith.constant 36 : i32
    %get3A_594 = arith.index_cast %get3A_593 : i32 to index
    %get3A_595 = arith.constant 0 : index
    %get3A_596 = tpu.vector_load %arg10[%get3A_594, %get3A_595] {strides = array<i32>} : memref<88x16xf32, #tpu.memory_space<vmem>>, vector<16xf32>,
    %gt3A_597 = arith.constant 3.200000e+01 : f32
    %gt3A_598 = vector.broadcast %gt3A_597 : f32 to vector<16xf32>
    %gt3A_599 = arith.cmpf ogt, %get3A_596, %gt3A_598 : vector<16xf32>
    %jit3A_600 = arith.constant 1 : i32
    %jit3A_601 = arith.constant 0 : i32
    %broadcast_in_dim3A_602 = vector.broadcast %jit3A_600 : i32 to vector<16xi32>
    %broadcast_in_dim3A_603 = vector.broadcast %jit3A_601 : i32 to vector<16xi32>
    %select_n3A_604 = arith.select %gt3A_599, %broadcast_in_dim3A_602, %broadcast_in_dim3A_603 : vector<16xi1>, vector<16xi32>
    %get3A_605 = arith.constant 576 : index
    %get3A_606 = tpu.vector_load %arg13[%get3A_605] {strides = array<i32>} : memref<2816xi32, #tpu.memory_space<vmem>>, vector<16xi32>,
    %get3A_607 = arith.constant 1984 : index
    %get3A_608 = tpu.vector_load %arg13[%get3A_607] {strides = array<i32>} : memref<2816xi32, #tpu.memory_space<vmem>>, vector<16xi32>,
    tpu.vector_store_idx %arg8[%get3A_606], %select_n3A_604 : memref<90816xi32, #tpu.memory_space<vmem>>[vector<16xi32>], vector<16xi32>,
    tpu.vector_store_idx %arg8[%get3A_608], %select_n3A_604 : memref<90816xi32, #tpu.memory_space<vmem>>[vector<16xi32>], vector<16xi32>,
    %get3A_609 = arith.constant 37 : i32
    %get3A_610 = arith.index_cast %get3A_609 : i32 to index
    %get3A_611 = arith.constant 0 : index
    %get3A_612 = tpu.vector_load %arg10[%get3A_610, %get3A_611] {strides = array<i32>} : memref<88x16xf32, #tpu.memory_space<vmem>>, vector<16xf32>,
    %gt3A_613 = arith.constant 3.200000e+01 : f32
    %gt3A_614 = vector.broadcast %gt3A_613 : f32 to vector<16xf32>
    %gt3A_615 = arith.cmpf ogt, %get3A_612, %gt3A_614 : vector<16xf32>
    %jit3A_616 = arith.constant 1 : i32
    %jit3A_617 = arith.constant 0 : i32
    %broadcast_in_dim3A_618 = vector.broadcast %jit3A_616 : i32 to vector<16xi32>
    %broadcast_in_dim3A_619 = vector.broadcast %jit3A_617 : i32 to vector<16xi32>
    %select_n3A_620 = arith.select %gt3A_615, %broadcast_in_dim3A_618, %broadcast_in_dim3A_619 : vector<16xi1>, vector<16xi32>
    %get3A_621 = arith.constant 592 : index
    %get3A_622 = tpu.vector_load %arg13[%get3A_621] {strides = array<i32>} : memref<2816xi32, #tpu.memory_space<vmem>>, vector<16xi32>,
    %get3A_623 = arith.constant 2000 : index
    %get3A_624 = tpu.vector_load %arg13[%get3A_623] {strides = array<i32>} : memref<2816xi32, #tpu.memory_space<vmem>>, vector<16xi32>,
    tpu.vector_store_idx %arg8[%get3A_622], %select_n3A_620 : memref<90816xi32, #tpu.memory_space<vmem>>[vector<16xi32>], vector<16xi32>,
    tpu.vector_store_idx %arg8[%get3A_624], %select_n3A_620 : memref<90816xi32, #tpu.memory_space<vmem>>[vector<16xi32>], vector<16xi32>,
    %get3A_625 = arith.constant 38 : i32
    %get3A_626 = arith.index_cast %get3A_625 : i32 to index
    %get3A_627 = arith.constant 0 : index
    %get3A_628 = tpu.vector_load %arg10[%get3A_626, %get3A_627] {strides = array<i32>} : memref<88x16xf32, #tpu.memory_space<vmem>>, vector<16xf32>,
    %gt3A_629 = arith.constant 3.200000e+01 : f32
    %gt3A_630 = vector.broadcast %gt3A_629 : f32 to vector<16xf32>
    %gt3A_631 = arith.cmpf ogt, %get3A_628, %gt3A_630 : vector<16xf32>
    %jit3A_632 = arith.constant 1 : i32
    %jit3A_633 = arith.constant 0 : i32
    %broadcast_in_dim3A_634 = vector.broadcast %jit3A_632 : i32 to vector<16xi32>
    %broadcast_in_dim3A_635 = vector.broadcast %jit3A_633 : i32 to vector<16xi32>
    %select_n3A_636 = arith.select %gt3A_631, %broadcast_in_dim3A_634, %broadcast_in_dim3A_635 : vector<16xi1>, vector<16xi32>
    %get3A_637 = arith.constant 608 : index
    %get3A_638 = tpu.vector_load %arg13[%get3A_637] {strides = array<i32>} : memref<2816xi32, #tpu.memory_space<vmem>>, vector<16xi32>,
    %get3A_639 = arith.constant 2016 : index
    %get3A_640 = tpu.vector_load %arg13[%get3A_639] {strides = array<i32>} : memref<2816xi32, #tpu.memory_space<vmem>>, vector<16xi32>,
    tpu.vector_store_idx %arg8[%get3A_638], %select_n3A_636 : memref<90816xi32, #tpu.memory_space<vmem>>[vector<16xi32>], vector<16xi32>,
    tpu.vector_store_idx %arg8[%get3A_640], %select_n3A_636 : memref<90816xi32, #tpu.memory_space<vmem>>[vector<16xi32>], vector<16xi32>,
    %get3A_641 = arith.constant 39 : i32
    %get3A_642 = arith.index_cast %get3A_641 : i32 to index
    %get3A_643 = arith.constant 0 : index
    %get3A_644 = tpu.vector_load %arg10[%get3A_642, %get3A_643] {strides = array<i32>} : memref<88x16xf32, #tpu.memory_space<vmem>>, vector<16xf32>,
    %gt3A_645 = arith.constant 3.200000e+01 : f32
    %gt3A_646 = vector.broadcast %gt3A_645 : f32 to vector<16xf32>
    %gt3A_647 = arith.cmpf ogt, %get3A_644, %gt3A_646 : vector<16xf32>
    %jit3A_648 = arith.constant 1 : i32
    %jit3A_649 = arith.constant 0 : i32
    %broadcast_in_dim3A_650 = vector.broadcast %jit3A_648 : i32 to vector<16xi32>
    %broadcast_in_dim3A_651 = vector.broadcast %jit3A_649 : i32 to vector<16xi32>
    %select_n3A_652 = arith.select %gt3A_647, %broadcast_in_dim3A_650, %broadcast_in_dim3A_651 : vector<16xi1>, vector<16xi32>
    %get3A_653 = arith.constant 624 : index
    %get3A_654 = tpu.vector_load %arg13[%get3A_653] {strides = array<i32>} : memref<2816xi32, #tpu.memory_space<vmem>>, vector<16xi32>,
    %get3A_655 = arith.constant 2032 : index
    %get3A_656 = tpu.vector_load %arg13[%get3A_655] {strides = array<i32>} : memref<2816xi32, #tpu.memory_space<vmem>>, vector<16xi32>,
    tpu.vector_store_idx %arg8[%get3A_654], %select_n3A_652 : memref<90816xi32, #tpu.memory_space<vmem>>[vector<16xi32>], vector<16xi32>,
    tpu.vector_store_idx %arg8[%get3A_656], %select_n3A_652 : memref<90816xi32, #tpu.memory_space<vmem>>[vector<16xi32>], vector<16xi32>,
    %get3A_657 = arith.constant 40 : i32
    %get3A_658 = arith.index_cast %get3A_657 : i32 to index
    %get3A_659 = arith.constant 0 : index
    %get3A_660 = tpu.vector_load %arg10[%get3A_658, %get3A_659] {strides = array<i32>} : memref<88x16xf32, #tpu.memory_space<vmem>>, vector<16xf32>,
    %gt3A_661 = arith.constant 3.200000e+01 : f32
    %gt3A_662 = vector.broadcast %gt3A_661 : f32 to vector<16xf32>
    %gt3A_663 = arith.cmpf ogt, %get3A_660, %gt3A_662 : vector<16xf32>
    %jit3A_664 = arith.constant 1 : i32
    %jit3A_665 = arith.constant 0 : i32
    %broadcast_in_dim3A_666 = vector.broadcast %jit3A_664 : i32 to vector<16xi32>
    %broadcast_in_dim3A_667 = vector.broadcast %jit3A_665 : i32 to vector<16xi32>
    %select_n3A_668 = arith.select %gt3A_663, %broadcast_in_dim3A_666, %broadcast_in_dim3A_667 : vector<16xi1>, vector<16xi32>
    %get3A_669 = arith.constant 640 : index
    %get3A_670 = tpu.vector_load %arg13[%get3A_669] {strides = array<i32>} : memref<2816xi32, #tpu.memory_space<vmem>>, vector<16xi32>,
    %get3A_671 = arith.constant 2048 : index
    %get3A_672 = tpu.vector_load %arg13[%get3A_671] {strides = array<i32>} : memref<2816xi32, #tpu.memory_space<vmem>>, vector<16xi32>,
    tpu.vector_store_idx %arg8[%get3A_670], %select_n3A_668 : memref<90816xi32, #tpu.memory_space<vmem>>[vector<16xi32>], vector<16xi32>,
    tpu.vector_store_idx %arg8[%get3A_672], %select_n3A_668 : memref<90816xi32, #tpu.memory_space<vmem>>[vector<16xi32>], vector<16xi32>,
    %get3A_673 = arith.constant 41 : i32
    %get3A_674 = arith.index_cast %get3A_673 : i32 to index
    %get3A_675 = arith.constant 0 : index
    %get3A_676 = tpu.vector_load %arg10[%get3A_674, %get3A_675] {strides = array<i32>} : memref<88x16xf32, #tpu.memory_space<vmem>>, vector<16xf32>,
    %gt3A_677 = arith.constant 3.200000e+01 : f32
    %gt3A_678 = vector.broadcast %gt3A_677 : f32 to vector<16xf32>
    %gt3A_679 = arith.cmpf ogt, %get3A_676, %gt3A_678 : vector<16xf32>
    %jit3A_680 = arith.constant 1 : i32
    %jit3A_681 = arith.constant 0 : i32
    %broadcast_in_dim3A_682 = vector.broadcast %jit3A_680 : i32 to vector<16xi32>
    %broadcast_in_dim3A_683 = vector.broadcast %jit3A_681 : i32 to vector<16xi32>
    %select_n3A_684 = arith.select %gt3A_679, %broadcast_in_dim3A_682, %broadcast_in_dim3A_683 : vector<16xi1>, vector<16xi32>
    %get3A_685 = arith.constant 656 : index
    %get3A_686 = tpu.vector_load %arg13[%get3A_685] {strides = array<i32>} : memref<2816xi32, #tpu.memory_space<vmem>>, vector<16xi32>,
    %get3A_687 = arith.constant 2064 : index
    %get3A_688 = tpu.vector_load %arg13[%get3A_687] {strides = array<i32>} : memref<2816xi32, #tpu.memory_space<vmem>>, vector<16xi32>,
    tpu.vector_store_idx %arg8[%get3A_686], %select_n3A_684 : memref<90816xi32, #tpu.memory_space<vmem>>[vector<16xi32>], vector<16xi32>,
    tpu.vector_store_idx %arg8[%get3A_688], %select_n3A_684 : memref<90816xi32, #tpu.memory_space<vmem>>[vector<16xi32>], vector<16xi32>,
    %get3A_689 = arith.constant 42 : i32
    %get3A_690 = arith.index_cast %get3A_689 : i32 to index
    %get3A_691 = arith.constant 0 : index
    %get3A_692 = tpu.vector_load %arg10[%get3A_690, %get3A_691] {strides = array<i32>} : memref<88x16xf32, #tpu.memory_space<vmem>>, vector<16xf32>,
    %gt3A_693 = arith.constant 3.200000e+01 : f32
    %gt3A_694 = vector.broadcast %gt3A_693 : f32 to vector<16xf32>
    %gt3A_695 = arith.cmpf ogt, %get3A_692, %gt3A_694 : vector<16xf32>
    %jit3A_696 = arith.constant 1 : i32
    %jit3A_697 = arith.constant 0 : i32
    %broadcast_in_dim3A_698 = vector.broadcast %jit3A_696 : i32 to vector<16xi32>
    %broadcast_in_dim3A_699 = vector.broadcast %jit3A_697 : i32 to vector<16xi32>
    %select_n3A_700 = arith.select %gt3A_695, %broadcast_in_dim3A_698, %broadcast_in_dim3A_699 : vector<16xi1>, vector<16xi32>
    %get3A_701 = arith.constant 672 : index
    %get3A_702 = tpu.vector_load %arg13[%get3A_701] {strides = array<i32>} : memref<2816xi32, #tpu.memory_space<vmem>>, vector<16xi32>,
    %get3A_703 = arith.constant 2080 : index
    %get3A_704 = tpu.vector_load %arg13[%get3A_703] {strides = array<i32>} : memref<2816xi32, #tpu.memory_space<vmem>>, vector<16xi32>,
    tpu.vector_store_idx %arg8[%get3A_702], %select_n3A_700 : memref<90816xi32, #tpu.memory_space<vmem>>[vector<16xi32>], vector<16xi32>,
    tpu.vector_store_idx %arg8[%get3A_704], %select_n3A_700 : memref<90816xi32, #tpu.memory_space<vmem>>[vector<16xi32>], vector<16xi32>,
    %get3A_705 = arith.constant 43 : i32
    %get3A_706 = arith.index_cast %get3A_705 : i32 to index
    %get3A_707 = arith.constant 0 : index
    %get3A_708 = tpu.vector_load %arg10[%get3A_706, %get3A_707] {strides = array<i32>} : memref<88x16xf32, #tpu.memory_space<vmem>>, vector<16xf32>,
    %gt3A_709 = arith.constant 3.200000e+01 : f32
    %gt3A_710 = vector.broadcast %gt3A_709 : f32 to vector<16xf32>
    %gt3A_711 = arith.cmpf ogt, %get3A_708, %gt3A_710 : vector<16xf32>
    %jit3A_712 = arith.constant 1 : i32
    %jit3A_713 = arith.constant 0 : i32
    %broadcast_in_dim3A_714 = vector.broadcast %jit3A_712 : i32 to vector<16xi32>
    %broadcast_in_dim3A_715 = vector.broadcast %jit3A_713 : i32 to vector<16xi32>
    %select_n3A_716 = arith.select %gt3A_711, %broadcast_in_dim3A_714, %broadcast_in_dim3A_715 : vector<16xi1>, vector<16xi32>
    %get3A_717 = arith.constant 688 : index
    %get3A_718 = tpu.vector_load %arg13[%get3A_717] {strides = array<i32>} : memref<2816xi32, #tpu.memory_space<vmem>>, vector<16xi32>,
    %get3A_719 = arith.constant 2096 : index
    %get3A_720 = tpu.vector_load %arg13[%get3A_719] {strides = array<i32>} : memref<2816xi32, #tpu.memory_space<vmem>>, vector<16xi32>,
    tpu.vector_store_idx %arg8[%get3A_718], %select_n3A_716 : memref<90816xi32, #tpu.memory_space<vmem>>[vector<16xi32>], vector<16xi32>,
    tpu.vector_store_idx %arg8[%get3A_720], %select_n3A_716 : memref<90816xi32, #tpu.memory_space<vmem>>[vector<16xi32>], vector<16xi32>,
    %get3A_721 = arith.constant 44 : i32
    %get3A_722 = arith.index_cast %get3A_721 : i32 to index
    %get3A_723 = arith.constant 0 : index
    %get3A_724 = tpu.vector_load %arg10[%get3A_722, %get3A_723] {strides = array<i32>} : memref<88x16xf32, #tpu.memory_space<vmem>>, vector<16xf32>,
    %gt3A_725 = arith.constant 3.200000e+01 : f32
    %gt3A_726 = vector.broadcast %gt3A_725 : f32 to vector<16xf32>
    %gt3A_727 = arith.cmpf ogt, %get3A_724, %gt3A_726 : vector<16xf32>
    %jit3A_728 = arith.constant 1 : i32
    %jit3A_729 = arith.constant 0 : i32
    %broadcast_in_dim3A_730 = vector.broadcast %jit3A_728 : i32 to vector<16xi32>
    %broadcast_in_dim3A_731 = vector.broadcast %jit3A_729 : i32 to vector<16xi32>
    %select_n3A_732 = arith.select %gt3A_727, %broadcast_in_dim3A_730, %broadcast_in_dim3A_731 : vector<16xi1>, vector<16xi32>
    %get3A_733 = arith.constant 704 : index
    %get3A_734 = tpu.vector_load %arg13[%get3A_733] {strides = array<i32>} : memref<2816xi32, #tpu.memory_space<vmem>>, vector<16xi32>,
    %get3A_735 = arith.constant 2112 : index
    %get3A_736 = tpu.vector_load %arg13[%get3A_735] {strides = array<i32>} : memref<2816xi32, #tpu.memory_space<vmem>>, vector<16xi32>,
    tpu.vector_store_idx %arg8[%get3A_734], %select_n3A_732 : memref<90816xi32, #tpu.memory_space<vmem>>[vector<16xi32>], vector<16xi32>,
    tpu.vector_store_idx %arg8[%get3A_736], %select_n3A_732 : memref<90816xi32, #tpu.memory_space<vmem>>[vector<16xi32>], vector<16xi32>,
    %get3A_737 = arith.constant 45 : i32
    %get3A_738 = arith.index_cast %get3A_737 : i32 to index
    %get3A_739 = arith.constant 0 : index
    %get3A_740 = tpu.vector_load %arg10[%get3A_738, %get3A_739] {strides = array<i32>} : memref<88x16xf32, #tpu.memory_space<vmem>>, vector<16xf32>,
    %gt3A_741 = arith.constant 3.200000e+01 : f32
    %gt3A_742 = vector.broadcast %gt3A_741 : f32 to vector<16xf32>
    %gt3A_743 = arith.cmpf ogt, %get3A_740, %gt3A_742 : vector<16xf32>
    %jit3A_744 = arith.constant 1 : i32
    %jit3A_745 = arith.constant 0 : i32
    %broadcast_in_dim3A_746 = vector.broadcast %jit3A_744 : i32 to vector<16xi32>
    %broadcast_in_dim3A_747 = vector.broadcast %jit3A_745 : i32 to vector<16xi32>
    %select_n3A_748 = arith.select %gt3A_743, %broadcast_in_dim3A_746, %broadcast_in_dim3A_747 : vector<16xi1>, vector<16xi32>
    %get3A_749 = arith.constant 720 : index
    %get3A_750 = tpu.vector_load %arg13[%get3A_749] {strides = array<i32>} : memref<2816xi32, #tpu.memory_space<vmem>>, vector<16xi32>,
    %get3A_751 = arith.constant 2128 : index
    %get3A_752 = tpu.vector_load %arg13[%get3A_751] {strides = array<i32>} : memref<2816xi32, #tpu.memory_space<vmem>>, vector<16xi32>,
    tpu.vector_store_idx %arg8[%get3A_750], %select_n3A_748 : memref<90816xi32, #tpu.memory_space<vmem>>[vector<16xi32>], vector<16xi32>,
    tpu.vector_store_idx %arg8[%get3A_752], %select_n3A_748 : memref<90816xi32, #tpu.memory_space<vmem>>[vector<16xi32>], vector<16xi32>,
    %get3A_753 = arith.constant 46 : i32
    %get3A_754 = arith.index_cast %get3A_753 : i32 to index
    %get3A_755 = arith.constant 0 : index
    %get3A_756 = tpu.vector_load %arg10[%get3A_754, %get3A_755] {strides = array<i32>} : memref<88x16xf32, #tpu.memory_space<vmem>>, vector<16xf32>,
    %gt3A_757 = arith.constant 3.200000e+01 : f32
    %gt3A_758 = vector.broadcast %gt3A_757 : f32 to vector<16xf32>
    %gt3A_759 = arith.cmpf ogt, %get3A_756, %gt3A_758 : vector<16xf32>
    %jit3A_760 = arith.constant 1 : i32
    %jit3A_761 = arith.constant 0 : i32
    %broadcast_in_dim3A_762 = vector.broadcast %jit3A_760 : i32 to vector<16xi32>
    %broadcast_in_dim3A_763 = vector.broadcast %jit3A_761 : i32 to vector<16xi32>
    %select_n3A_764 = arith.select %gt3A_759, %broadcast_in_dim3A_762, %broadcast_in_dim3A_763 : vector<16xi1>, vector<16xi32>
    %get3A_765 = arith.constant 736 : index
    %get3A_766 = tpu.vector_load %arg13[%get3A_765] {strides = array<i32>} : memref<2816xi32, #tpu.memory_space<vmem>>, vector<16xi32>,
    %get3A_767 = arith.constant 2144 : index
    %get3A_768 = tpu.vector_load %arg13[%get3A_767] {strides = array<i32>} : memref<2816xi32, #tpu.memory_space<vmem>>, vector<16xi32>,
    tpu.vector_store_idx %arg8[%get3A_766], %select_n3A_764 : memref<90816xi32, #tpu.memory_space<vmem>>[vector<16xi32>], vector<16xi32>,
    tpu.vector_store_idx %arg8[%get3A_768], %select_n3A_764 : memref<90816xi32, #tpu.memory_space<vmem>>[vector<16xi32>], vector<16xi32>,
    %get3A_769 = arith.constant 47 : i32
    %get3A_770 = arith.index_cast %get3A_769 : i32 to index
    %get3A_771 = arith.constant 0 : index
    %get3A_772 = tpu.vector_load %arg10[%get3A_770, %get3A_771] {strides = array<i32>} : memref<88x16xf32, #tpu.memory_space<vmem>>, vector<16xf32>,
    %gt3A_773 = arith.constant 3.200000e+01 : f32
    %gt3A_774 = vector.broadcast %gt3A_773 : f32 to vector<16xf32>
    %gt3A_775 = arith.cmpf ogt, %get3A_772, %gt3A_774 : vector<16xf32>
    %jit3A_776 = arith.constant 1 : i32
    %jit3A_777 = arith.constant 0 : i32
    %broadcast_in_dim3A_778 = vector.broadcast %jit3A_776 : i32 to vector<16xi32>
    %broadcast_in_dim3A_779 = vector.broadcast %jit3A_777 : i32 to vector<16xi32>
    %select_n3A_780 = arith.select %gt3A_775, %broadcast_in_dim3A_778, %broadcast_in_dim3A_779 : vector<16xi1>, vector<16xi32>
    %get3A_781 = arith.constant 752 : index
    %get3A_782 = tpu.vector_load %arg13[%get3A_781] {strides = array<i32>} : memref<2816xi32, #tpu.memory_space<vmem>>, vector<16xi32>,
    %get3A_783 = arith.constant 2160 : index
    %get3A_784 = tpu.vector_load %arg13[%get3A_783] {strides = array<i32>} : memref<2816xi32, #tpu.memory_space<vmem>>, vector<16xi32>,
    tpu.vector_store_idx %arg8[%get3A_782], %select_n3A_780 : memref<90816xi32, #tpu.memory_space<vmem>>[vector<16xi32>], vector<16xi32>,
    tpu.vector_store_idx %arg8[%get3A_784], %select_n3A_780 : memref<90816xi32, #tpu.memory_space<vmem>>[vector<16xi32>], vector<16xi32>,
    %get3A_785 = arith.constant 48 : i32
    %get3A_786 = arith.index_cast %get3A_785 : i32 to index
    %get3A_787 = arith.constant 0 : index
    %get3A_788 = tpu.vector_load %arg10[%get3A_786, %get3A_787] {strides = array<i32>} : memref<88x16xf32, #tpu.memory_space<vmem>>, vector<16xf32>,
    %gt3A_789 = arith.constant 3.200000e+01 : f32
    %gt3A_790 = vector.broadcast %gt3A_789 : f32 to vector<16xf32>
    %gt3A_791 = arith.cmpf ogt, %get3A_788, %gt3A_790 : vector<16xf32>
    %jit3A_792 = arith.constant 1 : i32
    %jit3A_793 = arith.constant 0 : i32
    %broadcast_in_dim3A_794 = vector.broadcast %jit3A_792 : i32 to vector<16xi32>
    %broadcast_in_dim3A_795 = vector.broadcast %jit3A_793 : i32 to vector<16xi32>
    %select_n3A_796 = arith.select %gt3A_791, %broadcast_in_dim3A_794, %broadcast_in_dim3A_795 : vector<16xi1>, vector<16xi32>
    %get3A_797 = arith.constant 768 : index
    %get3A_798 = tpu.vector_load %arg13[%get3A_797] {strides = array<i32>} : memref<2816xi32, #tpu.memory_space<vmem>>, vector<16xi32>,
    %get3A_799 = arith.constant 2176 : index
    %get3A_800 = tpu.vector_load %arg13[%get3A_799] {strides = array<i32>} : memref<2816xi32, #tpu.memory_space<vmem>>, vector<16xi32>,
    tpu.vector_store_idx %arg8[%get3A_798], %select_n3A_796 : memref<90816xi32, #tpu.memory_space<vmem>>[vector<16xi32>], vector<16xi32>,
    tpu.vector_store_idx %arg8[%get3A_800], %select_n3A_796 : memref<90816xi32, #tpu.memory_space<vmem>>[vector<16xi32>], vector<16xi32>,
    %get3A_801 = arith.constant 49 : i32
    %get3A_802 = arith.index_cast %get3A_801 : i32 to index
    %get3A_803 = arith.constant 0 : index
    %get3A_804 = tpu.vector_load %arg10[%get3A_802, %get3A_803] {strides = array<i32>} : memref<88x16xf32, #tpu.memory_space<vmem>>, vector<16xf32>,
    %gt3A_805 = arith.constant 3.200000e+01 : f32
    %gt3A_806 = vector.broadcast %gt3A_805 : f32 to vector<16xf32>
    %gt3A_807 = arith.cmpf ogt, %get3A_804, %gt3A_806 : vector<16xf32>
    %jit3A_808 = arith.constant 1 : i32
    %jit3A_809 = arith.constant 0 : i32
    %broadcast_in_dim3A_810 = vector.broadcast %jit3A_808 : i32 to vector<16xi32>
    %broadcast_in_dim3A_811 = vector.broadcast %jit3A_809 : i32 to vector<16xi32>
    %select_n3A_812 = arith.select %gt3A_807, %broadcast_in_dim3A_810, %broadcast_in_dim3A_811 : vector<16xi1>, vector<16xi32>
    %get3A_813 = arith.constant 784 : index
    %get3A_814 = tpu.vector_load %arg13[%get3A_813] {strides = array<i32>} : memref<2816xi32, #tpu.memory_space<vmem>>, vector<16xi32>,
    %get3A_815 = arith.constant 2192 : index
    %get3A_816 = tpu.vector_load %arg13[%get3A_815] {strides = array<i32>} : memref<2816xi32, #tpu.memory_space<vmem>>, vector<16xi32>,
    tpu.vector_store_idx %arg8[%get3A_814], %select_n3A_812 : memref<90816xi32, #tpu.memory_space<vmem>>[vector<16xi32>], vector<16xi32>,
    tpu.vector_store_idx %arg8[%get3A_816], %select_n3A_812 : memref<90816xi32, #tpu.memory_space<vmem>>[vector<16xi32>], vector<16xi32>,
    %get3A_817 = arith.constant 50 : i32
    %get3A_818 = arith.index_cast %get3A_817 : i32 to index
    %get3A_819 = arith.constant 0 : index
    %get3A_820 = tpu.vector_load %arg10[%get3A_818, %get3A_819] {strides = array<i32>} : memref<88x16xf32, #tpu.memory_space<vmem>>, vector<16xf32>,
    %gt3A_821 = arith.constant 3.200000e+01 : f32
    %gt3A_822 = vector.broadcast %gt3A_821 : f32 to vector<16xf32>
    %gt3A_823 = arith.cmpf ogt, %get3A_820, %gt3A_822 : vector<16xf32>
    %jit3A_824 = arith.constant 1 : i32
    %jit3A_825 = arith.constant 0 : i32
    %broadcast_in_dim3A_826 = vector.broadcast %jit3A_824 : i32 to vector<16xi32>
    %broadcast_in_dim3A_827 = vector.broadcast %jit3A_825 : i32 to vector<16xi32>
    %select_n3A_828 = arith.select %gt3A_823, %broadcast_in_dim3A_826, %broadcast_in_dim3A_827 : vector<16xi1>, vector<16xi32>
    %get3A_829 = arith.constant 800 : index
    %get3A_830 = tpu.vector_load %arg13[%get3A_829] {strides = array<i32>} : memref<2816xi32, #tpu.memory_space<vmem>>, vector<16xi32>,
    %get3A_831 = arith.constant 2208 : index
    %get3A_832 = tpu.vector_load %arg13[%get3A_831] {strides = array<i32>} : memref<2816xi32, #tpu.memory_space<vmem>>, vector<16xi32>,
    tpu.vector_store_idx %arg8[%get3A_830], %select_n3A_828 : memref<90816xi32, #tpu.memory_space<vmem>>[vector<16xi32>], vector<16xi32>,
    tpu.vector_store_idx %arg8[%get3A_832], %select_n3A_828 : memref<90816xi32, #tpu.memory_space<vmem>>[vector<16xi32>], vector<16xi32>,
    %get3A_833 = arith.constant 51 : i32
    %get3A_834 = arith.index_cast %get3A_833 : i32 to index
    %get3A_835 = arith.constant 0 : index
    %get3A_836 = tpu.vector_load %arg10[%get3A_834, %get3A_835] {strides = array<i32>} : memref<88x16xf32, #tpu.memory_space<vmem>>, vector<16xf32>,
    %gt3A_837 = arith.constant 3.200000e+01 : f32
    %gt3A_838 = vector.broadcast %gt3A_837 : f32 to vector<16xf32>
    %gt3A_839 = arith.cmpf ogt, %get3A_836, %gt3A_838 : vector<16xf32>
    %jit3A_840 = arith.constant 1 : i32
    %jit3A_841 = arith.constant 0 : i32
    %broadcast_in_dim3A_842 = vector.broadcast %jit3A_840 : i32 to vector<16xi32>
    %broadcast_in_dim3A_843 = vector.broadcast %jit3A_841 : i32 to vector<16xi32>
    %select_n3A_844 = arith.select %gt3A_839, %broadcast_in_dim3A_842, %broadcast_in_dim3A_843 : vector<16xi1>, vector<16xi32>
    %get3A_845 = arith.constant 816 : index
    %get3A_846 = tpu.vector_load %arg13[%get3A_845] {strides = array<i32>} : memref<2816xi32, #tpu.memory_space<vmem>>, vector<16xi32>,
    %get3A_847 = arith.constant 2224 : index
    %get3A_848 = tpu.vector_load %arg13[%get3A_847] {strides = array<i32>} : memref<2816xi32, #tpu.memory_space<vmem>>, vector<16xi32>,
    tpu.vector_store_idx %arg8[%get3A_846], %select_n3A_844 : memref<90816xi32, #tpu.memory_space<vmem>>[vector<16xi32>], vector<16xi32>,
    tpu.vector_store_idx %arg8[%get3A_848], %select_n3A_844 : memref<90816xi32, #tpu.memory_space<vmem>>[vector<16xi32>], vector<16xi32>,
    %get3A_849 = arith.constant 52 : i32
    %get3A_850 = arith.index_cast %get3A_849 : i32 to index
    %get3A_851 = arith.constant 0 : index
    %get3A_852 = tpu.vector_load %arg10[%get3A_850, %get3A_851] {strides = array<i32>} : memref<88x16xf32, #tpu.memory_space<vmem>>, vector<16xf32>,
    %gt3A_853 = arith.constant 3.200000e+01 : f32
    %gt3A_854 = vector.broadcast %gt3A_853 : f32 to vector<16xf32>
    %gt3A_855 = arith.cmpf ogt, %get3A_852, %gt3A_854 : vector<16xf32>
    %jit3A_856 = arith.constant 1 : i32
    %jit3A_857 = arith.constant 0 : i32
    %broadcast_in_dim3A_858 = vector.broadcast %jit3A_856 : i32 to vector<16xi32>
    %broadcast_in_dim3A_859 = vector.broadcast %jit3A_857 : i32 to vector<16xi32>
    %select_n3A_860 = arith.select %gt3A_855, %broadcast_in_dim3A_858, %broadcast_in_dim3A_859 : vector<16xi1>, vector<16xi32>
    %get3A_861 = arith.constant 832 : index
    %get3A_862 = tpu.vector_load %arg13[%get3A_861] {strides = array<i32>} : memref<2816xi32, #tpu.memory_space<vmem>>, vector<16xi32>,
    %get3A_863 = arith.constant 2240 : index
    %get3A_864 = tpu.vector_load %arg13[%get3A_863] {strides = array<i32>} : memref<2816xi32, #tpu.memory_space<vmem>>, vector<16xi32>,
    tpu.vector_store_idx %arg8[%get3A_862], %select_n3A_860 : memref<90816xi32, #tpu.memory_space<vmem>>[vector<16xi32>], vector<16xi32>,
    tpu.vector_store_idx %arg8[%get3A_864], %select_n3A_860 : memref<90816xi32, #tpu.memory_space<vmem>>[vector<16xi32>], vector<16xi32>,
    %get3A_865 = arith.constant 53 : i32
    %get3A_866 = arith.index_cast %get3A_865 : i32 to index
    %get3A_867 = arith.constant 0 : index
    %get3A_868 = tpu.vector_load %arg10[%get3A_866, %get3A_867] {strides = array<i32>} : memref<88x16xf32, #tpu.memory_space<vmem>>, vector<16xf32>,
    %gt3A_869 = arith.constant 3.200000e+01 : f32
    %gt3A_870 = vector.broadcast %gt3A_869 : f32 to vector<16xf32>
    %gt3A_871 = arith.cmpf ogt, %get3A_868, %gt3A_870 : vector<16xf32>
    %jit3A_872 = arith.constant 1 : i32
    %jit3A_873 = arith.constant 0 : i32
    %broadcast_in_dim3A_874 = vector.broadcast %jit3A_872 : i32 to vector<16xi32>
    %broadcast_in_dim3A_875 = vector.broadcast %jit3A_873 : i32 to vector<16xi32>
    %select_n3A_876 = arith.select %gt3A_871, %broadcast_in_dim3A_874, %broadcast_in_dim3A_875 : vector<16xi1>, vector<16xi32>
    %get3A_877 = arith.constant 848 : index
    %get3A_878 = tpu.vector_load %arg13[%get3A_877] {strides = array<i32>} : memref<2816xi32, #tpu.memory_space<vmem>>, vector<16xi32>,
    %get3A_879 = arith.constant 2256 : index
    %get3A_880 = tpu.vector_load %arg13[%get3A_879] {strides = array<i32>} : memref<2816xi32, #tpu.memory_space<vmem>>, vector<16xi32>,
    tpu.vector_store_idx %arg8[%get3A_878], %select_n3A_876 : memref<90816xi32, #tpu.memory_space<vmem>>[vector<16xi32>], vector<16xi32>,
    tpu.vector_store_idx %arg8[%get3A_880], %select_n3A_876 : memref<90816xi32, #tpu.memory_space<vmem>>[vector<16xi32>], vector<16xi32>,
    %get3A_881 = arith.constant 54 : i32
    %get3A_882 = arith.index_cast %get3A_881 : i32 to index
    %get3A_883 = arith.constant 0 : index
    %get3A_884 = tpu.vector_load %arg10[%get3A_882, %get3A_883] {strides = array<i32>} : memref<88x16xf32, #tpu.memory_space<vmem>>, vector<16xf32>,
    %gt3A_885 = arith.constant 3.200000e+01 : f32
    %gt3A_886 = vector.broadcast %gt3A_885 : f32 to vector<16xf32>
    %gt3A_887 = arith.cmpf ogt, %get3A_884, %gt3A_886 : vector<16xf32>
    %jit3A_888 = arith.constant 1 : i32
    %jit3A_889 = arith.constant 0 : i32
    %broadcast_in_dim3A_890 = vector.broadcast %jit3A_888 : i32 to vector<16xi32>
    %broadcast_in_dim3A_891 = vector.broadcast %jit3A_889 : i32 to vector<16xi32>
    %select_n3A_892 = arith.select %gt3A_887, %broadcast_in_dim3A_890, %broadcast_in_dim3A_891 : vector<16xi1>, vector<16xi32>
    %get3A_893 = arith.constant 864 : index
    %get3A_894 = tpu.vector_load %arg13[%get3A_893] {strides = array<i32>} : memref<2816xi32, #tpu.memory_space<vmem>>, vector<16xi32>,
    %get3A_895 = arith.constant 2272 : index
    %get3A_896 = tpu.vector_load %arg13[%get3A_895] {strides = array<i32>} : memref<2816xi32, #tpu.memory_space<vmem>>, vector<16xi32>,
    tpu.vector_store_idx %arg8[%get3A_894], %select_n3A_892 : memref<90816xi32, #tpu.memory_space<vmem>>[vector<16xi32>], vector<16xi32>,
    tpu.vector_store_idx %arg8[%get3A_896], %select_n3A_892 : memref<90816xi32, #tpu.memory_space<vmem>>[vector<16xi32>], vector<16xi32>,
    %get3A_897 = arith.constant 55 : i32
    %get3A_898 = arith.index_cast %get3A_897 : i32 to index
    %get3A_899 = arith.constant 0 : index
    %get3A_900 = tpu.vector_load %arg10[%get3A_898, %get3A_899] {strides = array<i32>} : memref<88x16xf32, #tpu.memory_space<vmem>>, vector<16xf32>,
    %gt3A_901 = arith.constant 3.200000e+01 : f32
    %gt3A_902 = vector.broadcast %gt3A_901 : f32 to vector<16xf32>
    %gt3A_903 = arith.cmpf ogt, %get3A_900, %gt3A_902 : vector<16xf32>
    %jit3A_904 = arith.constant 1 : i32
    %jit3A_905 = arith.constant 0 : i32
    %broadcast_in_dim3A_906 = vector.broadcast %jit3A_904 : i32 to vector<16xi32>
    %broadcast_in_dim3A_907 = vector.broadcast %jit3A_905 : i32 to vector<16xi32>
    %select_n3A_908 = arith.select %gt3A_903, %broadcast_in_dim3A_906, %broadcast_in_dim3A_907 : vector<16xi1>, vector<16xi32>
    %get3A_909 = arith.constant 880 : index
    %get3A_910 = tpu.vector_load %arg13[%get3A_909] {strides = array<i32>} : memref<2816xi32, #tpu.memory_space<vmem>>, vector<16xi32>,
    %get3A_911 = arith.constant 2288 : index
    %get3A_912 = tpu.vector_load %arg13[%get3A_911] {strides = array<i32>} : memref<2816xi32, #tpu.memory_space<vmem>>, vector<16xi32>,
    tpu.vector_store_idx %arg8[%get3A_910], %select_n3A_908 : memref<90816xi32, #tpu.memory_space<vmem>>[vector<16xi32>], vector<16xi32>,
    tpu.vector_store_idx %arg8[%get3A_912], %select_n3A_908 : memref<90816xi32, #tpu.memory_space<vmem>>[vector<16xi32>], vector<16xi32>,
    %get3A_913 = arith.constant 56 : i32
    %get3A_914 = arith.index_cast %get3A_913 : i32 to index
    %get3A_915 = arith.constant 0 : index
    %get3A_916 = tpu.vector_load %arg10[%get3A_914, %get3A_915] {strides = array<i32>} : memref<88x16xf32, #tpu.memory_space<vmem>>, vector<16xf32>,
    %gt3A_917 = arith.constant 3.200000e+01 : f32
    %gt3A_918 = vector.broadcast %gt3A_917 : f32 to vector<16xf32>
    %gt3A_919 = arith.cmpf ogt, %get3A_916, %gt3A_918 : vector<16xf32>
    %jit3A_920 = arith.constant 1 : i32
    %jit3A_921 = arith.constant 0 : i32
    %broadcast_in_dim3A_922 = vector.broadcast %jit3A_920 : i32 to vector<16xi32>
    %broadcast_in_dim3A_923 = vector.broadcast %jit3A_921 : i32 to vector<16xi32>
    %select_n3A_924 = arith.select %gt3A_919, %broadcast_in_dim3A_922, %broadcast_in_dim3A_923 : vector<16xi1>, vector<16xi32>
    %get3A_925 = arith.constant 896 : index
    %get3A_926 = tpu.vector_load %arg13[%get3A_925] {strides = array<i32>} : memref<2816xi32, #tpu.memory_space<vmem>>, vector<16xi32>,
    %get3A_927 = arith.constant 2304 : index
    %get3A_928 = tpu.vector_load %arg13[%get3A_927] {strides = array<i32>} : memref<2816xi32, #tpu.memory_space<vmem>>, vector<16xi32>,
    tpu.vector_store_idx %arg8[%get3A_926], %select_n3A_924 : memref<90816xi32, #tpu.memory_space<vmem>>[vector<16xi32>], vector<16xi32>,
    tpu.vector_store_idx %arg8[%get3A_928], %select_n3A_924 : memref<90816xi32, #tpu.memory_space<vmem>>[vector<16xi32>], vector<16xi32>,
    %get3A_929 = arith.constant 57 : i32
    %get3A_930 = arith.index_cast %get3A_929 : i32 to index
    %get3A_931 = arith.constant 0 : index
    %get3A_932 = tpu.vector_load %arg10[%get3A_930, %get3A_931] {strides = array<i32>} : memref<88x16xf32, #tpu.memory_space<vmem>>, vector<16xf32>,
    %gt3A_933 = arith.constant 3.200000e+01 : f32
    %gt3A_934 = vector.broadcast %gt3A_933 : f32 to vector<16xf32>
    %gt3A_935 = arith.cmpf ogt, %get3A_932, %gt3A_934 : vector<16xf32>
    %jit3A_936 = arith.constant 1 : i32
    %jit3A_937 = arith.constant 0 : i32
    %broadcast_in_dim3A_938 = vector.broadcast %jit3A_936 : i32 to vector<16xi32>
    %broadcast_in_dim3A_939 = vector.broadcast %jit3A_937 : i32 to vector<16xi32>
    %select_n3A_940 = arith.select %gt3A_935, %broadcast_in_dim3A_938, %broadcast_in_dim3A_939 : vector<16xi1>, vector<16xi32>
    %get3A_941 = arith.constant 912 : index
    %get3A_942 = tpu.vector_load %arg13[%get3A_941] {strides = array<i32>} : memref<2816xi32, #tpu.memory_space<vmem>>, vector<16xi32>,
    %get3A_943 = arith.constant 2320 : index
    %get3A_944 = tpu.vector_load %arg13[%get3A_943] {strides = array<i32>} : memref<2816xi32, #tpu.memory_space<vmem>>, vector<16xi32>,
    tpu.vector_store_idx %arg8[%get3A_942], %select_n3A_940 : memref<90816xi32, #tpu.memory_space<vmem>>[vector<16xi32>], vector<16xi32>,
    tpu.vector_store_idx %arg8[%get3A_944], %select_n3A_940 : memref<90816xi32, #tpu.memory_space<vmem>>[vector<16xi32>], vector<16xi32>,
    %get3A_945 = arith.constant 58 : i32
    %get3A_946 = arith.index_cast %get3A_945 : i32 to index
    %get3A_947 = arith.constant 0 : index
    %get3A_948 = tpu.vector_load %arg10[%get3A_946, %get3A_947] {strides = array<i32>} : memref<88x16xf32, #tpu.memory_space<vmem>>, vector<16xf32>,
    %gt3A_949 = arith.constant 3.200000e+01 : f32
    %gt3A_950 = vector.broadcast %gt3A_949 : f32 to vector<16xf32>
    %gt3A_951 = arith.cmpf ogt, %get3A_948, %gt3A_950 : vector<16xf32>
    %jit3A_952 = arith.constant 1 : i32
    %jit3A_953 = arith.constant 0 : i32
    %broadcast_in_dim3A_954 = vector.broadcast %jit3A_952 : i32 to vector<16xi32>
    %broadcast_in_dim3A_955 = vector.broadcast %jit3A_953 : i32 to vector<16xi32>
    %select_n3A_956 = arith.select %gt3A_951, %broadcast_in_dim3A_954, %broadcast_in_dim3A_955 : vector<16xi1>, vector<16xi32>
    %get3A_957 = arith.constant 928 : index
    %get3A_958 = tpu.vector_load %arg13[%get3A_957] {strides = array<i32>} : memref<2816xi32, #tpu.memory_space<vmem>>, vector<16xi32>,
    %get3A_959 = arith.constant 2336 : index
    %get3A_960 = tpu.vector_load %arg13[%get3A_959] {strides = array<i32>} : memref<2816xi32, #tpu.memory_space<vmem>>, vector<16xi32>,
    tpu.vector_store_idx %arg8[%get3A_958], %select_n3A_956 : memref<90816xi32, #tpu.memory_space<vmem>>[vector<16xi32>], vector<16xi32>,
    tpu.vector_store_idx %arg8[%get3A_960], %select_n3A_956 : memref<90816xi32, #tpu.memory_space<vmem>>[vector<16xi32>], vector<16xi32>,
    %get3A_961 = arith.constant 59 : i32
    %get3A_962 = arith.index_cast %get3A_961 : i32 to index
    %get3A_963 = arith.constant 0 : index
    %get3A_964 = tpu.vector_load %arg10[%get3A_962, %get3A_963] {strides = array<i32>} : memref<88x16xf32, #tpu.memory_space<vmem>>, vector<16xf32>,
    %gt3A_965 = arith.constant 3.200000e+01 : f32
    %gt3A_966 = vector.broadcast %gt3A_965 : f32 to vector<16xf32>
    %gt3A_967 = arith.cmpf ogt, %get3A_964, %gt3A_966 : vector<16xf32>
    %jit3A_968 = arith.constant 1 : i32
    %jit3A_969 = arith.constant 0 : i32
    %broadcast_in_dim3A_970 = vector.broadcast %jit3A_968 : i32 to vector<16xi32>
    %broadcast_in_dim3A_971 = vector.broadcast %jit3A_969 : i32 to vector<16xi32>
    %select_n3A_972 = arith.select %gt3A_967, %broadcast_in_dim3A_970, %broadcast_in_dim3A_971 : vector<16xi1>, vector<16xi32>
    %get3A_973 = arith.constant 944 : index
    %get3A_974 = tpu.vector_load %arg13[%get3A_973] {strides = array<i32>} : memref<2816xi32, #tpu.memory_space<vmem>>, vector<16xi32>,
    %get3A_975 = arith.constant 2352 : index
    %get3A_976 = tpu.vector_load %arg13[%get3A_975] {strides = array<i32>} : memref<2816xi32, #tpu.memory_space<vmem>>, vector<16xi32>,
    tpu.vector_store_idx %arg8[%get3A_974], %select_n3A_972 : memref<90816xi32, #tpu.memory_space<vmem>>[vector<16xi32>], vector<16xi32>,
    tpu.vector_store_idx %arg8[%get3A_976], %select_n3A_972 : memref<90816xi32, #tpu.memory_space<vmem>>[vector<16xi32>], vector<16xi32>,
    %get3A_977 = arith.constant 60 : i32
    %get3A_978 = arith.index_cast %get3A_977 : i32 to index
    %get3A_979 = arith.constant 0 : index
    %get3A_980 = tpu.vector_load %arg10[%get3A_978, %get3A_979] {strides = array<i32>} : memref<88x16xf32, #tpu.memory_space<vmem>>, vector<16xf32>,
    %gt3A_981 = arith.constant 3.200000e+01 : f32
    %gt3A_982 = vector.broadcast %gt3A_981 : f32 to vector<16xf32>
    %gt3A_983 = arith.cmpf ogt, %get3A_980, %gt3A_982 : vector<16xf32>
    %jit3A_984 = arith.constant 1 : i32
    %jit3A_985 = arith.constant 0 : i32
    %broadcast_in_dim3A_986 = vector.broadcast %jit3A_984 : i32 to vector<16xi32>
    %broadcast_in_dim3A_987 = vector.broadcast %jit3A_985 : i32 to vector<16xi32>
    %select_n3A_988 = arith.select %gt3A_983, %broadcast_in_dim3A_986, %broadcast_in_dim3A_987 : vector<16xi1>, vector<16xi32>
    %get3A_989 = arith.constant 960 : index
    %get3A_990 = tpu.vector_load %arg13[%get3A_989] {strides = array<i32>} : memref<2816xi32, #tpu.memory_space<vmem>>, vector<16xi32>,
    %get3A_991 = arith.constant 2368 : index
    %get3A_992 = tpu.vector_load %arg13[%get3A_991] {strides = array<i32>} : memref<2816xi32, #tpu.memory_space<vmem>>, vector<16xi32>,
    tpu.vector_store_idx %arg8[%get3A_990], %select_n3A_988 : memref<90816xi32, #tpu.memory_space<vmem>>[vector<16xi32>], vector<16xi32>,
    tpu.vector_store_idx %arg8[%get3A_992], %select_n3A_988 : memref<90816xi32, #tpu.memory_space<vmem>>[vector<16xi32>], vector<16xi32>,
    %get3A_993 = arith.constant 61 : i32
    %get3A_994 = arith.index_cast %get3A_993 : i32 to index
    %get3A_995 = arith.constant 0 : index
    %get3A_996 = tpu.vector_load %arg10[%get3A_994, %get3A_995] {strides = array<i32>} : memref<88x16xf32, #tpu.memory_space<vmem>>, vector<16xf32>,
    %gt3A_997 = arith.constant 3.200000e+01 : f32
    %gt3A_998 = vector.broadcast %gt3A_997 : f32 to vector<16xf32>
    %gt3A_999 = arith.cmpf ogt, %get3A_996, %gt3A_998 : vector<16xf32>
    %jit3A_1000 = arith.constant 1 : i32
    %jit3A_1001 = arith.constant 0 : i32
    %broadcast_in_dim3A_1002 = vector.broadcast %jit3A_1000 : i32 to vector<16xi32>
    %broadcast_in_dim3A_1003 = vector.broadcast %jit3A_1001 : i32 to vector<16xi32>
    %select_n3A_1004 = arith.select %gt3A_999, %broadcast_in_dim3A_1002, %broadcast_in_dim3A_1003 : vector<16xi1>, vector<16xi32>
    %get3A_1005 = arith.constant 976 : index
    %get3A_1006 = tpu.vector_load %arg13[%get3A_1005] {strides = array<i32>} : memref<2816xi32, #tpu.memory_space<vmem>>, vector<16xi32>,
    %get3A_1007 = arith.constant 2384 : index
    %get3A_1008 = tpu.vector_load %arg13[%get3A_1007] {strides = array<i32>} : memref<2816xi32, #tpu.memory_space<vmem>>, vector<16xi32>,
    tpu.vector_store_idx %arg8[%get3A_1006], %select_n3A_1004 : memref<90816xi32, #tpu.memory_space<vmem>>[vector<16xi32>], vector<16xi32>,
    tpu.vector_store_idx %arg8[%get3A_1008], %select_n3A_1004 : memref<90816xi32, #tpu.memory_space<vmem>>[vector<16xi32>], vector<16xi32>,
    %get3A_1009 = arith.constant 62 : i32
    %get3A_1010 = arith.index_cast %get3A_1009 : i32 to index
    %get3A_1011 = arith.constant 0 : index
    %get3A_1012 = tpu.vector_load %arg10[%get3A_1010, %get3A_1011] {strides = array<i32>} : memref<88x16xf32, #tpu.memory_space<vmem>>, vector<16xf32>,
    %gt3A_1013 = arith.constant 3.200000e+01 : f32
    %gt3A_1014 = vector.broadcast %gt3A_1013 : f32 to vector<16xf32>
    %gt3A_1015 = arith.cmpf ogt, %get3A_1012, %gt3A_1014 : vector<16xf32>
    %jit3A_1016 = arith.constant 1 : i32
    %jit3A_1017 = arith.constant 0 : i32
    %broadcast_in_dim3A_1018 = vector.broadcast %jit3A_1016 : i32 to vector<16xi32>
    %broadcast_in_dim3A_1019 = vector.broadcast %jit3A_1017 : i32 to vector<16xi32>
    %select_n3A_1020 = arith.select %gt3A_1015, %broadcast_in_dim3A_1018, %broadcast_in_dim3A_1019 : vector<16xi1>, vector<16xi32>
    %get3A_1021 = arith.constant 992 : index
    %get3A_1022 = tpu.vector_load %arg13[%get3A_1021] {strides = array<i32>} : memref<2816xi32, #tpu.memory_space<vmem>>, vector<16xi32>,
    %get3A_1023 = arith.constant 2400 : index
    %get3A_1024 = tpu.vector_load %arg13[%get3A_1023] {strides = array<i32>} : memref<2816xi32, #tpu.memory_space<vmem>>, vector<16xi32>,
    tpu.vector_store_idx %arg8[%get3A_1022], %select_n3A_1020 : memref<90816xi32, #tpu.memory_space<vmem>>[vector<16xi32>], vector<16xi32>,
    tpu.vector_store_idx %arg8[%get3A_1024], %select_n3A_1020 : memref<90816xi32, #tpu.memory_space<vmem>>[vector<16xi32>], vector<16xi32>,
    %get3A_1025 = arith.constant 63 : i32
    %get3A_1026 = arith.index_cast %get3A_1025 : i32 to index
    %get3A_1027 = arith.constant 0 : index
    %get3A_1028 = tpu.vector_load %arg10[%get3A_1026, %get3A_1027] {strides = array<i32>} : memref<88x16xf32, #tpu.memory_space<vmem>>, vector<16xf32>,
    %gt3A_1029 = arith.constant 3.200000e+01 : f32
    %gt3A_1030 = vector.broadcast %gt3A_1029 : f32 to vector<16xf32>
    %gt3A_1031 = arith.cmpf ogt, %get3A_1028, %gt3A_1030 : vector<16xf32>
    %jit3A_1032 = arith.constant 1 : i32
    %jit3A_1033 = arith.constant 0 : i32
    %broadcast_in_dim3A_1034 = vector.broadcast %jit3A_1032 : i32 to vector<16xi32>
    %broadcast_in_dim3A_1035 = vector.broadcast %jit3A_1033 : i32 to vector<16xi32>
    %select_n3A_1036 = arith.select %gt3A_1031, %broadcast_in_dim3A_1034, %broadcast_in_dim3A_1035 : vector<16xi1>, vector<16xi32>
    %get3A_1037 = arith.constant 1008 : index
    %get3A_1038 = tpu.vector_load %arg13[%get3A_1037] {strides = array<i32>} : memref<2816xi32, #tpu.memory_space<vmem>>, vector<16xi32>,
    %get3A_1039 = arith.constant 2416 : index
    %get3A_1040 = tpu.vector_load %arg13[%get3A_1039] {strides = array<i32>} : memref<2816xi32, #tpu.memory_space<vmem>>, vector<16xi32>,
    tpu.vector_store_idx %arg8[%get3A_1038], %select_n3A_1036 : memref<90816xi32, #tpu.memory_space<vmem>>[vector<16xi32>], vector<16xi32>,
    tpu.vector_store_idx %arg8[%get3A_1040], %select_n3A_1036 : memref<90816xi32, #tpu.memory_space<vmem>>[vector<16xi32>], vector<16xi32>,
    %get3A_1041 = arith.constant 64 : i32
    %get3A_1042 = arith.index_cast %get3A_1041 : i32 to index
    %get3A_1043 = arith.constant 0 : index
    %get3A_1044 = tpu.vector_load %arg10[%get3A_1042, %get3A_1043] {strides = array<i32>} : memref<88x16xf32, #tpu.memory_space<vmem>>, vector<16xf32>,
    %gt3A_1045 = arith.constant 3.200000e+01 : f32
    %gt3A_1046 = vector.broadcast %gt3A_1045 : f32 to vector<16xf32>
    %gt3A_1047 = arith.cmpf ogt, %get3A_1044, %gt3A_1046 : vector<16xf32>
    %jit3A_1048 = arith.constant 1 : i32
    %jit3A_1049 = arith.constant 0 : i32
    %broadcast_in_dim3A_1050 = vector.broadcast %jit3A_1048 : i32 to vector<16xi32>
    %broadcast_in_dim3A_1051 = vector.broadcast %jit3A_1049 : i32 to vector<16xi32>
    %select_n3A_1052 = arith.select %gt3A_1047, %broadcast_in_dim3A_1050, %broadcast_in_dim3A_1051 : vector<16xi1>, vector<16xi32>
    %get3A_1053 = arith.constant 1024 : index
    %get3A_1054 = tpu.vector_load %arg13[%get3A_1053] {strides = array<i32>} : memref<2816xi32, #tpu.memory_space<vmem>>, vector<16xi32>,
    %get3A_1055 = arith.constant 2432 : index
    %get3A_1056 = tpu.vector_load %arg13[%get3A_1055] {strides = array<i32>} : memref<2816xi32, #tpu.memory_space<vmem>>, vector<16xi32>,
    tpu.vector_store_idx %arg8[%get3A_1054], %select_n3A_1052 : memref<90816xi32, #tpu.memory_space<vmem>>[vector<16xi32>], vector<16xi32>,
    tpu.vector_store_idx %arg8[%get3A_1056], %select_n3A_1052 : memref<90816xi32, #tpu.memory_space<vmem>>[vector<16xi32>], vector<16xi32>,
    %get3A_1057 = arith.constant 65 : i32
    %get3A_1058 = arith.index_cast %get3A_1057 : i32 to index
    %get3A_1059 = arith.constant 0 : index
    %get3A_1060 = tpu.vector_load %arg10[%get3A_1058, %get3A_1059] {strides = array<i32>} : memref<88x16xf32, #tpu.memory_space<vmem>>, vector<16xf32>,
    %gt3A_1061 = arith.constant 3.200000e+01 : f32
    %gt3A_1062 = vector.broadcast %gt3A_1061 : f32 to vector<16xf32>
    %gt3A_1063 = arith.cmpf ogt, %get3A_1060, %gt3A_1062 : vector<16xf32>
    %jit3A_1064 = arith.constant 1 : i32
    %jit3A_1065 = arith.constant 0 : i32
    %broadcast_in_dim3A_1066 = vector.broadcast %jit3A_1064 : i32 to vector<16xi32>
    %broadcast_in_dim3A_1067 = vector.broadcast %jit3A_1065 : i32 to vector<16xi32>
    %select_n3A_1068 = arith.select %gt3A_1063, %broadcast_in_dim3A_1066, %broadcast_in_dim3A_1067 : vector<16xi1>, vector<16xi32>
    %get3A_1069 = arith.constant 1040 : index
    %get3A_1070 = tpu.vector_load %arg13[%get3A_1069] {strides = array<i32>} : memref<2816xi32, #tpu.memory_space<vmem>>, vector<16xi32>,
    %get3A_1071 = arith.constant 2448 : index
    %get3A_1072 = tpu.vector_load %arg13[%get3A_1071] {strides = array<i32>} : memref<2816xi32, #tpu.memory_space<vmem>>, vector<16xi32>,
    tpu.vector_store_idx %arg8[%get3A_1070], %select_n3A_1068 : memref<90816xi32, #tpu.memory_space<vmem>>[vector<16xi32>], vector<16xi32>,
    tpu.vector_store_idx %arg8[%get3A_1072], %select_n3A_1068 : memref<90816xi32, #tpu.memory_space<vmem>>[vector<16xi32>], vector<16xi32>,
    %get3A_1073 = arith.constant 66 : i32
    %get3A_1074 = arith.index_cast %get3A_1073 : i32 to index
    %get3A_1075 = arith.constant 0 : index
    %get3A_1076 = tpu.vector_load %arg10[%get3A_1074, %get3A_1075] {strides = array<i32>} : memref<88x16xf32, #tpu.memory_space<vmem>>, vector<16xf32>,
    %gt3A_1077 = arith.constant 3.200000e+01 : f32
    %gt3A_1078 = vector.broadcast %gt3A_1077 : f32 to vector<16xf32>
    %gt3A_1079 = arith.cmpf ogt, %get3A_1076, %gt3A_1078 : vector<16xf32>
    %jit3A_1080 = arith.constant 1 : i32
    %jit3A_1081 = arith.constant 0 : i32
    %broadcast_in_dim3A_1082 = vector.broadcast %jit3A_1080 : i32 to vector<16xi32>
    %broadcast_in_dim3A_1083 = vector.broadcast %jit3A_1081 : i32 to vector<16xi32>
    %select_n3A_1084 = arith.select %gt3A_1079, %broadcast_in_dim3A_1082, %broadcast_in_dim3A_1083 : vector<16xi1>, vector<16xi32>
    %get3A_1085 = arith.constant 1056 : index
    %get3A_1086 = tpu.vector_load %arg13[%get3A_1085] {strides = array<i32>} : memref<2816xi32, #tpu.memory_space<vmem>>, vector<16xi32>,
    %get3A_1087 = arith.constant 2464 : index
    %get3A_1088 = tpu.vector_load %arg13[%get3A_1087] {strides = array<i32>} : memref<2816xi32, #tpu.memory_space<vmem>>, vector<16xi32>,
    tpu.vector_store_idx %arg8[%get3A_1086], %select_n3A_1084 : memref<90816xi32, #tpu.memory_space<vmem>>[vector<16xi32>], vector<16xi32>,
    tpu.vector_store_idx %arg8[%get3A_1088], %select_n3A_1084 : memref<90816xi32, #tpu.memory_space<vmem>>[vector<16xi32>], vector<16xi32>,
    %get3A_1089 = arith.constant 67 : i32
    %get3A_1090 = arith.index_cast %get3A_1089 : i32 to index
    %get3A_1091 = arith.constant 0 : index
    %get3A_1092 = tpu.vector_load %arg10[%get3A_1090, %get3A_1091] {strides = array<i32>} : memref<88x16xf32, #tpu.memory_space<vmem>>, vector<16xf32>,
    %gt3A_1093 = arith.constant 3.200000e+01 : f32
    %gt3A_1094 = vector.broadcast %gt3A_1093 : f32 to vector<16xf32>
    %gt3A_1095 = arith.cmpf ogt, %get3A_1092, %gt3A_1094 : vector<16xf32>
    %jit3A_1096 = arith.constant 1 : i32
    %jit3A_1097 = arith.constant 0 : i32
    %broadcast_in_dim3A_1098 = vector.broadcast %jit3A_1096 : i32 to vector<16xi32>
    %broadcast_in_dim3A_1099 = vector.broadcast %jit3A_1097 : i32 to vector<16xi32>
    %select_n3A_1100 = arith.select %gt3A_1095, %broadcast_in_dim3A_1098, %broadcast_in_dim3A_1099 : vector<16xi1>, vector<16xi32>
    %get3A_1101 = arith.constant 1072 : index
    %get3A_1102 = tpu.vector_load %arg13[%get3A_1101] {strides = array<i32>} : memref<2816xi32, #tpu.memory_space<vmem>>, vector<16xi32>,
    %get3A_1103 = arith.constant 2480 : index
    %get3A_1104 = tpu.vector_load %arg13[%get3A_1103] {strides = array<i32>} : memref<2816xi32, #tpu.memory_space<vmem>>, vector<16xi32>,
    tpu.vector_store_idx %arg8[%get3A_1102], %select_n3A_1100 : memref<90816xi32, #tpu.memory_space<vmem>>[vector<16xi32>], vector<16xi32>,
    tpu.vector_store_idx %arg8[%get3A_1104], %select_n3A_1100 : memref<90816xi32, #tpu.memory_space<vmem>>[vector<16xi32>], vector<16xi32>,
    %get3A_1105 = arith.constant 68 : i32
    %get3A_1106 = arith.index_cast %get3A_1105 : i32 to index
    %get3A_1107 = arith.constant 0 : index
    %get3A_1108 = tpu.vector_load %arg10[%get3A_1106, %get3A_1107] {strides = array<i32>} : memref<88x16xf32, #tpu.memory_space<vmem>>, vector<16xf32>,
    %gt3A_1109 = arith.constant 3.200000e+01 : f32
    %gt3A_1110 = vector.broadcast %gt3A_1109 : f32 to vector<16xf32>
    %gt3A_1111 = arith.cmpf ogt, %get3A_1108, %gt3A_1110 : vector<16xf32>
    %jit3A_1112 = arith.constant 1 : i32
    %jit3A_1113 = arith.constant 0 : i32
    %broadcast_in_dim3A_1114 = vector.broadcast %jit3A_1112 : i32 to vector<16xi32>
    %broadcast_in_dim3A_1115 = vector.broadcast %jit3A_1113 : i32 to vector<16xi32>
    %select_n3A_1116 = arith.select %gt3A_1111, %broadcast_in_dim3A_1114, %broadcast_in_dim3A_1115 : vector<16xi1>, vector<16xi32>
    %get3A_1117 = arith.constant 1088 : index
    %get3A_1118 = tpu.vector_load %arg13[%get3A_1117] {strides = array<i32>} : memref<2816xi32, #tpu.memory_space<vmem>>, vector<16xi32>,
    %get3A_1119 = arith.constant 2496 : index
    %get3A_1120 = tpu.vector_load %arg13[%get3A_1119] {strides = array<i32>} : memref<2816xi32, #tpu.memory_space<vmem>>, vector<16xi32>,
    tpu.vector_store_idx %arg8[%get3A_1118], %select_n3A_1116 : memref<90816xi32, #tpu.memory_space<vmem>>[vector<16xi32>], vector<16xi32>,
    tpu.vector_store_idx %arg8[%get3A_1120], %select_n3A_1116 : memref<90816xi32, #tpu.memory_space<vmem>>[vector<16xi32>], vector<16xi32>,
    %get3A_1121 = arith.constant 69 : i32
    %get3A_1122 = arith.index_cast %get3A_1121 : i32 to index
    %get3A_1123 = arith.constant 0 : index
    %get3A_1124 = tpu.vector_load %arg10[%get3A_1122, %get3A_1123] {strides = array<i32>} : memref<88x16xf32, #tpu.memory_space<vmem>>, vector<16xf32>,
    %gt3A_1125 = arith.constant 3.200000e+01 : f32
    %gt3A_1126 = vector.broadcast %gt3A_1125 : f32 to vector<16xf32>
    %gt3A_1127 = arith.cmpf ogt, %get3A_1124, %gt3A_1126 : vector<16xf32>
    %jit3A_1128 = arith.constant 1 : i32
    %jit3A_1129 = arith.constant 0 : i32
    %broadcast_in_dim3A_1130 = vector.broadcast %jit3A_1128 : i32 to vector<16xi32>
    %broadcast_in_dim3A_1131 = vector.broadcast %jit3A_1129 : i32 to vector<16xi32>
    %select_n3A_1132 = arith.select %gt3A_1127, %broadcast_in_dim3A_1130, %broadcast_in_dim3A_1131 : vector<16xi1>, vector<16xi32>
    %get3A_1133 = arith.constant 1104 : index
    %get3A_1134 = tpu.vector_load %arg13[%get3A_1133] {strides = array<i32>} : memref<2816xi32, #tpu.memory_space<vmem>>, vector<16xi32>,
    %get3A_1135 = arith.constant 2512 : index
    %get3A_1136 = tpu.vector_load %arg13[%get3A_1135] {strides = array<i32>} : memref<2816xi32, #tpu.memory_space<vmem>>, vector<16xi32>,
    tpu.vector_store_idx %arg8[%get3A_1134], %select_n3A_1132 : memref<90816xi32, #tpu.memory_space<vmem>>[vector<16xi32>], vector<16xi32>,
    tpu.vector_store_idx %arg8[%get3A_1136], %select_n3A_1132 : memref<90816xi32, #tpu.memory_space<vmem>>[vector<16xi32>], vector<16xi32>,
    %get3A_1137 = arith.constant 70 : i32
    %get3A_1138 = arith.index_cast %get3A_1137 : i32 to index
    %get3A_1139 = arith.constant 0 : index
    %get3A_1140 = tpu.vector_load %arg10[%get3A_1138, %get3A_1139] {strides = array<i32>} : memref<88x16xf32, #tpu.memory_space<vmem>>, vector<16xf32>,
    %gt3A_1141 = arith.constant 3.200000e+01 : f32
    %gt3A_1142 = vector.broadcast %gt3A_1141 : f32 to vector<16xf32>
    %gt3A_1143 = arith.cmpf ogt, %get3A_1140, %gt3A_1142 : vector<16xf32>
    %jit3A_1144 = arith.constant 1 : i32
    %jit3A_1145 = arith.constant 0 : i32
    %broadcast_in_dim3A_1146 = vector.broadcast %jit3A_1144 : i32 to vector<16xi32>
    %broadcast_in_dim3A_1147 = vector.broadcast %jit3A_1145 : i32 to vector<16xi32>
    %select_n3A_1148 = arith.select %gt3A_1143, %broadcast_in_dim3A_1146, %broadcast_in_dim3A_1147 : vector<16xi1>, vector<16xi32>
    %get3A_1149 = arith.constant 1120 : index
    %get3A_1150 = tpu.vector_load %arg13[%get3A_1149] {strides = array<i32>} : memref<2816xi32, #tpu.memory_space<vmem>>, vector<16xi32>,
    %get3A_1151 = arith.constant 2528 : index
    %get3A_1152 = tpu.vector_load %arg13[%get3A_1151] {strides = array<i32>} : memref<2816xi32, #tpu.memory_space<vmem>>, vector<16xi32>,
    tpu.vector_store_idx %arg8[%get3A_1150], %select_n3A_1148 : memref<90816xi32, #tpu.memory_space<vmem>>[vector<16xi32>], vector<16xi32>,
    tpu.vector_store_idx %arg8[%get3A_1152], %select_n3A_1148 : memref<90816xi32, #tpu.memory_space<vmem>>[vector<16xi32>], vector<16xi32>,
    %get3A_1153 = arith.constant 71 : i32
    %get3A_1154 = arith.index_cast %get3A_1153 : i32 to index
    %get3A_1155 = arith.constant 0 : index
    %get3A_1156 = tpu.vector_load %arg10[%get3A_1154, %get3A_1155] {strides = array<i32>} : memref<88x16xf32, #tpu.memory_space<vmem>>, vector<16xf32>,
    %gt3A_1157 = arith.constant 3.200000e+01 : f32
    %gt3A_1158 = vector.broadcast %gt3A_1157 : f32 to vector<16xf32>
    %gt3A_1159 = arith.cmpf ogt, %get3A_1156, %gt3A_1158 : vector<16xf32>
    %jit3A_1160 = arith.constant 1 : i32
    %jit3A_1161 = arith.constant 0 : i32
    %broadcast_in_dim3A_1162 = vector.broadcast %jit3A_1160 : i32 to vector<16xi32>
    %broadcast_in_dim3A_1163 = vector.broadcast %jit3A_1161 : i32 to vector<16xi32>
    %select_n3A_1164 = arith.select %gt3A_1159, %broadcast_in_dim3A_1162, %broadcast_in_dim3A_1163 : vector<16xi1>, vector<16xi32>
    %get3A_1165 = arith.constant 1136 : index
    %get3A_1166 = tpu.vector_load %arg13[%get3A_1165] {strides = array<i32>} : memref<2816xi32, #tpu.memory_space<vmem>>, vector<16xi32>,
    %get3A_1167 = arith.constant 2544 : index
    %get3A_1168 = tpu.vector_load %arg13[%get3A_1167] {strides = array<i32>} : memref<2816xi32, #tpu.memory_space<vmem>>, vector<16xi32>,
    tpu.vector_store_idx %arg8[%get3A_1166], %select_n3A_1164 : memref<90816xi32, #tpu.memory_space<vmem>>[vector<16xi32>], vector<16xi32>,
    tpu.vector_store_idx %arg8[%get3A_1168], %select_n3A_1164 : memref<90816xi32, #tpu.memory_space<vmem>>[vector<16xi32>], vector<16xi32>,
    %get3A_1169 = arith.constant 72 : i32
    %get3A_1170 = arith.index_cast %get3A_1169 : i32 to index
    %get3A_1171 = arith.constant 0 : index
    %get3A_1172 = tpu.vector_load %arg10[%get3A_1170, %get3A_1171] {strides = array<i32>} : memref<88x16xf32, #tpu.memory_space<vmem>>, vector<16xf32>,
    %gt3A_1173 = arith.constant 3.200000e+01 : f32
    %gt3A_1174 = vector.broadcast %gt3A_1173 : f32 to vector<16xf32>
    %gt3A_1175 = arith.cmpf ogt, %get3A_1172, %gt3A_1174 : vector<16xf32>
    %jit3A_1176 = arith.constant 1 : i32
    %jit3A_1177 = arith.constant 0 : i32
    %broadcast_in_dim3A_1178 = vector.broadcast %jit3A_1176 : i32 to vector<16xi32>
    %broadcast_in_dim3A_1179 = vector.broadcast %jit3A_1177 : i32 to vector<16xi32>
    %select_n3A_1180 = arith.select %gt3A_1175, %broadcast_in_dim3A_1178, %broadcast_in_dim3A_1179 : vector<16xi1>, vector<16xi32>
    %get3A_1181 = arith.constant 1152 : index
    %get3A_1182 = tpu.vector_load %arg13[%get3A_1181] {strides = array<i32>} : memref<2816xi32, #tpu.memory_space<vmem>>, vector<16xi32>,
    %get3A_1183 = arith.constant 2560 : index
    %get3A_1184 = tpu.vector_load %arg13[%get3A_1183] {strides = array<i32>} : memref<2816xi32, #tpu.memory_space<vmem>>, vector<16xi32>,
    tpu.vector_store_idx %arg8[%get3A_1182], %select_n3A_1180 : memref<90816xi32, #tpu.memory_space<vmem>>[vector<16xi32>], vector<16xi32>,
    tpu.vector_store_idx %arg8[%get3A_1184], %select_n3A_1180 : memref<90816xi32, #tpu.memory_space<vmem>>[vector<16xi32>], vector<16xi32>,
    %get3A_1185 = arith.constant 73 : i32
    %get3A_1186 = arith.index_cast %get3A_1185 : i32 to index
    %get3A_1187 = arith.constant 0 : index
    %get3A_1188 = tpu.vector_load %arg10[%get3A_1186, %get3A_1187] {strides = array<i32>} : memref<88x16xf32, #tpu.memory_space<vmem>>, vector<16xf32>,
    %gt3A_1189 = arith.constant 3.200000e+01 : f32
    %gt3A_1190 = vector.broadcast %gt3A_1189 : f32 to vector<16xf32>
    %gt3A_1191 = arith.cmpf ogt, %get3A_1188, %gt3A_1190 : vector<16xf32>
    %jit3A_1192 = arith.constant 1 : i32
    %jit3A_1193 = arith.constant 0 : i32
    %broadcast_in_dim3A_1194 = vector.broadcast %jit3A_1192 : i32 to vector<16xi32>
    %broadcast_in_dim3A_1195 = vector.broadcast %jit3A_1193 : i32 to vector<16xi32>
    %select_n3A_1196 = arith.select %gt3A_1191, %broadcast_in_dim3A_1194, %broadcast_in_dim3A_1195 : vector<16xi1>, vector<16xi32>
    %get3A_1197 = arith.constant 1168 : index
    %get3A_1198 = tpu.vector_load %arg13[%get3A_1197] {strides = array<i32>} : memref<2816xi32, #tpu.memory_space<vmem>>, vector<16xi32>,
    %get3A_1199 = arith.constant 2576 : index
    %get3A_1200 = tpu.vector_load %arg13[%get3A_1199] {strides = array<i32>} : memref<2816xi32, #tpu.memory_space<vmem>>, vector<16xi32>,
    tpu.vector_store_idx %arg8[%get3A_1198], %select_n3A_1196 : memref<90816xi32, #tpu.memory_space<vmem>>[vector<16xi32>], vector<16xi32>,
    tpu.vector_store_idx %arg8[%get3A_1200], %select_n3A_1196 : memref<90816xi32, #tpu.memory_space<vmem>>[vector<16xi32>], vector<16xi32>,
    %get3A_1201 = arith.constant 74 : i32
    %get3A_1202 = arith.index_cast %get3A_1201 : i32 to index
    %get3A_1203 = arith.constant 0 : index
    %get3A_1204 = tpu.vector_load %arg10[%get3A_1202, %get3A_1203] {strides = array<i32>} : memref<88x16xf32, #tpu.memory_space<vmem>>, vector<16xf32>,
    %gt3A_1205 = arith.constant 3.200000e+01 : f32
    %gt3A_1206 = vector.broadcast %gt3A_1205 : f32 to vector<16xf32>
    %gt3A_1207 = arith.cmpf ogt, %get3A_1204, %gt3A_1206 : vector<16xf32>
    %jit3A_1208 = arith.constant 1 : i32
    %jit3A_1209 = arith.constant 0 : i32
    %broadcast_in_dim3A_1210 = vector.broadcast %jit3A_1208 : i32 to vector<16xi32>
    %broadcast_in_dim3A_1211 = vector.broadcast %jit3A_1209 : i32 to vector<16xi32>
    %select_n3A_1212 = arith.select %gt3A_1207, %broadcast_in_dim3A_1210, %broadcast_in_dim3A_1211 : vector<16xi1>, vector<16xi32>
    %get3A_1213 = arith.constant 1184 : index
    %get3A_1214 = tpu.vector_load %arg13[%get3A_1213] {strides = array<i32>} : memref<2816xi32, #tpu.memory_space<vmem>>, vector<16xi32>,
    %get3A_1215 = arith.constant 2592 : index
    %get3A_1216 = tpu.vector_load %arg13[%get3A_1215] {strides = array<i32>} : memref<2816xi32, #tpu.memory_space<vmem>>, vector<16xi32>,
    tpu.vector_store_idx %arg8[%get3A_1214], %select_n3A_1212 : memref<90816xi32, #tpu.memory_space<vmem>>[vector<16xi32>], vector<16xi32>,
    tpu.vector_store_idx %arg8[%get3A_1216], %select_n3A_1212 : memref<90816xi32, #tpu.memory_space<vmem>>[vector<16xi32>], vector<16xi32>,
    %get3A_1217 = arith.constant 75 : i32
    %get3A_1218 = arith.index_cast %get3A_1217 : i32 to index
    %get3A_1219 = arith.constant 0 : index
    %get3A_1220 = tpu.vector_load %arg10[%get3A_1218, %get3A_1219] {strides = array<i32>} : memref<88x16xf32, #tpu.memory_space<vmem>>, vector<16xf32>,
    %gt3A_1221 = arith.constant 3.200000e+01 : f32
    %gt3A_1222 = vector.broadcast %gt3A_1221 : f32 to vector<16xf32>
    %gt3A_1223 = arith.cmpf ogt, %get3A_1220, %gt3A_1222 : vector<16xf32>
    %jit3A_1224 = arith.constant 1 : i32
    %jit3A_1225 = arith.constant 0 : i32
    %broadcast_in_dim3A_1226 = vector.broadcast %jit3A_1224 : i32 to vector<16xi32>
    %broadcast_in_dim3A_1227 = vector.broadcast %jit3A_1225 : i32 to vector<16xi32>
    %select_n3A_1228 = arith.select %gt3A_1223, %broadcast_in_dim3A_1226, %broadcast_in_dim3A_1227 : vector<16xi1>, vector<16xi32>
    %get3A_1229 = arith.constant 1200 : index
    %get3A_1230 = tpu.vector_load %arg13[%get3A_1229] {strides = array<i32>} : memref<2816xi32, #tpu.memory_space<vmem>>, vector<16xi32>,
    %get3A_1231 = arith.constant 2608 : index
    %get3A_1232 = tpu.vector_load %arg13[%get3A_1231] {strides = array<i32>} : memref<2816xi32, #tpu.memory_space<vmem>>, vector<16xi32>,
    tpu.vector_store_idx %arg8[%get3A_1230], %select_n3A_1228 : memref<90816xi32, #tpu.memory_space<vmem>>[vector<16xi32>], vector<16xi32>,
    tpu.vector_store_idx %arg8[%get3A_1232], %select_n3A_1228 : memref<90816xi32, #tpu.memory_space<vmem>>[vector<16xi32>], vector<16xi32>,
    %get3A_1233 = arith.constant 76 : i32
    %get3A_1234 = arith.index_cast %get3A_1233 : i32 to index
    %get3A_1235 = arith.constant 0 : index
    %get3A_1236 = tpu.vector_load %arg10[%get3A_1234, %get3A_1235] {strides = array<i32>} : memref<88x16xf32, #tpu.memory_space<vmem>>, vector<16xf32>,
    %gt3A_1237 = arith.constant 3.200000e+01 : f32
    %gt3A_1238 = vector.broadcast %gt3A_1237 : f32 to vector<16xf32>
    %gt3A_1239 = arith.cmpf ogt, %get3A_1236, %gt3A_1238 : vector<16xf32>
    %jit3A_1240 = arith.constant 1 : i32
    %jit3A_1241 = arith.constant 0 : i32
    %broadcast_in_dim3A_1242 = vector.broadcast %jit3A_1240 : i32 to vector<16xi32>
    %broadcast_in_dim3A_1243 = vector.broadcast %jit3A_1241 : i32 to vector<16xi32>
    %select_n3A_1244 = arith.select %gt3A_1239, %broadcast_in_dim3A_1242, %broadcast_in_dim3A_1243 : vector<16xi1>, vector<16xi32>
    %get3A_1245 = arith.constant 1216 : index
    %get3A_1246 = tpu.vector_load %arg13[%get3A_1245] {strides = array<i32>} : memref<2816xi32, #tpu.memory_space<vmem>>, vector<16xi32>,
    %get3A_1247 = arith.constant 2624 : index
    %get3A_1248 = tpu.vector_load %arg13[%get3A_1247] {strides = array<i32>} : memref<2816xi32, #tpu.memory_space<vmem>>, vector<16xi32>,
    tpu.vector_store_idx %arg8[%get3A_1246], %select_n3A_1244 : memref<90816xi32, #tpu.memory_space<vmem>>[vector<16xi32>], vector<16xi32>,
    tpu.vector_store_idx %arg8[%get3A_1248], %select_n3A_1244 : memref<90816xi32, #tpu.memory_space<vmem>>[vector<16xi32>], vector<16xi32>,
    %get3A_1249 = arith.constant 77 : i32
    %get3A_1250 = arith.index_cast %get3A_1249 : i32 to index
    %get3A_1251 = arith.constant 0 : index
    %get3A_1252 = tpu.vector_load %arg10[%get3A_1250, %get3A_1251] {strides = array<i32>} : memref<88x16xf32, #tpu.memory_space<vmem>>, vector<16xf32>,
    %gt3A_1253 = arith.constant 3.200000e+01 : f32
    %gt3A_1254 = vector.broadcast %gt3A_1253 : f32 to vector<16xf32>
    %gt3A_1255 = arith.cmpf ogt, %get3A_1252, %gt3A_1254 : vector<16xf32>
    %jit3A_1256 = arith.constant 1 : i32
    %jit3A_1257 = arith.constant 0 : i32
    %broadcast_in_dim3A_1258 = vector.broadcast %jit3A_1256 : i32 to vector<16xi32>
    %broadcast_in_dim3A_1259 = vector.broadcast %jit3A_1257 : i32 to vector<16xi32>
    %select_n3A_1260 = arith.select %gt3A_1255, %broadcast_in_dim3A_1258, %broadcast_in_dim3A_1259 : vector<16xi1>, vector<16xi32>
    %get3A_1261 = arith.constant 1232 : index
    %get3A_1262 = tpu.vector_load %arg13[%get3A_1261] {strides = array<i32>} : memref<2816xi32, #tpu.memory_space<vmem>>, vector<16xi32>,
    %get3A_1263 = arith.constant 2640 : index
    %get3A_1264 = tpu.vector_load %arg13[%get3A_1263] {strides = array<i32>} : memref<2816xi32, #tpu.memory_space<vmem>>, vector<16xi32>,
    tpu.vector_store_idx %arg8[%get3A_1262], %select_n3A_1260 : memref<90816xi32, #tpu.memory_space<vmem>>[vector<16xi32>], vector<16xi32>,
    tpu.vector_store_idx %arg8[%get3A_1264], %select_n3A_1260 : memref<90816xi32, #tpu.memory_space<vmem>>[vector<16xi32>], vector<16xi32>,
    %get3A_1265 = arith.constant 78 : i32
    %get3A_1266 = arith.index_cast %get3A_1265 : i32 to index
    %get3A_1267 = arith.constant 0 : index
    %get3A_1268 = tpu.vector_load %arg10[%get3A_1266, %get3A_1267] {strides = array<i32>} : memref<88x16xf32, #tpu.memory_space<vmem>>, vector<16xf32>,
    %gt3A_1269 = arith.constant 3.200000e+01 : f32
    %gt3A_1270 = vector.broadcast %gt3A_1269 : f32 to vector<16xf32>
    %gt3A_1271 = arith.cmpf ogt, %get3A_1268, %gt3A_1270 : vector<16xf32>
    %jit3A_1272 = arith.constant 1 : i32
    %jit3A_1273 = arith.constant 0 : i32
    %broadcast_in_dim3A_1274 = vector.broadcast %jit3A_1272 : i32 to vector<16xi32>
    %broadcast_in_dim3A_1275 = vector.broadcast %jit3A_1273 : i32 to vector<16xi32>
    %select_n3A_1276 = arith.select %gt3A_1271, %broadcast_in_dim3A_1274, %broadcast_in_dim3A_1275 : vector<16xi1>, vector<16xi32>
    %get3A_1277 = arith.constant 1248 : index
    %get3A_1278 = tpu.vector_load %arg13[%get3A_1277] {strides = array<i32>} : memref<2816xi32, #tpu.memory_space<vmem>>, vector<16xi32>,
    %get3A_1279 = arith.constant 2656 : index
    %get3A_1280 = tpu.vector_load %arg13[%get3A_1279] {strides = array<i32>} : memref<2816xi32, #tpu.memory_space<vmem>>, vector<16xi32>,
    tpu.vector_store_idx %arg8[%get3A_1278], %select_n3A_1276 : memref<90816xi32, #tpu.memory_space<vmem>>[vector<16xi32>], vector<16xi32>,
    tpu.vector_store_idx %arg8[%get3A_1280], %select_n3A_1276 : memref<90816xi32, #tpu.memory_space<vmem>>[vector<16xi32>], vector<16xi32>,
    %get3A_1281 = arith.constant 79 : i32
    %get3A_1282 = arith.index_cast %get3A_1281 : i32 to index
    %get3A_1283 = arith.constant 0 : index
    %get3A_1284 = tpu.vector_load %arg10[%get3A_1282, %get3A_1283] {strides = array<i32>} : memref<88x16xf32, #tpu.memory_space<vmem>>, vector<16xf32>,
    %gt3A_1285 = arith.constant 3.200000e+01 : f32
    %gt3A_1286 = vector.broadcast %gt3A_1285 : f32 to vector<16xf32>
    %gt3A_1287 = arith.cmpf ogt, %get3A_1284, %gt3A_1286 : vector<16xf32>
    %jit3A_1288 = arith.constant 1 : i32
    %jit3A_1289 = arith.constant 0 : i32
    %broadcast_in_dim3A_1290 = vector.broadcast %jit3A_1288 : i32 to vector<16xi32>
    %broadcast_in_dim3A_1291 = vector.broadcast %jit3A_1289 : i32 to vector<16xi32>
    %select_n3A_1292 = arith.select %gt3A_1287, %broadcast_in_dim3A_1290, %broadcast_in_dim3A_1291 : vector<16xi1>, vector<16xi32>
    %get3A_1293 = arith.constant 1264 : index
    %get3A_1294 = tpu.vector_load %arg13[%get3A_1293] {strides = array<i32>} : memref<2816xi32, #tpu.memory_space<vmem>>, vector<16xi32>,
    %get3A_1295 = arith.constant 2672 : index
    %get3A_1296 = tpu.vector_load %arg13[%get3A_1295] {strides = array<i32>} : memref<2816xi32, #tpu.memory_space<vmem>>, vector<16xi32>,
    tpu.vector_store_idx %arg8[%get3A_1294], %select_n3A_1292 : memref<90816xi32, #tpu.memory_space<vmem>>[vector<16xi32>], vector<16xi32>,
    tpu.vector_store_idx %arg8[%get3A_1296], %select_n3A_1292 : memref<90816xi32, #tpu.memory_space<vmem>>[vector<16xi32>], vector<16xi32>,
    %get3A_1297 = arith.constant 80 : i32
    %get3A_1298 = arith.index_cast %get3A_1297 : i32 to index
    %get3A_1299 = arith.constant 0 : index
    %get3A_1300 = tpu.vector_load %arg10[%get3A_1298, %get3A_1299] {strides = array<i32>} : memref<88x16xf32, #tpu.memory_space<vmem>>, vector<16xf32>,
    %gt3A_1301 = arith.constant 3.200000e+01 : f32
    %gt3A_1302 = vector.broadcast %gt3A_1301 : f32 to vector<16xf32>
    %gt3A_1303 = arith.cmpf ogt, %get3A_1300, %gt3A_1302 : vector<16xf32>
    %jit3A_1304 = arith.constant 1 : i32
    %jit3A_1305 = arith.constant 0 : i32
    %broadcast_in_dim3A_1306 = vector.broadcast %jit3A_1304 : i32 to vector<16xi32>
    %broadcast_in_dim3A_1307 = vector.broadcast %jit3A_1305 : i32 to vector<16xi32>
    %select_n3A_1308 = arith.select %gt3A_1303, %broadcast_in_dim3A_1306, %broadcast_in_dim3A_1307 : vector<16xi1>, vector<16xi32>
    %get3A_1309 = arith.constant 1280 : index
    %get3A_1310 = tpu.vector_load %arg13[%get3A_1309] {strides = array<i32>} : memref<2816xi32, #tpu.memory_space<vmem>>, vector<16xi32>,
    %get3A_1311 = arith.constant 2688 : index
    %get3A_1312 = tpu.vector_load %arg13[%get3A_1311] {strides = array<i32>} : memref<2816xi32, #tpu.memory_space<vmem>>, vector<16xi32>,
    tpu.vector_store_idx %arg8[%get3A_1310], %select_n3A_1308 : memref<90816xi32, #tpu.memory_space<vmem>>[vector<16xi32>], vector<16xi32>,
    tpu.vector_store_idx %arg8[%get3A_1312], %select_n3A_1308 : memref<90816xi32, #tpu.memory_space<vmem>>[vector<16xi32>], vector<16xi32>,
    %get3A_1313 = arith.constant 81 : i32
    %get3A_1314 = arith.index_cast %get3A_1313 : i32 to index
    %get3A_1315 = arith.constant 0 : index
    %get3A_1316 = tpu.vector_load %arg10[%get3A_1314, %get3A_1315] {strides = array<i32>} : memref<88x16xf32, #tpu.memory_space<vmem>>, vector<16xf32>,
    %gt3A_1317 = arith.constant 3.200000e+01 : f32
    %gt3A_1318 = vector.broadcast %gt3A_1317 : f32 to vector<16xf32>
    %gt3A_1319 = arith.cmpf ogt, %get3A_1316, %gt3A_1318 : vector<16xf32>
    %jit3A_1320 = arith.constant 1 : i32
    %jit3A_1321 = arith.constant 0 : i32
    %broadcast_in_dim3A_1322 = vector.broadcast %jit3A_1320 : i32 to vector<16xi32>
    %broadcast_in_dim3A_1323 = vector.broadcast %jit3A_1321 : i32 to vector<16xi32>
    %select_n3A_1324 = arith.select %gt3A_1319, %broadcast_in_dim3A_1322, %broadcast_in_dim3A_1323 : vector<16xi1>, vector<16xi32>
    %get3A_1325 = arith.constant 1296 : index
    %get3A_1326 = tpu.vector_load %arg13[%get3A_1325] {strides = array<i32>} : memref<2816xi32, #tpu.memory_space<vmem>>, vector<16xi32>,
    %get3A_1327 = arith.constant 2704 : index
    %get3A_1328 = tpu.vector_load %arg13[%get3A_1327] {strides = array<i32>} : memref<2816xi32, #tpu.memory_space<vmem>>, vector<16xi32>,
    tpu.vector_store_idx %arg8[%get3A_1326], %select_n3A_1324 : memref<90816xi32, #tpu.memory_space<vmem>>[vector<16xi32>], vector<16xi32>,
    tpu.vector_store_idx %arg8[%get3A_1328], %select_n3A_1324 : memref<90816xi32, #tpu.memory_space<vmem>>[vector<16xi32>], vector<16xi32>,
    %get3A_1329 = arith.constant 82 : i32
    %get3A_1330 = arith.index_cast %get3A_1329 : i32 to index
    %get3A_1331 = arith.constant 0 : index
    %get3A_1332 = tpu.vector_load %arg10[%get3A_1330, %get3A_1331] {strides = array<i32>} : memref<88x16xf32, #tpu.memory_space<vmem>>, vector<16xf32>,
    %gt3A_1333 = arith.constant 3.200000e+01 : f32
    %gt3A_1334 = vector.broadcast %gt3A_1333 : f32 to vector<16xf32>
    %gt3A_1335 = arith.cmpf ogt, %get3A_1332, %gt3A_1334 : vector<16xf32>
    %jit3A_1336 = arith.constant 1 : i32
    %jit3A_1337 = arith.constant 0 : i32
    %broadcast_in_dim3A_1338 = vector.broadcast %jit3A_1336 : i32 to vector<16xi32>
    %broadcast_in_dim3A_1339 = vector.broadcast %jit3A_1337 : i32 to vector<16xi32>
    %select_n3A_1340 = arith.select %gt3A_1335, %broadcast_in_dim3A_1338, %broadcast_in_dim3A_1339 : vector<16xi1>, vector<16xi32>
    %get3A_1341 = arith.constant 1312 : index
    %get3A_1342 = tpu.vector_load %arg13[%get3A_1341] {strides = array<i32>} : memref<2816xi32, #tpu.memory_space<vmem>>, vector<16xi32>,
    %get3A_1343 = arith.constant 2720 : index
    %get3A_1344 = tpu.vector_load %arg13[%get3A_1343] {strides = array<i32>} : memref<2816xi32, #tpu.memory_space<vmem>>, vector<16xi32>,
    tpu.vector_store_idx %arg8[%get3A_1342], %select_n3A_1340 : memref<90816xi32, #tpu.memory_space<vmem>>[vector<16xi32>], vector<16xi32>,
    tpu.vector_store_idx %arg8[%get3A_1344], %select_n3A_1340 : memref<90816xi32, #tpu.memory_space<vmem>>[vector<16xi32>], vector<16xi32>,
    %get3A_1345 = arith.constant 83 : i32
    %get3A_1346 = arith.index_cast %get3A_1345 : i32 to index
    %get3A_1347 = arith.constant 0 : index
    %get3A_1348 = tpu.vector_load %arg10[%get3A_1346, %get3A_1347] {strides = array<i32>} : memref<88x16xf32, #tpu.memory_space<vmem>>, vector<16xf32>,
    %gt3A_1349 = arith.constant 3.200000e+01 : f32
    %gt3A_1350 = vector.broadcast %gt3A_1349 : f32 to vector<16xf32>
    %gt3A_1351 = arith.cmpf ogt, %get3A_1348, %gt3A_1350 : vector<16xf32>
    %jit3A_1352 = arith.constant 1 : i32
    %jit3A_1353 = arith.constant 0 : i32
    %broadcast_in_dim3A_1354 = vector.broadcast %jit3A_1352 : i32 to vector<16xi32>
    %broadcast_in_dim3A_1355 = vector.broadcast %jit3A_1353 : i32 to vector<16xi32>
    %select_n3A_1356 = arith.select %gt3A_1351, %broadcast_in_dim3A_1354, %broadcast_in_dim3A_1355 : vector<16xi1>, vector<16xi32>
    %get3A_1357 = arith.constant 1328 : index
    %get3A_1358 = tpu.vector_load %arg13[%get3A_1357] {strides = array<i32>} : memref<2816xi32, #tpu.memory_space<vmem>>, vector<16xi32>,
    %get3A_1359 = arith.constant 2736 : index
    %get3A_1360 = tpu.vector_load %arg13[%get3A_1359] {strides = array<i32>} : memref<2816xi32, #tpu.memory_space<vmem>>, vector<16xi32>,
    tpu.vector_store_idx %arg8[%get3A_1358], %select_n3A_1356 : memref<90816xi32, #tpu.memory_space<vmem>>[vector<16xi32>], vector<16xi32>,
    tpu.vector_store_idx %arg8[%get3A_1360], %select_n3A_1356 : memref<90816xi32, #tpu.memory_space<vmem>>[vector<16xi32>], vector<16xi32>,
    %get3A_1361 = arith.constant 84 : i32
    %get3A_1362 = arith.index_cast %get3A_1361 : i32 to index
    %get3A_1363 = arith.constant 0 : index
    %get3A_1364 = tpu.vector_load %arg10[%get3A_1362, %get3A_1363] {strides = array<i32>} : memref<88x16xf32, #tpu.memory_space<vmem>>, vector<16xf32>,
    %gt3A_1365 = arith.constant 3.200000e+01 : f32
    %gt3A_1366 = vector.broadcast %gt3A_1365 : f32 to vector<16xf32>
    %gt3A_1367 = arith.cmpf ogt, %get3A_1364, %gt3A_1366 : vector<16xf32>
    %jit3A_1368 = arith.constant 1 : i32
    %jit3A_1369 = arith.constant 0 : i32
    %broadcast_in_dim3A_1370 = vector.broadcast %jit3A_1368 : i32 to vector<16xi32>
    %broadcast_in_dim3A_1371 = vector.broadcast %jit3A_1369 : i32 to vector<16xi32>
    %select_n3A_1372 = arith.select %gt3A_1367, %broadcast_in_dim3A_1370, %broadcast_in_dim3A_1371 : vector<16xi1>, vector<16xi32>
    %get3A_1373 = arith.constant 1344 : index
    %get3A_1374 = tpu.vector_load %arg13[%get3A_1373] {strides = array<i32>} : memref<2816xi32, #tpu.memory_space<vmem>>, vector<16xi32>,
    %get3A_1375 = arith.constant 2752 : index
    %get3A_1376 = tpu.vector_load %arg13[%get3A_1375] {strides = array<i32>} : memref<2816xi32, #tpu.memory_space<vmem>>, vector<16xi32>,
    tpu.vector_store_idx %arg8[%get3A_1374], %select_n3A_1372 : memref<90816xi32, #tpu.memory_space<vmem>>[vector<16xi32>], vector<16xi32>,
    tpu.vector_store_idx %arg8[%get3A_1376], %select_n3A_1372 : memref<90816xi32, #tpu.memory_space<vmem>>[vector<16xi32>], vector<16xi32>,
    %get3A_1377 = arith.constant 85 : i32
    %get3A_1378 = arith.index_cast %get3A_1377 : i32 to index
    %get3A_1379 = arith.constant 0 : index
    %get3A_1380 = tpu.vector_load %arg10[%get3A_1378, %get3A_1379] {strides = array<i32>} : memref<88x16xf32, #tpu.memory_space<vmem>>, vector<16xf32>,
    %gt3A_1381 = arith.constant 3.200000e+01 : f32
    %gt3A_1382 = vector.broadcast %gt3A_1381 : f32 to vector<16xf32>
    %gt3A_1383 = arith.cmpf ogt, %get3A_1380, %gt3A_1382 : vector<16xf32>
    %jit3A_1384 = arith.constant 1 : i32
    %jit3A_1385 = arith.constant 0 : i32
    %broadcast_in_dim3A_1386 = vector.broadcast %jit3A_1384 : i32 to vector<16xi32>
    %broadcast_in_dim3A_1387 = vector.broadcast %jit3A_1385 : i32 to vector<16xi32>
    %select_n3A_1388 = arith.select %gt3A_1383, %broadcast_in_dim3A_1386, %broadcast_in_dim3A_1387 : vector<16xi1>, vector<16xi32>
    %get3A_1389 = arith.constant 1360 : index
    %get3A_1390 = tpu.vector_load %arg13[%get3A_1389] {strides = array<i32>} : memref<2816xi32, #tpu.memory_space<vmem>>, vector<16xi32>,
    %get3A_1391 = arith.constant 2768 : index
    %get3A_1392 = tpu.vector_load %arg13[%get3A_1391] {strides = array<i32>} : memref<2816xi32, #tpu.memory_space<vmem>>, vector<16xi32>,
    tpu.vector_store_idx %arg8[%get3A_1390], %select_n3A_1388 : memref<90816xi32, #tpu.memory_space<vmem>>[vector<16xi32>], vector<16xi32>,
    tpu.vector_store_idx %arg8[%get3A_1392], %select_n3A_1388 : memref<90816xi32, #tpu.memory_space<vmem>>[vector<16xi32>], vector<16xi32>,
    %get3A_1393 = arith.constant 86 : i32
    %get3A_1394 = arith.index_cast %get3A_1393 : i32 to index
    %get3A_1395 = arith.constant 0 : index
    %get3A_1396 = tpu.vector_load %arg10[%get3A_1394, %get3A_1395] {strides = array<i32>} : memref<88x16xf32, #tpu.memory_space<vmem>>, vector<16xf32>,
    %gt3A_1397 = arith.constant 3.200000e+01 : f32
    %gt3A_1398 = vector.broadcast %gt3A_1397 : f32 to vector<16xf32>
    %gt3A_1399 = arith.cmpf ogt, %get3A_1396, %gt3A_1398 : vector<16xf32>
    %jit3A_1400 = arith.constant 1 : i32
    %jit3A_1401 = arith.constant 0 : i32
    %broadcast_in_dim3A_1402 = vector.broadcast %jit3A_1400 : i32 to vector<16xi32>
    %broadcast_in_dim3A_1403 = vector.broadcast %jit3A_1401 : i32 to vector<16xi32>
    %select_n3A_1404 = arith.select %gt3A_1399, %broadcast_in_dim3A_1402, %broadcast_in_dim3A_1403 : vector<16xi1>, vector<16xi32>
    %get3A_1405 = arith.constant 1376 : index
    %get3A_1406 = tpu.vector_load %arg13[%get3A_1405] {strides = array<i32>} : memref<2816xi32, #tpu.memory_space<vmem>>, vector<16xi32>,
    %get3A_1407 = arith.constant 2784 : index
    %get3A_1408 = tpu.vector_load %arg13[%get3A_1407] {strides = array<i32>} : memref<2816xi32, #tpu.memory_space<vmem>>, vector<16xi32>,
    tpu.vector_store_idx %arg8[%get3A_1406], %select_n3A_1404 : memref<90816xi32, #tpu.memory_space<vmem>>[vector<16xi32>], vector<16xi32>,
    tpu.vector_store_idx %arg8[%get3A_1408], %select_n3A_1404 : memref<90816xi32, #tpu.memory_space<vmem>>[vector<16xi32>], vector<16xi32>,
    %get3A_1409 = arith.constant 87 : i32
    %get3A_1410 = arith.index_cast %get3A_1409 : i32 to index
    %get3A_1411 = arith.constant 0 : index
    %get3A_1412 = tpu.vector_load %arg10[%get3A_1410, %get3A_1411] {strides = array<i32>} : memref<88x16xf32, #tpu.memory_space<vmem>>, vector<16xf32>,
    %gt3A_1413 = arith.constant 3.200000e+01 : f32
    %gt3A_1414 = vector.broadcast %gt3A_1413 : f32 to vector<16xf32>
    %gt3A_1415 = arith.cmpf ogt, %get3A_1412, %gt3A_1414 : vector<16xf32>
    %jit3A_1416 = arith.constant 1 : i32
    %jit3A_1417 = arith.constant 0 : i32
    %broadcast_in_dim3A_1418 = vector.broadcast %jit3A_1416 : i32 to vector<16xi32>
    %broadcast_in_dim3A_1419 = vector.broadcast %jit3A_1417 : i32 to vector<16xi32>
    %select_n3A_1420 = arith.select %gt3A_1415, %broadcast_in_dim3A_1418, %broadcast_in_dim3A_1419 : vector<16xi1>, vector<16xi32>
    %get3A_1421 = arith.constant 1392 : index
    %get3A_1422 = tpu.vector_load %arg13[%get3A_1421] {strides = array<i32>} : memref<2816xi32, #tpu.memory_space<vmem>>, vector<16xi32>,
    %get3A_1423 = arith.constant 2800 : index
    %get3A_1424 = tpu.vector_load %arg13[%get3A_1423] {strides = array<i32>} : memref<2816xi32, #tpu.memory_space<vmem>>, vector<16xi32>,
    tpu.vector_store_idx %arg8[%get3A_1422], %select_n3A_1420 : memref<90816xi32, #tpu.memory_space<vmem>>[vector<16xi32>], vector<16xi32>,
    tpu.vector_store_idx %arg8[%get3A_1424], %select_n3A_1420 : memref<90816xi32, #tpu.memory_space<vmem>>[vector<16xi32>], vector<16xi32>,
    "tpu.region"() ({
      %run_scoped3A = tpu.sem_alloc : memref<!tpu.dma_semaphore, #tpu.memory_space<semaphore_mem>>
      %dma_start3A = arith.constant 0 : i32
      %dma_start3A_1425 = tpu.memref_slice %arg8[%dma_start3A] : memref<90816xi32, #tpu.memory_space<vmem>> -> memref<90304xi32, #tpu.memory_space<vmem>>
      %dma_start3A_1426 = arith.constant 0 : i32
      %dma_start3A_1427 = tpu.memref_slice %arg7[%add3A, %dma_start3A_1426] : memref<32x90304xi32, #tpu.memory_space<hbm>> -> memref<1x90304xi32, #tpu.memory_space<hbm>>
      %dma_start3A_1428 = tpu.memref_squeeze %dma_start3A_1427 : memref<1x90304xi32, #tpu.memory_space<hbm>> -> memref<90304xi32, #tpu.memory_space<hbm>>
      %dma_start3A_1429 = arith.constant 0 : i32
      %dma_start3A_1430 = tpu.memref_slice %arg7[%add3A, %dma_start3A_1429] : memref<32x90304xi32, #tpu.memory_space<hbm>> -> memref<1x90304xi32, #tpu.memory_space<hbm>>
      %dma_start3A_1431 = tpu.memref_squeeze %dma_start3A_1430 : memref<1x90304xi32, #tpu.memory_space<hbm>> -> memref<90304xi32, #tpu.memory_space<hbm>>
      %dma_start3A_1432 = arith.constant 0 : i32
      %dma_start3A_1433 = tpu.memref_slice %arg8[%dma_start3A_1432] : memref<90816xi32, #tpu.memory_space<vmem>> -> memref<90304xi32, #tpu.memory_space<vmem>>
      tpu.enqueue_dma source(%dma_start3A_1433 : memref<90304xi32, #tpu.memory_space<vmem>>) target(%dma_start3A_1431 : memref<90304xi32, #tpu.memory_space<hbm>>) target_semaphore(%run_scoped3A : memref<!tpu.dma_semaphore, #tpu.memory_space<semaphore_mem>>)
      %dma_wait3A = arith.constant 0 : i32
      %dma_wait3A_1434 = tpu.memref_slice %arg8[%dma_wait3A] : memref<90816xi32, #tpu.memory_space<vmem>> -> memref<90304xi32, #tpu.memory_space<vmem>>
      %dma_wait3A_1435 = arith.constant 0 : i32
      %dma_wait3A_1436 = tpu.memref_slice %arg7[%add3A, %dma_wait3A_1435] : memref<32x90304xi32, #tpu.memory_space<hbm>> -> memref<1x90304xi32, #tpu.memory_space<hbm>>
      %dma_wait3A_1437 = tpu.memref_squeeze %dma_wait3A_1436 : memref<1x90304xi32, #tpu.memory_space<hbm>> -> memref<90304xi32, #tpu.memory_space<hbm>>
      %dma_wait3A_1438 = arith.constant 0 : i32
      %dma_wait3A_1439 = tpu.memref_slice %arg7[%add3A, %dma_wait3A_1438] : memref<32x90304xi32, #tpu.memory_space<hbm>> -> memref<1x90304xi32, #tpu.memory_space<hbm>>
      %dma_wait3A_1440 = tpu.memref_squeeze %dma_wait3A_1439 : memref<1x90304xi32, #tpu.memory_space<hbm>> -> memref<90304xi32, #tpu.memory_space<hbm>>
      %dma_wait3A_1441 = arith.constant 0 : i32
      %dma_wait3A_1442 = tpu.memref_slice %arg8[%dma_wait3A_1441] : memref<90816xi32, #tpu.memory_space<vmem>> -> memref<90304xi32, #tpu.memory_space<vmem>>
      tpu.wait_dma2 semaphore(%run_scoped3A : memref<!tpu.dma_semaphore, #tpu.memory_space<semaphore_mem>>) src(%dma_wait3A_1442 : memref<90304xi32, #tpu.memory_space<vmem>>) dst(%dma_wait3A_1440 : memref<90304xi32, #tpu.memory_space<hbm>>)
      tpu.yield
    }) : () -> ()
    return
  }
}

</mosaic_0001>

<sc_bundles>
// kernel: kernel.3.cloned.1.call-start
scs
__scs_entry_jumppad:
0x0: {  	(pc) =	sbr.rel $0x88, $3  }
0x1: {  	(tag) =	ssettag $0x0;
	lr =	simm.s32 $0x1  }
0x2: {  	[smem:$0x3F9F] =	sst lr;
	_ =	strace $0xD0000000  }
0x3: {  	_ = 	snop  }
0x4: {  	_ = 	snop  }
0x5: {  	_ = 	snop  }
0x6: {  	_ = 	snop  }
0x7: {  	_ = 	snop  }
__scs_overlays_trampoline_lowered:
0x8: {  	[smem:$0x3FAE] =	sst s0  }
0x9: {  	[smem:$0x3FAF] =	sst s1  }
0xa: {  	[smem:$0x3FB0] =	sst s2  }
0xb: {  	[smem:$0x3FB1] =	sst s3  }
0xc: {  	[smem:$0x3FB2] =	sst s4  }
0xd: {  	[smem:$0x3FB3] =	sst s5  }
0xe: {  	[smem:$0x3FB4] =	sst s6  }
0xf: {  	[smem:$0x3FB5] =	sst s7  }
0x10: {  	[smem:$0x3FB6] =	sst s8  }
0x11: {  	[smem:$0x3FB7] =	sst s9;
	s0 =	simm.s32 @!p0 $0x0  }
0x12: {  	s1 =	sld [smem:$0x3F9D];
	s0 =	simm.s32 @p0 $0x1  }
0x13: {  	[smem:$0x3FB8] =	sst s0;
	s0 =	simm.s32 @!p1 $0x0  }
0x14: {  	s2 =	sld [smem:$0x3F9C];
	s0 =	simm.s32 @p1 $0x1  }
0x15: {  	[smem:$0x3FB9] =	sst s0;
	s0 =	simm.s32 @!p2 $0x0  }
0x16: {  	s3 =	sld [smem:$0x3FDB];
	s0 =	simm.s32 @p2 $0x1  }
0x17: {  	s4 =	simm.s32 $0x1BF5;
	[smem:$0x3FBB] =	sst s0  }
0x18: {  	s0 =	sld [smem:$0x3F9E];
	_ =	swait.ge [sflag:s4], $0x0  }
0x19: {  	s7 =	sld [smem:$0x3F9F]  }
0x1a: {  	s8 =	sadd.s32 $0xFFFFE003, lr  }
0x1b: {  	s9 =	sadd.s32 $0xFFFFFEF7, lr;
	s5 =	simm.s32 $0xFFFFFFFF;
	p2 =	slt.u32 s8, $0xFFFFF086  }
0x1c: {  	p1 =	slt.u32 s9, $0xF7A;
	s5 =	simm.s32 @!p2 $0x0  }
0x1d: {  	s5 =	simm.s32 @p1 $0x1;
	p0 =	seq.s32 s7, s2  }
0x1e: {  	s7 =	smul.u32 @!p0 $0xF7A, s2;
	p2 =	seq.s32 @!p0 s5, $0x0  }
0x1f: {  	s9 =	smul.u32 $0xF7A, s1;
	s8 =	simm.s32 @!p0 $0x1BF5;
	p2 =	por !p2, p0  }
0x20: {  	[sflag:s8] =	ssyncset.s32 @!p0 $0xFFFFF086;
	s6 =	sadd.s32 @!p0 s3, s7;
	s7 =	simm.s32 @!p0 $0x108  }
0x21: {  	s3 =	sadd.s32 s3, s9;
	s6 =	sadd.s32 @!p0 $0x88, s6;
	s7 =	simm.s32 @p2 $0x1082  }
0x22: {  	[simem:s7], [sflag:s8] =	dma.local @!p0 [hbm:s6], $0xF7A  }
0x23: {  	s9 =	sor.u32 $0xD0000000, s2;
	s6 =	simm.s32 $0x108;
	_ =	swait.ge @!p0 [sflag:s8], $0x0  }
0x24: {  	s3 =	sadd.s32 $0x88, s3;
	s6 =	simm.s32 @!p1 $0x1082;
	[sflag:s4] =	ssyncset.s32 $0xFFFFF086  }
0x25: {  	[simem:s6], [sflag:s4] =	dma.local [hbm:s3], $0xF7A  }
0x26: {  	[smem:$0x3F9F] =	sst s1;
	(tag) =	ssettag s2;
	_ =	strace s9  }
0x27: {  	s1 =	sld [smem:$0x3FAF]  }
0x28: {  	s2 =	sld [smem:$0x3FB0]  }
0x29: {  	s4 =	sld [smem:$0x3FB2]  }
0x2a: {  	p0 =	seq.s32 s5, $0x0;
	s5 =	sld [smem:$0x3FB3]  }
0x2b: {  	s6 =	sld [smem:$0x3FB4]  }
0x2c: {  	s7 =	sld [smem:$0x3FB5]  }
0x2d: {  	s3 =	simm.s32 $0x108;
	s8 =	sld [smem:$0x3FB6]  }
0x2e: {  	s3 =	simm.s32 @!p0 $0x1082;
	s9 =	sld [smem:$0x3FB7]  }
0x2f: {  	lr =	sadd.s32 s0, s3;
	s0 =	sld [smem:$0x3FAE]  }
0x30: {  	s3 =	sld [smem:$0x3FB1]  }
0x31: {  	[smem:$0x3FBA] =	sst s10  }
0x32: {  	s10 =	sld [smem:$0x3FB8];
	_ =	sdelay $0x3  }
0x33: {  	p0 =	seq.s32 s10, $0x1;
	s10 =	sld [smem:$0x3FBA];
	_ =	sdelay $0x3  }
0x34: {  	[smem:$0x3FBA] =	sst s10  }
0x35: {  	s10 =	sld [smem:$0x3FB9];
	_ =	sdelay $0x3  }
0x36: {  	p1 =	seq.s32 s10, $0x1;
	s10 =	sld [smem:$0x3FBA];
	_ =	sdelay $0x3  }
0x37: {  	[smem:$0x3FBA] =	sst s10  }
0x38: {  	s10 =	sld [smem:$0x3FBB]  }
0x39: {  	_ = 	snop;
	(pc) =	sbr.ind lr, $3  }
0x3a: {  	_ = 	snop  }
0x3b: {  	_ = 	snop  }
0x3c: {  	p2 =	seq.s32 s10, $0x1;
	s10 =	sld [smem:$0x3FBA]  }
0x3d: {  	_ =	shalt  }
0x3e: {  	_ =	shalt  }
0x3f: {  	_ =	shalt  }
0x40: {  	_ =	shalt  }
0x41: {  	_ =	shalt  }
0x42: {  	_ =	shalt  }
0x43: {  	_ =	shalt  }
0x44: {  	_ =	shalt  }
0x45: {  	_ =	shalt  }
0x46: {  	_ =	shalt  }
0x47: {  	_ =	shalt  }
0x48: {  	_ =	shalt  }
0x49: {  	_ =	shalt  }
0x4a: {  	_ =	shalt  }
0x4b: {  	_ =	shalt  }
0x4c: {  	_ =	shalt  }
0x4d: {  	_ =	shalt  }
0x4e: {  	_ =	shalt  }
0x4f: {  	_ =	shalt  }
0x50: {  	_ =	shalt  }
0x51: {  	_ =	shalt  }
0x52: {  	_ =	shalt  }
0x53: {  	_ =	shalt  }
0x54: {  	_ =	shalt  }
0x55: {  	_ =	shalt  }
0x56: {  	_ =	shalt  }
0x57: {  	_ =	shalt  }
0x58: {  	_ =	shalt  }
0x59: {  	_ =	shalt  }
0x5a: {  	_ =	shalt  }
0x5b: {  	_ =	shalt  }
0x5c: {  	_ =	shalt  }
0x5d: {  	_ =	shalt  }
0x5e: {  	_ =	shalt  }
0x5f: {  	_ =	shalt  }
0x60: {  	_ =	shalt  }
0x61: {  	_ =	shalt  }
0x62: {  	_ =	shalt  }
0x63: {  	_ =	shalt  }
0x64: {  	_ =	shalt  }
0x65: {  	_ =	shalt  }
0x66: {  	_ =	shalt  }
0x67: {  	_ =	shalt  }
0x68: {  	_ =	shalt  }
0x69: {  	_ =	shalt  }
0x6a: {  	_ =	shalt  }
0x6b: {  	_ =	shalt  }
0x6c: {  	_ =	shalt  }
0x6d: {  	_ =	shalt  }
0x6e: {  	_ =	shalt  }
0x6f: {  	_ =	shalt  }
0x70: {  	_ =	shalt  }
0x71: {  	_ =	shalt  }
0x72: {  	_ =	shalt  }
0x73: {  	_ =	shalt  }
0x74: {  	_ =	shalt  }
0x75: {  	_ =	shalt  }
0x76: {  	_ =	shalt  }
0x77: {  	_ =	shalt  }
0x78: {  	_ =	shalt  }
0x79: {  	_ =	shalt  }
0x7a: {  	_ =	shalt  }
0x7b: {  	_ =	shalt  }
0x7c: {  	_ =	shalt  }
0x7d: {  	_ =	shalt  }
0x7e: {  	_ =	shalt  }
0x7f: {  	_ =	shalt  }
0x80: {  	_ =	shalt  }
0x81: {  	_ =	shalt  }
0x82: {  	_ =	shalt  }
0x83: {  	_ =	shalt  }
0x84: {  	_ =	shalt  }
0x85: {  	_ =	shalt  }
0x86: {  	_ =	shalt  }
0x87: {  	_ =	shalt  }
.Lfunc_end0:
.L_simem_size_0:
called_computation_lowered:
.L_overlay_start_0:
0x88: {  	s2 =	sld [smem:$0x3FD9]  }
0x89: {  	s3 =	sld [smem:$0x3FFE];
	_ =	sdelay $0x1  }
0x8a: {  	s1 =	srdreg.scid  }
0x8b: {  	s0 =	sand.u32 $0x1, s1  }
0x8c: {  	s14 =	sshll.u32 s0, $0xA;
	s2 =	sadd.s32 s3, s2  }
0x8d: {  	s2 =	sadd.s32 s2, s14  }
0x8e: {  	[smem:$0x3FC6] =	sst s2  }
0x8f: {  	_ = 	snop  }
0x90: {  	s2 =	sld [smem:$0x3FD0];
	_ =	sdelay $0x2  }
0x91: {  	s15 =	simm.s32 $0xA;
	s4 =	simm.s32 $0x10  }
0x92: {  	[smem:s4], [sflag:s15] =	dma.local [hbm:s2], $0x1  }
0x93: {  	_ =	swait.eq [sflag:s15], $0x1  }
0x94: {  	s16 =	sld [smem:$0x10];
	[sflag:s15] =	ssyncset.done $0x0  }
0x95: {  	s17 =	sld [smem:$0x11];
	[sflag:s15] =	ssyncadd.s32 $0xFFFFFFFF  }
0x96: {  	s18 =	sld [smem:$0x12];
	(tm) =	ssettm $0x1  }
0x97: {  	s5 =	sld [smem:$0x3FFB];
	_ =	sdelay $0x3  }
0x98: {  	_ =	strace s5  }
0x99: {  	s5 =	sld [smem:$0x3FFC];
	_ =	sdelay $0x3  }
0x9a: {  	_ =	strace s5  }
0x9b: {  	s5 =	sld [smem:$0x3FFD];
	_ =	sdelay $0x3  }
0x9c: {  	_ =	strace s5  }
0x9d: {  	_ =	strace $0x8FFFFFFF  }
0x9e: {  	s19 =	sld [smem:$0x3FDB];
	_ =	sdelay $0x1  }
0x9f: {  	s6 =	simm.s32 $_scs_section_size  }
0xa0: {  	s7 =	simm.s32 $_size__tile_overlayer_lowered;
	s8 =	simm.s32 $_tile_overlayer_lowered  }
0xa1: {  	s22 =	simm.s32 $0x1BFF;
	s21 =	sshll.u32 s8, $0x1;
	s5 =	sadd.s32 s6, s19  }
0xa2: {  	s9 =	simm.s32 $0x0;
	s20 =	sshll.u32 s7, $0x1;
	s7 =	sadd.s32 s21, s5  }
0xa3: {  	[timem:s9], [sflag:s22] =	dma.local [hbm:s7], s20  }
0xa4: {  	_ =	swait.ge [sflag:s22], s20  }
0xa5: {  	s6 =	ssub.s32 $0x0, s20;
	[sflag:s22] =	ssyncset.done $0x0  }
0xa6: {  	[sflag:s22] =	ssyncadd.s32 s6;
	_ =	sdelay $0x1  }
0xa7: {  	s23 =	simm.s32 $0x1B8B  }
0xa8: {  	_ =	swait.ge [sflag:s23], $0x1  }
0xa9: {  	[sflag:s23] =	ssyncset.done $0x0  }
0xaa: {  	s25 =	simm.s32 $0x1B8E;
	s24 =	sld [smem:$0x3FFE];
	[sflag:s23] =	ssyncadd.s32 $0xFFFFFFFF  }
0xab: {  	s26 =	simm.s32 $execute0_lowered;
	[smem:$0x3FD2] =	sst s25  }
0xac: {  	s7 =	sshll.u32 s26, $0x1;
	_ =	strace $0x80000046;
	[dreg:$0x1] =	wrdreg $0xFFFFFFFF  }
0xad: {  	s28 =	simm.s32 $_size_execute0_lowered;
	s5 =	sadd.s32 s5, s7;
	[dreg:$0x0] =	wrdreg $0x0  }
0xae: {  	s7 =	sshll.u32 s28, $0x1;
	[dreg:$0x2] =	wrdreg s5  }
0xaf: {  	[dreg:$0x3] =	wrdreg s7  }
0xb0: {  	[dreg:$0x4] =	wrdreg $0xC0  }
0xb1: {  	_ =	task [dreg:s9], $0x5FFFF  }
0xb2: {  	[dreg:$0x1] =	wrdreg $0xFFFFFFFF  }
0xb3: {  	[dreg:$0x0] =	wrdreg $0x60  }
0xb4: {  	[dreg:$0x2] =	wrdreg s24  }
0xb5: {  	[dreg:$0x3] =	wrdreg s18  }
0xb6: {  	[dreg:$0x4] =	wrdreg s17  }
0xb7: {  	[dreg:$0x5] =	wrdreg s16  }
0xb8: {  	[dreg:$0x6] =	wrdreg $0x9  }
0xb9: {  	_ =	task.clear_ibuf [dreg:s9], $0x7FFFF;
	_ =	strace $0x90000046  }
0xba: {  	s29 =	simm.s32 $0x9;
	_ =	strace $0x80000048  }
0xbb: {  	_ =	swait.ge [sflag:s29], $0x1  }
0xbc: {  	[sflag:s29] =	ssyncadd.s32 $0xFFFFFFFF  }
0xbd: {  	_ =	strace $0x90000048  }
0xbe: {  	_ =	sfence  }
0xbf: {  	s30 =	sld [smem:$0x0];
	_ =	sdelay $0x2  }
0xc0: {  	s31 =	sshll.u32 s1, $0xD;
	s1 =	sshrl.u32 s1, $0x2  }
0xc1: {  	s3 =	sand.u32 $0x4000, s31;
	s1 =	sadd.s32 s1, s30  }
0xc2: {  	s0 =	sor.u32 s3, s0;
	s1 =	sshll.u32 s1, $0x11  }
0xc3: {  	s0 =	sor.u32 s1, s0  }
0xc4: {  	s0 =	sadd.s32 $0x8F2B, s0  }
0xc5: {  	[sflag:s0] =	ssyncadd.remote.s32 $0x1  }
0xc6: {  	_ =	sfence.sel $0xFFFF  }
0xc7: {  	[dreg:$0x0] =	wrdreg $0xFFFFFFFF;
	(pc) =	sbr.abs _section_cstart, $3  }
0xc8: {  	[dreg:$0x1] =	wrdreg $0xFFFFFFFF  }
0xc9: {  	_ =	task.clear_ibuf [dreg:s9], $0x2FFFF;
	_ =	strace $0x9FFFFFFF  }
0xca: {  	(tm) =	ssettm $0x7FFFFFFF  }
0xcb: {  	_ =	shalt  }
tec
execute0_lowered:
.L_overlay_start_1:
0x0: {  	(tag) =	ssettag $0x1  }
0x1: {  	s6 =	rddreg [dreg:$0x0]  }
0x2: {  	s1 =	rddreg [dreg:$0x1]  }
0x3: {  	s3 =	rddreg [dreg:$0x2]  }
0x4: {  	s5 =	srdreg.scid;
	s2 =	stileid.u32  }
0x5: {  	s7 =	rddreg [dreg:$0x3];
	s8 =	sand.u32 $0x1, s5;
	s31 =	sshll.u32 s2, $0x1  }
0x6: {  	s0 =	rddreg [dreg:$0x4];
	s4 =	simm.s32 $0x0;
	s9 =	sor.u32 s8, s31  }
0x7: {  	s13 =	simm.s32 $0x191A0;
	s14 =	simm.s32 $0x19200;
	s10 =	smul.u32 $0x420, s9  }
0x8: {  	s15 =	simm.s32 $0x0;
	s8 =	ssub.s32 $0x2, s8;
	s11 =	smul.u32 $0x2C18, s9  }
0x9: {  	[smem:$0x7FF] =	sst s4;
	s12 =	sshrl.u32 s8, $0x1;
	s9 =	smul.u32 $0x160, s9  }
0xa: {  	s5 =	sadd.s32 $0x8C00, s6;
	_ =	strace $0x80000047;
	s12 =	ssub.s32 s8, s12  }
0xb: {  	s10 =	sadd.s32 s10, s6;
	s11 =	sadd.s32 s11, s6;
	s7 =	sadd.s32 s7, s9  }
0xc: {  	s9 =	smax.u32 s12, $0x1;
	s12 =	simm.s32 $0x18940;
	s6 =	sadd.s32 $0x800, s10  }
0xd: {  	v0 =	vimm.f32 $0.0e+00;
	v1 =	vimm.s32 $0x0;
	s8 =	sadd.s32 $0x11200, s11;
	s10 =	simm.s32 $0x162C0;
	s11 =	simm.s32 $0x1  }
.LBB2_1:
0xe: {  	[tilespmem:s10], [sflag:$0x1] =	stream.linear.gather [hbm4b:s6+s4], $0x2100, $0x38;
	[tilespmem:$0x19D00] =	vst v63  }
0xf: {  	_ =	swait.ge [sflag:s11], $0x2100  }
0x10: {  	[sflag:s11] =	ssyncset.done $0x0  }
0x11: {  	[sflag:s11] =	ssyncadd.s32 $0xFFFFDF00  }
0x12: {  	[tilespmem:s12], [sflag:$0x1] =	stream.linear.gather [hbm4b:s1+s4], $0x860, $0x38;
	[tilespmem:$0x19D00] =	vst v63  }
0x13: {  	_ =	swait.ge [sflag:s11], $0x860  }
0x14: {  	[sflag:s11] =	ssyncset.done $0x0  }
0x15: {  	[sflag:s11] =	ssyncadd.s32 $0xFFFFF7A0  }
0x16: {  	[tilespmem:s13], [sflag:$0x1] =	stream.linear.gather [hbm4b:s3+s4], $0x60, $0x38;
	[tilespmem:$0x19D00] =	vst v63  }
0x17: {  	_ =	swait.ge [sflag:s11], $0x60  }
0x18: {  	[sflag:s11] =	ssyncset.done $0x0  }
0x19: {  	[sflag:s11] =	ssyncadd.s32 $0xFFFFFFA0  }
0x1a: {  	[tilespmem:s14], [sflag:$0x1] =	stream.linear.gather [hbm4b:s7+s4], $0xB00, $0x38;
	[tilespmem:$0x19D00] =	vst v63  }
0x1b: {  	_ =	swait.ge [sflag:s11], $0xB00  }
0x1c: {  	[sflag:s11] =	ssyncset.done $0x0  }
0x1d: {  	s16 =	simm.s32 $0x40;
	s17 =	simm.s32 $0x0;
	[sflag:s11] =	ssyncadd.s32 $0xFFFFF500  }
.LBB2_2:
0x1e: {  	p0 =	sne.s32 s16, $0x15C0;
	[tilespmem:s17+$0x183C0] =	vst v0;
	s17 =	smov.u32 s16;
	s16 =	sadd.s32 $0x40, s16  }
.Ltmp0:
0x1f: {  	(pc) =	sbr.rel @p0 .LBB2_2-.Ltmp0, $2  }
0x20: {  	_ =	sdelay $0x2  }
0x21: {  	s17 =	sshra.s32 s17, $0x2  }
.Ltmp1:
0x22: {  	(pc) =	sbr.rel .LBB2_4-.Ltmp1, $2  }
0x23: {  	_ =	sdelay $0x2  }
0x24: {  	[tilespmem:s17+$0x183C0] =	vst v0;
	s16 =	simm.s32 $0x0;
	s17 =	simm.s32 $0x0  }
.LBB2_10:
0x25: {  	s17 =	sadd.s32 $0x1, s17  }
0x26: {  	p0 =	sne.s32 s17, $0x3  }
.Ltmp2:
0x27: {  	_ = 	snop;
	(pc) =	sbr.rel @!p0 .LBB2_11-.Ltmp2, $1  }
0x28: {  	_ =	sdelay $0x3  }
.LBB2_4:
0x29: {  	s18 =	smul.u32 $0x2C58, s17;
	_ =	sdelay $0x1  }
0x2a: {  	s18 =	sadd.s32 s5, s18  }
0x2b: {  	[tilespmem:s16], [sflag:$0x1] =	stream.linear.gather [hbm4b:s18+s16], $0x162C0, $0x38;
	[tilespmem:$0x19D00] =	vst v63  }
0x2c: {  	_ =	swait.ge [sflag:s11], $0x162C0  }
0x2d: {  	s31 =	sshll.u32 s17, $0x4;
	[sflag:s11] =	ssyncset.done $0x0  }
.Ltmp3:
0x2e: {  	s18 =	sand.u32 $0x3FFFFFF0, s31;
	[sflag:s11] =	ssyncadd.s32 $0xFFFE9D40;
	(pc) =	sbr.rel .LBB2_5-.Ltmp3, $4  }
0x2f: {  	v2 =	vld [tilespmem:s18+$0x191A0]  }
0x30: {  	v3 =	vld [tilespmem:s18+$0x191D0]  }
0x31: {  	v4 =	vld [tilespmem:s18+$0x19140]  }
0x32: {  	v5 =	vld [tilespmem:s18+$0x19170];
	s18 =	simm.s32 $0x0  }
.LBB2_8:
0x33: {  	_ =	sdelay $0x2  }
0x34: {  	v7 =	vadd.f32 v25, v31  }
0x35: {  	vm1 =	vlt.f32 v34, v15;
	v8 =	vadd.f32 v36, v29;
	v9 =	vmul.f32 v24, v24;
	v10 =	vld.idx.msk [tilespmem:v30+s4+$0x0], $0xffff  }
0x36: {  	v11 =	vadd.f32 v38, v29;
	v23 =	vadd.f32 v23, v31;
	vm2 =	vlt.f32 v37, v15;
	v14 =	vld.idx.msk [tilespmem:v14+s4+$0x0], $0xffff  }
0x37: {  	vm3 =	vlt.f32 v35, v15;
	vm4 =	vlt.f32 v33, v15;
	v55 =	vadd.f32 v31, v29;
	v21 =	vld.idx.msk [tilespmem:v21+s4+$0x0], $0xffff  }
0x38: {  	v57 =	vld.idx.msk [tilespmem:v28+s4+$0x0], $0xffff;
	v58 =	vadd.f32 v25, v26;
	vm5 =	vlt.f32 v7, v15;
	v7 =	vadd.f32 v9, v18  }
0x39: {  	v17 =	vnsel vm0, $0x0, v17;
	v56 =	vnsel vm3, $0x0, v32;
	vm12 =	vlt.f32 v8, v15;
	v8 =	vld.idx.msk [tilespmem:v13+s4+$0x0], $0xffff  }
0x3a: {  	v63 =	vnsel vm4, $0x0, v19;
	vm6 =	vlt.f32 v11, v15;
	vm13 =	vlt.f32 v7, v15;
	v7 =	vld.idx.msk [tilespmem:v12+s4+$0x0], $0xffff  }
0x3b: {  	vm7 =	vlt.f32 v23, v15;
	vm14 =	vlt.f32 v58, v15;
	vm15 =	vlt.f32 v55, v15  }
0x3c: {  	v9 =	vmax.f32 v16, v56;
	v59 =	vnsel vm12, $0x0, v27;
	v61 =	vnsel vm7, $0x0, v22  }
0x3d: {  	v60 =	vnsel vm13, $0x0, v20;
	v10 =	vnsel vm14, $0x0, v10;
	v18 =	vnsel vm6, $0x0, v57  }
0x3e: {  	v62 =	vnsel vm5, $0x0, v21;
	v14 =	vnsel vm2, $0x0, v14;
	v13 =	vmax.f32 v18, v61  }
0x3f: {  	v12 =	vmax.f32 v60, v17;
	v8 =	vnsel vm15, $0x0, v8;
	v7 =	vnsel vm1, $0x0, v7  }
0x40: {  	v10 =	vmax.f32 v63, v10;
	v8 =	vmax.f32 v8, v62;
	v7 =	vmax.f32 v14, v7  }
0x41: {  	v9 =	vmax.f32 v9, v10;
	v8 =	vmax.f32 v13, v8;
	v7 =	vmax.f32 v12, v7  }
0x42: {  	v7 =	vmax.f32 v8, v7;
	v8 =	vmax.f32 v9, v59  }
0x43: {  	v7 =	vmax.f32 v7, v8  }
0x44: {  	v6 =	vadd.f32 v7, v6  }
.LBB2_9:
0x45: {  	s18 =	sadd.s32 $0x1, s18  }
0x46: {  	p0 =	sne.s32 s18, $0x58  }
.Ltmp4:
0x47: {  	_ = 	snop;
	(pc) =	sbr.rel @!p0 .LBB2_10-.Ltmp4, $2  }
0x48: {  	_ =	sdelay $0x2  }
0x49: {  	[tilespmem:s19+$0x183C0] =	vst v6  }
.LBB2_5:
0x4a: {  	s19 =	smul.u32 $0x180, s18;
	_ =	sdelay $0x1  }
0x4b: {  	s19 =	sshra.s32 s19, $0x2  }
0x4c: {  	v7 =	vld [tilespmem:s19+$0x162C0]  }
0x4d: {  	v8 =	vld [tilespmem:s19+$0x162E0];
	_ =	sdelay $0x4  }
0x4e: {  	v6 =	vsub.f32 v7, v8;
	_ =	sdelay $0x1  }
0x4f: {  	(erf) = vrcp.f32 v6;
	_ =	sdelay $0x7  }
0x50: {  	v9 =	vsub.f32 v4, v8;
	v10 =	vsub.f32 v5, v8  }
0x51: {  	v11 =	vpop (erf)  }
0x52: {  	v9 =	vmul.f32 v11, v9;
	v10 =	vmul.f32 v11, v10;
	_ =	sdelay $0x1  }
0x53: {  	vm0 =	veq.f32 v6, $0.0e+00;
	v6 =	vmin.f32 v9, v10  }
0x54: {  	v9 =	vmax.f32 v9, v10;
	v6 =	vsel vm0, $0x0, v6  }
0x55: {  	v9 =	vsel vm0, $0x3F800000, v9;
	v10 =	vmax.f32 v6, $0.0e+00  }
0x56: {  	v11 =	vmax.f32 v9, $0.0e+00;
	v10 =	vmin.f32 v10, $1.000000000e+00  }
0x57: {  	v11 =	vmin.f32 v11, $1.000000000e+00;
	v10 =	vmul.f32 $6.300000000e+01, v10  }
0x58: {  	v11 =	vmul.f32 $6.300000000e+01, v11  }
0x59: {  	v10 =	vtrunc.f32 v10  }
0x5a: {  	v11 =	vtrunc.f32 v11;
	v10 =	vcvt.f32.s32 v10  }
0x5b: {  	v11 =	vcvt.f32.s32 v11  }
0x5c: {  	v10 =	vadd.s32 $0xFFFFFFFF, v10  }
0x5d: {  	v11 =	vadd.s32 $0x2, v11;
	vm13 =	vgt.s32 v10, $0x0  }
0x5e: {  	vm1 =	vlt.f32 v9, $0.0e+00;
	vm14 =	vgt.s32 v11, $0x0;
	v9 =	vnsel vm13, $0x0, v10  }
0x5f: {  	vm15 =	vgt.f32 v6, $1.000000000e+00;
	v10 =	vnsel vm14, $0x0, v11;
	v6 =	vmin.u32 v9, $0x40  }
0x60: {  	vm0 =	vmor vm1, vm15;
	v9 =	vmin.u32 v10, $0x40;
	v6 =	vor.u32 $0x80000000, v6  }
0x61: {  	v9 =	vor.u32 $0x80000000, v9;
	v6 =	vsel vm0, $0x80000040, v6  }
0x62: {  	(xrf0) =	vmin.scan.msk.u32 $0xffff, v6;
	v6 =	vsel vm0, $0x80000000, v9  }
0x63: {  	(xrf0) =	vmax.scan.msk.u32 $0xffff, v6;
	_ =	sdelay $0x4  }
0x64: {  	v6, _, _ =	vpop (xrf0)  }
0x65: {  	(v2sf) =	vpush v6, $0xF;
	v6, _, _ =	vpop (xrf0)  }
0x66: {  	(v2sf) =	vpush v6, $0xF;
	_ =	sdelay $0xd  }
0x67: {  	s20 =	spop (v2sf)  }
0x68: {  	s22 =	spop (v2sf)  }
0x69: {  	s23 =	sxor.u32 $0x80000000, s20;
	s24 =	sxor.u32 $0x80000000, s22  }
0x6a: {  	p0 =	sge.s32 s23, s24  }
.Ltmp5:
0x6b: {  	_ = 	snop;
	(pc) =	sbr.rel @p0 .LBB2_9-.Ltmp5, $4  }
0x6c: {  	v11 =	vld [tilespmem:s19+$0x16300]  }
0x6d: {  	s21 =	sshll.u32 s18, $0x6;
	v10 =	vld [tilespmem:s19+$0x162F0]  }
0x6e: {  	v9 =	vld [tilespmem:s19+$0x162D0];
	s19 =	sshrl.u32 s21, $0x2  }
0x6f: {  	v6 =	vld [tilespmem:s19+$0x183C0]  }
0x70: {  	s21 =	sshll.u32 s20, $0x6  }
0x71: {  	s21 =	sshra.s32 s21, $0x2  }
0x72: {  	s21 =	sadd.s32 $0x18D40, s21  }
0x73: {  	v12 =	vld [tilespmem:s21+$0x0]  }
0x74: {  	v13 =	vld [tilespmem:s21+$0xFFFFFC00];
	_ =	sdelay $0x3  }
0x75: {  	v14 =	vmul.f32 v12, v8;
	v12 =	vmul.f32 v12, v10  }
0x76: {  	v15 =	vmul.f32 v13, v7;
	v13 =	vmul.f32 v13, v9;
	_ =	sdelay $0x1  }
0x77: {  	v14 =	vadd.f32 v14, v15;
	v12 =	vadd.f32 v12, v13;
	_ =	sdelay $0x1  }
0x78: {  	v13 =	vmax.f32 v14, $0.0e+00;
	v12 =	vmax.f32 v12, $0.0e+00  }
0x79: {  	v15 =	vmin.f32 v13, $5.110000000e+02;
	v16 =	vmin.f32 v12, $5.110000000e+02  }
0x7a: {  	v12 =	vadd.f32 $5.000000000e-01, v15;
	v13 =	vadd.f32 $5.000000000e-01, v16;
	_ =	sdelay $0x1  }
0x7b: {  	v12 =	vtrunc.f32 v12;
	v13 =	vtrunc.f32 v13  }
0x7c: {  	v12 =	vcvt.f32.s32 v12;
	v13 =	vcvt.f32.s32 v13;
	_ =	sdelay $0x1  }
0x7d: {  	v14 =	vcvt.s32.f32 v12;
	v17 =	vcvt.s32.f32 v13;
	_ =	sdelay $0x1  }
0x7e: {  	v18 =	vand.u32 $0x1, v13;
	v14 =	vsub.f32 v14, v15;
	v17 =	vsub.f32 v17, v16  }
0x7f: {  	v19 =	vand.u32 $0x1, v12;
	vm0 =	veq.s32 v18, $0x1  }
0x80: {  	vm2 =	veq.s32 v19, $0x1;
	vm1 =	veq.f32 v14, $5.000000000e-01;
	vm3 =	veq.f32 v17, $5.000000000e-01  }
0x81: {  	vm1 =	vmand vm1, vm2;
	vm0 =	vmand vm3, vm0  }
0x82: {  	v14 =	vsel vm1, $0xFFFFFFFF, v1;
	v17 =	vsel vm0, $0xFFFFFFFF, v1  }
0x83: {  	v12 =	vadd.s32 v12, v14;
	v14 =	vadd.s32 v13, v17  }
0x84: {  	v17 =	vcvt.s32.f32 v14;
	vm1 =	vge.s32 v12, v2;
	v19 =	vsub.s32 v12, v2  }
0x85: {  	vm2 =	vlt.s32 v12, v3;
	v21 =	vcvt.s32.f32 v12;
	v25 =	vadd.s32 $0x1, v14  }
0x86: {  	v28 =	vadd.s32 $0x2, v14;
	v26 =	vadd.s32 $0x3, v14;
	v13 =	vadd.s32 $0x2, v19  }
0x87: {  	v18 =	vadd.s32 $0x1, v19;
	v20 =	vadd.s32 $0x4, v19;
	vm1 =	vmand vm1, vm2  }
0x88: {  	vm0 =	vgt.s32 v18, $0x0;
	vm3 =	vgt.s32 v13, $0x0;
	v15 =	vsub.f32 v15, v21  }
0x89: {  	v31 =	vsub.f32 v16, v17;
	v12 =	vnsel vm0, $0x0, v18;
	v13 =	vnsel vm3, $0x0, v13  }
0x8a: {  	v18 =	vadd.s32 $0x3, v19;
	vm0 =	vgt.s32 v19, $0x0;
	v12 =	vmin.u32 v12, $0xAF  }
0x8b: {  	v13 =	vmin.u32 v13, $0xAF;
	v32 =	vadd.f32 $-2.000000000e+00, v15;
	v21 =	vadd.f32 $1.000000000e+00, v31  }
0x8c: {  	vm3 =	vgt.s32 v18, $0x0;
	v30 =	vadd.f32 $-1.000000000e+00, v31;
	v34 =	vadd.f32 $1.000000000e+00, v15  }
0x8d: {  	v24 =	vadd.f32 $2.000000000e+00, v31;
	v38 =	vadd.f32 $-1.000000000e+00, v15;
	v19 =	vnsel vm0, $0x0, v19  }
0x8e: {  	v39 =	vadd.f32 $2.000000000e+00, v15;
	v22 =	vmul.u32 $0x204, v12;
	v12 =	vmul.u32 $0x204, v13  }
0x8f: {  	v18 =	vnsel vm3, $0x0, v18;
	vm3 =	vgt.s32 v20, $0x0;
	v19 =	vmin.u32 v19, $0xAF  }
0x90: {  	v16 =	vnsel vm3, $0x0, v20;
	v17 =	vmin.u32 v18, $0xAF;
	v20 =	vadd.f32 $-2.000000000e+00, v31  }
0x91: {  	v18 =	vmul.f32 v15, v15;
	v27 =	vadd.s32 v14, v12;
	v29 =	vadd.s32 v25, v12  }
0x92: {  	v15 =	vnsel vm1, $0xBF800000, v11;
	v19 =	vmul.u32 $0x204, v19;
	v23 =	vadd.s32 $0x4, v27  }
0x93: {  	v13 =	vadd.s32 v28, v22;
	v16 =	vmin.u32 v16, $0xAF;
	v37 =	vmul.u32 $0x204, v17  }
0x94: {  	v33 =	vadd.s32 v25, v22;
	v16 =	vmul.u32 $0x204, v16;
	v20 =	vmul.f32 v20, v20  }
0x95: {  	v14 =	vadd.s32 v28, v12;
	v12 =	vadd.s32 v26, v12;
	v42 =	vadd.s32 v28, v37  }
0x96: {  	s31 =	ssub.s32 s22, s20;
	v41 =	vadd.s32 v25, v37;
	v36 =	vadd.s32 v28, v16;
	v16 =	vadd.f32 v20, v18;
	v17 =	vld.idx.msk [tilespmem:v29+s4+$0x0], $0xffff  }
0x97: {  	p0 =	sne.s32 s31, $0x1;
	v25 =	vmul.f32 v30, v30;
	v30 =	vadd.s32 v26, v37;
	v28 =	vadd.s32 v28, v19;
	v35 =	vld.idx.msk [tilespmem:v23+s4+$0x0], $0xffff  }
.Ltmp6:
0x98: {  	vm0 =	vlt.f32 v16, v15;
	v20 =	vld.idx.msk [tilespmem:v27+s4+$0x0], $0xffff;
	v29 =	vmul.f32 v31, v31;
	v23 =	vmul.f32 v21, v21;
	(pc) =	sbr.rel @!p0 .LBB2_8-.Ltmp6, $4  }
0x99: {  	v31 =	vmul.f32 v34, v34;
	v21 =	vadd.s32 v26, v22;
	v26 =	vmul.f32 v38, v38;
	v22 =	vld.idx.msk [tilespmem:v33+s4+$0x0], $0xffff  }
0x9a: {  	v34 =	vadd.f32 v25, v18;
	v38 =	vmul.f32 v39, v39;
	v19 =	vld.idx.msk [tilespmem:v42+s4+$0x0], $0xffff;
	v40 =	vadd.f32 v23, v18  }
0x9b: {  	v37 =	vadd.f32 v29, v18;
	v27 =	vld.idx.msk [tilespmem:v36+s4+$0x0], $0xffff;
	v36 =	vmul.f32 v32, v32;
	v33 =	vadd.f32 v26, v29  }
0x9c: {  	s20 =	sadd.s32 $0xFFFFFFFF, s31;
	s21 =	sadd.s32 $0x10, s21;
	v32 =	vld.idx.msk [tilespmem:v41+s4+$0x0], $0xffff;
	v16 =	vnsel vm0, $0x0, v35;
	vm0 =	vlt.f32 v40, v15;
	v35 =	vadd.f32 v23, v26  }
.LBB2_7:
0x9d: {  	v39 =	vld [tilespmem:s21+$0x0];
	p0 =	sne.s32 s20, $0x1;
	s20 =	sadd.s32 $0xFFFFFFFF, s20;
	v40 =	vadd.f32 v25, v31;
	vm1 =	vlt.f32 v34, v15;
	v34 =	vadd.f32 v36, v29  }
0x9e: {  	v24 =	vmul.f32 v24, v24;
	v38 =	vadd.f32 v38, v29;
	v23 =	vadd.f32 v23, v31;
	v36 =	vld [tilespmem:s21+$0xFFFFFC00]  }
0x9f: {  	vm3 =	vlt.f32 v37, v15;
	vm4 =	vlt.f32 v35, v15;
	vm2 =	vlt.f32 v33, v15;
	v30 =	vld.idx.msk [tilespmem:v30+s4+$0x0], $0xffff  }
0xa0: {  	v29 =	vadd.f32 v31, v29;
	vm5 =	vlt.f32 v40, v15;
	v18 =	vadd.f32 v24, v18;
	v14 =	vld.idx.msk [tilespmem:v14+s4+$0x0], $0xffff  }
0xa1: {  	v25 =	vadd.f32 v25, v26;
	v24 =	vnsel vm4, $0x0, v32;
	vm6 =	vlt.f32 v34, v15;
	v21 =	vld.idx.msk [tilespmem:v21+s4+$0x0], $0xffff  }
0xa2: {  	vm4 =	vlt.f32 v38, v15;
	vm7 =	vlt.f32 v23, v15;
	v23 =	vnsel vm6, $0x0, v27;
	v13 =	vld.idx.msk [tilespmem:v13+s4+$0x0], $0xffff  }
0xa3: {  	vm6 =	vlt.f32 v18, v15;
	v26 =	vmul.f32 v39, v8;
	v27 =	vmul.f32 v39, v10;
	v28 =	vld.idx.msk [tilespmem:v28+s4+$0x0], $0xffff  }
0xa4: {  	v20 =	vnsel vm6, $0x0, v20;
	v18 =	vmul.f32 v36, v7;
	v31 =	vmul.f32 v36, v9  }
0xa5: {  	v17 =	vnsel vm0, $0x0, v17;
	vm0 =	vlt.f32 v25, v15;
	v22 =	vnsel vm7, $0x0, v22  }
0xa6: {  	v18 =	vadd.f32 v26, v18;
	v25 =	vadd.f32 v27, v31;
	v26 =	vnsel vm0, $0x0, v30;
	v12 =	vld.idx.msk [tilespmem:v12+s4+$0x0], $0xffff  }
0xa7: {  	vm0 =	vlt.f32 v29, v15;
	v14 =	vnsel vm3, $0x0, v14;
	v15 =	vnsel vm5, $0x0, v21  }
0xa8: {  	v18 =	vmax.f32 v18, $0.0e+00;
	v21 =	vmax.f32 v25, $0.0e+00;
	v13 =	vnsel vm0, $0x0, v13  }
0xa9: {  	v18 =	vmin.f32 v18, $5.110000000e+02;
	v21 =	vmin.f32 v21, $5.110000000e+02;
	v25 =	vnsel vm4, $0x0, v28  }
0xaa: {  	v16 =	vmax.f32 v16, v24;
	v27 =	vadd.f32 $5.000000000e-01, v18;
	v28 =	vadd.f32 $5.000000000e-01, v21  }
0xab: {  	v13 =	vmax.f32 v13, v15;
	v15 =	vmax.f32 v20, v17;
	v22 =	vmax.f32 v25, v22  }
0xac: {  	v17 =	vtrunc.f32 v27;
	v20 =	vtrunc.f32 v28;
	v12 =	vnsel vm1, $0x0, v12  }
0xad: {  	v17 =	vcvt.f32.s32 v17;
	v20 =	vcvt.f32.s32 v20;
	v12 =	vmax.f32 v14, v12  }
0xae: {  	v13 =	vmax.f32 v22, v13;
	v14 =	vnsel vm2, $0x0, v19;
	v12 =	vmax.f32 v15, v12  }
0xaf: {  	v14 =	vmax.f32 v14, v26;
	v15 =	vcvt.s32.f32 v17;
	v19 =	vcvt.s32.f32 v20  }
0xb0: {  	v22 =	vand.u32 $0x1, v20;
	v14 =	vmax.f32 v16, v14;
	v12 =	vmax.f32 v13, v12  }
0xb1: {  	v14 =	vmax.f32 v14, v23;
	v13 =	vsub.f32 v15, v18;
	v15 =	vsub.f32 v19, v21  }
0xb2: {  	v16 =	vand.u32 $0x1, v17;
	vm0 =	veq.s32 v22, $0x1;
	v12 =	vmax.f32 v12, v14  }
0xb3: {  	vm2 =	veq.s32 v16, $0x1;
	vm1 =	veq.f32 v13, $5.000000000e-01;
	vm3 =	veq.f32 v15, $5.000000000e-01  }
0xb4: {  	v6 =	vadd.f32 v12, v6;
	vm1 =	vmand vm1, vm2;
	vm0 =	vmand vm3, vm0  }
0xb5: {  	v12 =	vsel vm1, $0xFFFFFFFF, v1;
	v13 =	vsel vm0, $0xFFFFFFFF, v1  }
0xb6: {  	v12 =	vadd.s32 v17, v12;
	v14 =	vadd.s32 v20, v13  }
0xb7: {  	v15 =	vcvt.s32.f32 v14;
	vm1 =	vge.s32 v12, v2;
	v16 =	vsub.s32 v12, v2  }
0xb8: {  	vm2 =	vlt.s32 v12, v3;
	v13 =	vadd.s32 $0x2, v16;
	v17 =	vadd.s32 $0x1, v16  }
0xb9: {  	v19 =	vadd.s32 $0x4, v16;
	vm0 =	vgt.s32 v17, $0x0;
	vm3 =	vgt.s32 v13, $0x0  }
0xba: {  	v20 =	vcvt.s32.f32 v12;
	v12 =	vnsel vm0, $0x0, v17;
	v13 =	vnsel vm3, $0x0, v13  }
0xbb: {  	v17 =	vadd.s32 $0x3, v16;
	v12 =	vmin.u32 v12, $0xAF;
	v13 =	vmin.u32 v13, $0xAF  }
0xbc: {  	vm0 =	vgt.s32 v16, $0x0;
	v22 =	vmul.u32 $0x204, v12;
	v12 =	vmul.u32 $0x204, v13  }
0xbd: {  	v25 =	vadd.s32 $0x1, v14;
	v28 =	vadd.s32 $0x2, v14;
	v26 =	vadd.s32 $0x3, v14  }
0xbe: {  	vm3 =	vgt.s32 v17, $0x0;
	v13 =	vadd.s32 v28, v22;
	v27 =	vadd.s32 v14, v12  }
0xbf: {  	v29 =	vadd.s32 v25, v12;
	v14 =	vadd.s32 v28, v12;
	v12 =	vadd.s32 v26, v12  }
0xc0: {  	v17 =	vnsel vm3, $0x0, v17;
	vm3 =	vgt.s32 v19, $0x0;
	v23 =	vadd.s32 $0x4, v27  }
0xc1: {  	v20 =	vsub.f32 v18, v20;
	v31 =	vsub.f32 v21, v15;
	v15 =	vnsel vm3, $0x0, v19  }
0xc2: {  	vm1 =	vmand vm1, vm2;
	v17 =	vmin.u32 v17, $0xAF;
	v15 =	vmin.u32 v15, $0xAF  }
0xc3: {  	v21 =	vadd.f32 $-2.000000000e+00, v31;
	v19 =	vadd.f32 $-2.000000000e+00, v20;
	v32 =	vadd.s32 v25, v22  }
0xc4: {  	v30 =	vadd.f32 $1.000000000e+00, v31;
	v33 =	vadd.f32 $-1.000000000e+00, v31;
	v15 =	vmul.u32 $0x204, v15  }
0xc5: {  	v34 =	vadd.f32 $1.000000000e+00, v20;
	v18 =	vmul.f32 v20, v20;
	v21 =	vmul.f32 v21, v21;
	v35 =	vld.idx.msk [tilespmem:v23+s4+$0x0], $0xffff  }
0xc6: {  	v24 =	vadd.f32 $2.000000000e+00, v31;
	v36 =	vadd.s32 v28, v15;
	v23 =	vmul.f32 v30, v30  }
0xc7: {  	v37 =	vadd.f32 $-1.000000000e+00, v20;
	v30 =	vmul.u32 $0x204, v17;
	v17 =	vld.idx.msk [tilespmem:v29+s4+$0x0], $0xffff;
	v29 =	vadd.f32 v21, v18  }
0xc8: {  	v16 =	vnsel vm0, $0x0, v16;
	v38 =	vadd.f32 $2.000000000e+00, v20;
	v21 =	vadd.s32 v26, v22  }
0xc9: {  	v15 =	vnsel vm1, $0xBF800000, v11;
	v39 =	vadd.f32 v23, v18;
	v40 =	vadd.s32 v25, v30  }
0xca: {  	v22 =	vmin.u32 v16, $0xAF;
	v41 =	vadd.s32 v28, v30;
	vm0 =	vlt.f32 v29, v15  }
.Ltmp7:
0xcb: {  	v25 =	vmul.f32 v33, v33;
	v30 =	vadd.s32 v26, v30;
	v16 =	vnsel vm0, $0x0, v35;
	v20 =	vld.idx.msk [tilespmem:v27+s4+$0x0], $0xffff;
	(pc) =	sbr.rel @p0 .LBB2_7-.Ltmp7, $4  }
0xcc: {  	v26 =	vmul.f32 v37, v37;
	v33 =	vmul.u32 $0x204, v22;
	v29 =	vmul.f32 v31, v31;
	v22 =	vld.idx.msk [tilespmem:v32+s4+$0x0], $0xffff  }
0xcd: {  	v31 =	vmul.f32 v34, v34;
	v34 =	vadd.f32 v25, v18;
	vm0 =	vlt.f32 v39, v15;
	v27 =	vld.idx.msk [tilespmem:v36+s4+$0x0], $0xffff  }
0xce: {  	v28 =	vadd.s32 v28, v33;
	v33 =	vadd.f32 v26, v29;
	v36 =	vmul.f32 v19, v19;
	v32 =	vld.idx.msk [tilespmem:v40+s4+$0x0], $0xffff  }
0xcf: {  	s21 =	sadd.s32 $0x10, s21;
	v38 =	vmul.f32 v38, v38;
	v35 =	vadd.f32 v23, v26;
	v37 =	vadd.f32 v29, v18;
	v19 =	vld.idx.msk [tilespmem:v41+s4+$0x0], $0xffff  }
.Ltmp8:
0xd0: {  	_ = 	snop;
	(pc) =	sbr.rel .LBB2_8-.Ltmp8, $1  }
0xd1: {  	_ =	sdelay $0x3  }
.LBB2_11:
0xd2: {  	s16 =	simm.s32 $0x40;
	s17 =	simm.s32 $0x0  }
.LBB2_12:
0xd3: {  	p0 =	sne.s32 s16, $0x582C0;
	[tilespmem:s17+$0x0] =	vst v1;
	s17 =	smov.u32 s16;
	s16 =	sadd.s32 $0x40, s16  }
.Ltmp9:
0xd4: {  	(pc) =	sbr.rel @p0 .LBB2_12-.Ltmp9, $2  }
0xd5: {  	_ =	sdelay $0x2  }
0xd6: {  	s17 =	sshra.s32 s17, $0x2  }
0xd7: {  	[tilespmem:s17+$0x0] =	vst v1  }
0xd8: {  	v2 =	vld [tilespmem:$0x183C0]  }
0xd9: {  	v3 =	vld [tilespmem:$0x19200]  }
0xda: {  	v4 =	vld [tilespmem:$0x19780];
	_ =	sdelay $0x4  }
0xdb: {  	vm0 =	vgt.f32 v2, $3.200000000e+01  }
0xdc: {  	v2 =	vsel vm0, $0x1, v1  }
0xdd: {  	[tilespmem:v3+s4+$0x0] =	vst.idx.msk $0xffff, v2  }
0xde: {  	[tilespmem:v4+s4+$0x0] =	vst.idx.msk $0xffff, v2  }
0xdf: {  	v2 =	vld [tilespmem:$0x183D0]  }
0xe0: {  	v3 =	vld [tilespmem:$0x19210]  }
0xe1: {  	v4 =	vld [tilespmem:$0x19790];
	_ =	sdelay $0x4  }
0xe2: {  	vm13 =	vgt.f32 v2, $3.200000000e+01  }
0xe3: {  	v2 =	vsel vm13, $0x1, v1  }
0xe4: {  	[tilespmem:v3+s4+$0x0] =	vst.idx.msk $0xffff, v2  }
0xe5: {  	[tilespmem:v4+s4+$0x0] =	vst.idx.msk $0xffff, v2  }
0xe6: {  	v2 =	vld [tilespmem:$0x183E0]  }
0xe7: {  	v3 =	vld [tilespmem:$0x19220]  }
0xe8: {  	v4 =	vld [tilespmem:$0x197A0];
	_ =	sdelay $0x4  }
0xe9: {  	vm14 =	vgt.f32 v2, $3.200000000e+01  }
0xea: {  	v2 =	vsel vm14, $0x1, v1  }
0xeb: {  	[tilespmem:v3+s4+$0x0] =	vst.idx.msk $0xffff, v2  }
0xec: {  	[tilespmem:v4+s4+$0x0] =	vst.idx.msk $0xffff, v2  }
0xed: {  	v2 =	vld [tilespmem:$0x183F0]  }
0xee: {  	v3 =	vld [tilespmem:$0x19230]  }
0xef: {  	v4 =	vld [tilespmem:$0x197B0];
	_ =	sdelay $0x4  }
0xf0: {  	vm15 =	vgt.f32 v2, $3.200000000e+01  }
0xf1: {  	v2 =	vsel vm15, $0x1, v1  }
0xf2: {  	[tilespmem:v3+s4+$0x0] =	vst.idx.msk $0xffff, v2  }
0xf3: {  	[tilespmem:v4+s4+$0x0] =	vst.idx.msk $0xffff, v2  }
0xf4: {  	v2 =	vld [tilespmem:$0x18400]  }
0xf5: {  	v3 =	vld [tilespmem:$0x19240]  }
0xf6: {  	v4 =	vld [tilespmem:$0x197C0];
	_ =	sdelay $0x4  }
0xf7: {  	vm4 =	vgt.f32 v2, $3.200000000e+01  }
0xf8: {  	v2 =	vsel vm4, $0x1, v1  }
0xf9: {  	[tilespmem:v3+s4+$0x0] =	vst.idx.msk $0xffff, v2  }
0xfa: {  	[tilespmem:v4+s4+$0x0] =	vst.idx.msk $0xffff, v2  }
0xfb: {  	v2 =	vld [tilespmem:$0x18410]  }
0xfc: {  	v3 =	vld [tilespmem:$0x19250]  }
0xfd: {  	v4 =	vld [tilespmem:$0x197D0];
	_ =	sdelay $0x4  }
0xfe: {  	vm5 =	vgt.f32 v2, $3.200000000e+01  }
0xff: {  	v2 =	vsel vm5, $0x1, v1  }
0x100: {  	[tilespmem:v3+s4+$0x0] =	vst.idx.msk $0xffff, v2  }
0x101: {  	[tilespmem:v4+s4+$0x0] =	vst.idx.msk $0xffff, v2  }
0x102: {  	v2 =	vld [tilespmem:$0x18420]  }
0x103: {  	v3 =	vld [tilespmem:$0x19260]  }
0x104: {  	v4 =	vld [tilespmem:$0x197E0];
	_ =	sdelay $0x4  }
0x105: {  	vm6 =	vgt.f32 v2, $3.200000000e+01  }
0x106: {  	v2 =	vsel vm6, $0x1, v1  }
0x107: {  	[tilespmem:v3+s4+$0x0] =	vst.idx.msk $0xffff, v2  }
0x108: {  	[tilespmem:v4+s4+$0x0] =	vst.idx.msk $0xffff, v2  }
0x109: {  	v2 =	vld [tilespmem:$0x18430]  }
0x10a: {  	v3 =	vld [tilespmem:$0x19270]  }
0x10b: {  	v4 =	vld [tilespmem:$0x197F0];
	_ =	sdelay $0x4  }
0x10c: {  	vm7 =	vgt.f32 v2, $3.200000000e+01  }
0x10d: {  	v2 =	vsel vm7, $0x1, v1  }
0x10e: {  	[tilespmem:v3+s4+$0x0] =	vst.idx.msk $0xffff, v2  }
0x10f: {  	[tilespmem:v4+s4+$0x0] =	vst.idx.msk $0xffff, v2  }
0x110: {  	v2 =	vld [tilespmem:$0x18440]  }
0x111: {  	v3 =	vld [tilespmem:$0x19280]  }
0x112: {  	v4 =	vld [tilespmem:$0x19800];
	_ =	sdelay $0x4  }
0x113: {  	vm8 =	vgt.f32 v2, $3.200000000e+01  }
0x114: {  	v2 =	vsel vm8, $0x1, v1  }
0x115: {  	[tilespmem:v3+s4+$0x0] =	vst.idx.msk $0xffff, v2  }
0x116: {  	[tilespmem:v4+s4+$0x0] =	vst.idx.msk $0xffff, v2  }
0x117: {  	v2 =	vld [tilespmem:$0x18450]  }
0x118: {  	v3 =	vld [tilespmem:$0x19290]  }
0x119: {  	v4 =	vld [tilespmem:$0x19810];
	_ =	sdelay $0x4  }
0x11a: {  	vm9 =	vgt.f32 v2, $3.200000000e+01  }
0x11b: {  	v2 =	vsel vm9, $0x1, v1  }
0x11c: {  	[tilespmem:v3+s4+$0x0] =	vst.idx.msk $0xffff, v2  }
0x11d: {  	[tilespmem:v4+s4+$0x0] =	vst.idx.msk $0xffff, v2  }
0x11e: {  	v2 =	vld [tilespmem:$0x18460]  }
0x11f: {  	v3 =	vld [tilespmem:$0x192A0]  }
0x120: {  	v4 =	vld [tilespmem:$0x19820];
	_ =	sdelay $0x4  }
0x121: {  	vm10 =	vgt.f32 v2, $3.200000000e+01  }
0x122: {  	v2 =	vsel vm10, $0x1, v1  }
0x123: {  	[tilespmem:v3+s4+$0x0] =	vst.idx.msk $0xffff, v2  }
0x124: {  	[tilespmem:v4+s4+$0x0] =	vst.idx.msk $0xffff, v2  }
0x125: {  	v2 =	vld [tilespmem:$0x18470]  }
0x126: {  	v3 =	vld [tilespmem:$0x192B0]  }
0x127: {  	v4 =	vld [tilespmem:$0x19830];
	_ =	sdelay $0x4  }
0x128: {  	vm11 =	vgt.f32 v2, $3.200000000e+01  }
0x129: {  	v2 =	vsel vm11, $0x1, v1  }
0x12a: {  	[tilespmem:v3+s4+$0x0] =	vst.idx.msk $0xffff, v2  }
0x12b: {  	[tilespmem:v4+s4+$0x0] =	vst.idx.msk $0xffff, v2  }
0x12c: {  	v2 =	vld [tilespmem:$0x18480]  }
0x12d: {  	v3 =	vld [tilespmem:$0x192C0]  }
0x12e: {  	v4 =	vld [tilespmem:$0x19840];
	_ =	sdelay $0x4  }
0x12f: {  	vm12 =	vgt.f32 v2, $3.200000000e+01  }
0x130: {  	v2 =	vsel vm12, $0x1, v1  }
0x131: {  	[tilespmem:v3+s4+$0x0] =	vst.idx.msk $0xffff, v2  }
0x132: {  	[tilespmem:v4+s4+$0x0] =	vst.idx.msk $0xffff, v2  }
0x133: {  	v2 =	vld [tilespmem:$0x18490]  }
0x134: {  	v3 =	vld [tilespmem:$0x192D0]  }
0x135: {  	v4 =	vld [tilespmem:$0x19850];
	_ =	sdelay $0x4  }
0x136: {  	vm13 =	vgt.f32 v2, $3.200000000e+01  }
0x137: {  	v2 =	vsel vm13, $0x1, v1  }
0x138: {  	[tilespmem:v3+s4+$0x0] =	vst.idx.msk $0xffff, v2  }
0x139: {  	[tilespmem:v4+s4+$0x0] =	vst.idx.msk $0xffff, v2  }
0x13a: {  	v2 =	vld [tilespmem:$0x184A0]  }
0x13b: {  	v3 =	vld [tilespmem:$0x192E0]  }
0x13c: {  	v4 =	vld [tilespmem:$0x19860];
	_ =	sdelay $0x4  }
0x13d: {  	vm14 =	vgt.f32 v2, $3.200000000e+01  }
0x13e: {  	v2 =	vsel vm14, $0x1, v1  }
0x13f: {  	[tilespmem:v3+s4+$0x0] =	vst.idx.msk $0xffff, v2  }
0x140: {  	[tilespmem:v4+s4+$0x0] =	vst.idx.msk $0xffff, v2  }
0x141: {  	v2 =	vld [tilespmem:$0x184B0]  }
0x142: {  	v3 =	vld [tilespmem:$0x192F0]  }
0x143: {  	v4 =	vld [tilespmem:$0x19870];
	_ =	sdelay $0x4  }
0x144: {  	vm15 =	vgt.f32 v2, $3.200000000e+01  }
0x145: {  	v2 =	vsel vm15, $0x1, v1  }
0x146: {  	[tilespmem:v3+s4+$0x0] =	vst.idx.msk $0xffff, v2  }
0x147: {  	[tilespmem:v4+s4+$0x0] =	vst.idx.msk $0xffff, v2  }
0x148: {  	v2 =	vld [tilespmem:$0x184C0]  }
0x149: {  	v3 =	vld [tilespmem:$0x19300]  }
0x14a: {  	v4 =	vld [tilespmem:$0x19880];
	_ =	sdelay $0x4  }
0x14b: {  	vm4 =	vgt.f32 v2, $3.200000000e+01  }
0x14c: {  	v2 =	vsel vm4, $0x1, v1  }
0x14d: {  	[tilespmem:v3+s4+$0x0] =	vst.idx.msk $0xffff, v2  }
0x14e: {  	[tilespmem:v4+s4+$0x0] =	vst.idx.msk $0xffff, v2  }
0x14f: {  	v2 =	vld [tilespmem:$0x184D0]  }
0x150: {  	v3 =	vld [tilespmem:$0x19310]  }
0x151: {  	v4 =	vld [tilespmem:$0x19890];
	_ =	sdelay $0x4  }
0x152: {  	vm5 =	vgt.f32 v2, $3.200000000e+01  }
0x153: {  	v2 =	vsel vm5, $0x1, v1  }
0x154: {  	[tilespmem:v3+s4+$0x0] =	vst.idx.msk $0xffff, v2  }
0x155: {  	[tilespmem:v4+s4+$0x0] =	vst.idx.msk $0xffff, v2  }
0x156: {  	v2 =	vld [tilespmem:$0x184E0]  }
0x157: {  	v3 =	vld [tilespmem:$0x19320]  }
0x158: {  	v4 =	vld [tilespmem:$0x198A0];
	_ =	sdelay $0x4  }
0x159: {  	vm6 =	vgt.f32 v2, $3.200000000e+01  }
0x15a: {  	v2 =	vsel vm6, $0x1, v1  }
0x15b: {  	[tilespmem:v3+s4+$0x0] =	vst.idx.msk $0xffff, v2  }
0x15c: {  	[tilespmem:v4+s4+$0x0] =	vst.idx.msk $0xffff, v2  }
0x15d: {  	v2 =	vld [tilespmem:$0x184F0]  }
0x15e: {  	v3 =	vld [tilespmem:$0x19330]  }
0x15f: {  	v4 =	vld [tilespmem:$0x198B0];
	_ =	sdelay $0x4  }
0x160: {  	vm7 =	vgt.f32 v2, $3.200000000e+01  }
0x161: {  	v2 =	vsel vm7, $0x1, v1  }
0x162: {  	[tilespmem:v3+s4+$0x0] =	vst.idx.msk $0xffff, v2  }
0x163: {  	[tilespmem:v4+s4+$0x0] =	vst.idx.msk $0xffff, v2  }
0x164: {  	v2 =	vld [tilespmem:$0x18500]  }
0x165: {  	v3 =	vld [tilespmem:$0x19340]  }
0x166: {  	v4 =	vld [tilespmem:$0x198C0];
	_ =	sdelay $0x4  }
0x167: {  	vm8 =	vgt.f32 v2, $3.200000000e+01  }
0x168: {  	v2 =	vsel vm8, $0x1, v1  }
0x169: {  	[tilespmem:v3+s4+$0x0] =	vst.idx.msk $0xffff, v2  }
0x16a: {  	[tilespmem:v4+s4+$0x0] =	vst.idx.msk $0xffff, v2  }
0x16b: {  	v2 =	vld [tilespmem:$0x18510]  }
0x16c: {  	v3 =	vld [tilespmem:$0x19350]  }
0x16d: {  	v4 =	vld [tilespmem:$0x198D0];
	_ =	sdelay $0x4  }
0x16e: {  	vm9 =	vgt.f32 v2, $3.200000000e+01  }
0x16f: {  	v2 =	vsel vm9, $0x1, v1  }
0x170: {  	[tilespmem:v3+s4+$0x0] =	vst.idx.msk $0xffff, v2  }
0x171: {  	[tilespmem:v4+s4+$0x0] =	vst.idx.msk $0xffff, v2  }
0x172: {  	v2 =	vld [tilespmem:$0x18520]  }
0x173: {  	v3 =	vld [tilespmem:$0x19360]  }
0x174: {  	v4 =	vld [tilespmem:$0x198E0];
	_ =	sdelay $0x4  }
0x175: {  	vm10 =	vgt.f32 v2, $3.200000000e+01  }
0x176: {  	v2 =	vsel vm10, $0x1, v1  }
0x177: {  	[tilespmem:v3+s4+$0x0] =	vst.idx.msk $0xffff, v2  }
0x178: {  	[tilespmem:v4+s4+$0x0] =	vst.idx.msk $0xffff, v2  }
0x179: {  	v2 =	vld [tilespmem:$0x18530]  }
0x17a: {  	v3 =	vld [tilespmem:$0x19370]  }
0x17b: {  	v4 =	vld [tilespmem:$0x198F0];
	_ =	sdelay $0x4  }
0x17c: {  	vm11 =	vgt.f32 v2, $3.200000000e+01  }
0x17d: {  	v2 =	vsel vm11, $0x1, v1  }
0x17e: {  	[tilespmem:v3+s4+$0x0] =	vst.idx.msk $0xffff, v2  }
0x17f: {  	[tilespmem:v4+s4+$0x0] =	vst.idx.msk $0xffff, v2  }
0x180: {  	v2 =	vld [tilespmem:$0x18540]  }
0x181: {  	v3 =	vld [tilespmem:$0x19380]  }
0x182: {  	v4 =	vld [tilespmem:$0x19900];
	_ =	sdelay $0x4  }
0x183: {  	vm12 =	vgt.f32 v2, $3.200000000e+01  }
0x184: {  	v2 =	vsel vm12, $0x1, v1  }
0x185: {  	[tilespmem:v3+s4+$0x0] =	vst.idx.msk $0xffff, v2  }
0x186: {  	[tilespmem:v4+s4+$0x0] =	vst.idx.msk $0xffff, v2  }
0x187: {  	v2 =	vld [tilespmem:$0x18550]  }
0x188: {  	v3 =	vld [tilespmem:$0x19390]  }
0x189: {  	v4 =	vld [tilespmem:$0x19910];
	_ =	sdelay $0x4  }
0x18a: {  	vm13 =	vgt.f32 v2, $3.200000000e+01  }
0x18b: {  	v2 =	vsel vm13, $0x1, v1  }
0x18c: {  	[tilespmem:v3+s4+$0x0] =	vst.idx.msk $0xffff, v2  }
0x18d: {  	[tilespmem:v4+s4+$0x0] =	vst.idx.msk $0xffff, v2  }
0x18e: {  	v2 =	vld [tilespmem:$0x18560]  }
0x18f: {  	v3 =	vld [tilespmem:$0x193A0]  }
0x190: {  	v4 =	vld [tilespmem:$0x19920];
	_ =	sdelay $0x4  }
0x191: {  	vm14 =	vgt.f32 v2, $3.200000000e+01  }
0x192: {  	v2 =	vsel vm14, $0x1, v1  }
0x193: {  	[tilespmem:v3+s4+$0x0] =	vst.idx.msk $0xffff, v2  }
0x194: {  	[tilespmem:v4+s4+$0x0] =	vst.idx.msk $0xffff, v2  }
0x195: {  	v2 =	vld [tilespmem:$0x18570]  }
0x196: {  	v3 =	vld [tilespmem:$0x193B0]  }
0x197: {  	v4 =	vld [tilespmem:$0x19930];
	_ =	sdelay $0x4  }
0x198: {  	vm15 =	vgt.f32 v2, $3.200000000e+01  }
0x199: {  	v2 =	vsel vm15, $0x1, v1  }
0x19a: {  	[tilespmem:v3+s4+$0x0] =	vst.idx.msk $0xffff, v2  }
0x19b: {  	[tilespmem:v4+s4+$0x0] =	vst.idx.msk $0xffff, v2  }
0x19c: {  	v2 =	vld [tilespmem:$0x18580]  }
0x19d: {  	v3 =	vld [tilespmem:$0x193C0]  }
0x19e: {  	v4 =	vld [tilespmem:$0x19940];
	_ =	sdelay $0x4  }
0x19f: {  	vm4 =	vgt.f32 v2, $3.200000000e+01  }
0x1a0: {  	v2 =	vsel vm4, $0x1, v1  }
0x1a1: {  	[tilespmem:v3+s4+$0x0] =	vst.idx.msk $0xffff, v2  }
0x1a2: {  	[tilespmem:v4+s4+$0x0] =	vst.idx.msk $0xffff, v2  }
0x1a3: {  	v2 =	vld [tilespmem:$0x18590]  }
0x1a4: {  	v3 =	vld [tilespmem:$0x193D0]  }
0x1a5: {  	v4 =	vld [tilespmem:$0x19950];
	_ =	sdelay $0x4  }
0x1a6: {  	vm5 =	vgt.f32 v2, $3.200000000e+01  }
0x1a7: {  	v2 =	vsel vm5, $0x1, v1  }
0x1a8: {  	[tilespmem:v3+s4+$0x0] =	vst.idx.msk $0xffff, v2  }
0x1a9: {  	[tilespmem:v4+s4+$0x0] =	vst.idx.msk $0xffff, v2  }
0x1aa: {  	v2 =	vld [tilespmem:$0x185A0]  }
0x1ab: {  	v3 =	vld [tilespmem:$0x193E0]  }
0x1ac: {  	v4 =	vld [tilespmem:$0x19960];
	_ =	sdelay $0x4  }
0x1ad: {  	vm6 =	vgt.f32 v2, $3.200000000e+01  }
0x1ae: {  	v2 =	vsel vm6, $0x1, v1  }
0x1af: {  	[tilespmem:v3+s4+$0x0] =	vst.idx.msk $0xffff, v2  }
0x1b0: {  	[tilespmem:v4+s4+$0x0] =	vst.idx.msk $0xffff, v2  }
0x1b1: {  	v2 =	vld [tilespmem:$0x185B0]  }
0x1b2: {  	v3 =	vld [tilespmem:$0x193F0]  }
0x1b3: {  	v4 =	vld [tilespmem:$0x19970];
	_ =	sdelay $0x4  }
0x1b4: {  	vm7 =	vgt.f32 v2, $3.200000000e+01  }
0x1b5: {  	v2 =	vsel vm7, $0x1, v1  }
0x1b6: {  	[tilespmem:v3+s4+$0x0] =	vst.idx.msk $0xffff, v2  }
0x1b7: {  	[tilespmem:v4+s4+$0x0] =	vst.idx.msk $0xffff, v2  }
0x1b8: {  	v2 =	vld [tilespmem:$0x185C0]  }
0x1b9: {  	v3 =	vld [tilespmem:$0x19400]  }
0x1ba: {  	v4 =	vld [tilespmem:$0x19980];
	_ =	sdelay $0x4  }
0x1bb: {  	vm8 =	vgt.f32 v2, $3.200000000e+01  }
0x1bc: {  	v2 =	vsel vm8, $0x1, v1  }
0x1bd: {  	[tilespmem:v3+s4+$0x0] =	vst.idx.msk $0xffff, v2  }
0x1be: {  	[tilespmem:v4+s4+$0x0] =	vst.idx.msk $0xffff, v2  }
0x1bf: {  	v2 =	vld [tilespmem:$0x185D0]  }
0x1c0: {  	v3 =	vld [tilespmem:$0x19410]  }
0x1c1: {  	v4 =	vld [tilespmem:$0x19990];
	_ =	sdelay $0x4  }
0x1c2: {  	vm9 =	vgt.f32 v2, $3.200000000e+01  }
0x1c3: {  	v2 =	vsel vm9, $0x1, v1  }
0x1c4: {  	[tilespmem:v3+s4+$0x0] =	vst.idx.msk $0xffff, v2  }
0x1c5: {  	[tilespmem:v4+s4+$0x0] =	vst.idx.msk $0xffff, v2  }
0x1c6: {  	v2 =	vld [tilespmem:$0x185E0]  }
0x1c7: {  	v3 =	vld [tilespmem:$0x19420]  }
0x1c8: {  	v4 =	vld [tilespmem:$0x199A0];
	_ =	sdelay $0x4  }
0x1c9: {  	vm10 =	vgt.f32 v2, $3.200000000e+01  }
0x1ca: {  	v2 =	vsel vm10, $0x1, v1  }
0x1cb: {  	[tilespmem:v3+s4+$0x0] =	vst.idx.msk $0xffff, v2  }
0x1cc: {  	[tilespmem:v4+s4+$0x0] =	vst.idx.msk $0xffff, v2  }
0x1cd: {  	v2 =	vld [tilespmem:$0x185F0]  }
0x1ce: {  	v3 =	vld [tilespmem:$0x19430]  }
0x1cf: {  	v4 =	vld [tilespmem:$0x199B0];
	_ =	sdelay $0x4  }
0x1d0: {  	vm11 =	vgt.f32 v2, $3.200000000e+01  }
0x1d1: {  	v2 =	vsel vm11, $0x1, v1  }
0x1d2: {  	[tilespmem:v3+s4+$0x0] =	vst.idx.msk $0xffff, v2  }
0x1d3: {  	[tilespmem:v4+s4+$0x0] =	vst.idx.msk $0xffff, v2  }
0x1d4: {  	v2 =	vld [tilespmem:$0x18600]  }
0x1d5: {  	v3 =	vld [tilespmem:$0x19440]  }
0x1d6: {  	v4 =	vld [tilespmem:$0x199C0];
	_ =	sdelay $0x4  }
0x1d7: {  	vm12 =	vgt.f32 v2, $3.200000000e+01  }
0x1d8: {  	v2 =	vsel vm12, $0x1, v1  }
0x1d9: {  	[tilespmem:v3+s4+$0x0] =	vst.idx.msk $0xffff, v2  }
0x1da: {  	[tilespmem:v4+s4+$0x0] =	vst.idx.msk $0xffff, v2  }
0x1db: {  	v2 =	vld [tilespmem:$0x18610]  }
0x1dc: {  	v3 =	vld [tilespmem:$0x19450]  }
0x1dd: {  	v4 =	vld [tilespmem:$0x199D0];
	_ =	sdelay $0x4  }
0x1de: {  	vm13 =	vgt.f32 v2, $3.200000000e+01  }
0x1df: {  	v2 =	vsel vm13, $0x1, v1  }
0x1e0: {  	[tilespmem:v3+s4+$0x0] =	vst.idx.msk $0xffff, v2  }
0x1e1: {  	[tilespmem:v4+s4+$0x0] =	vst.idx.msk $0xffff, v2  }
0x1e2: {  	v2 =	vld [tilespmem:$0x18620]  }
0x1e3: {  	v3 =	vld [tilespmem:$0x19460]  }
0x1e4: {  	v4 =	vld [tilespmem:$0x199E0];
	_ =	sdelay $0x4  }
0x1e5: {  	vm14 =	vgt.f32 v2, $3.200000000e+01  }
0x1e6: {  	v2 =	vsel vm14, $0x1, v1  }
0x1e7: {  	[tilespmem:v3+s4+$0x0] =	vst.idx.msk $0xffff, v2  }
0x1e8: {  	[tilespmem:v4+s4+$0x0] =	vst.idx.msk $0xffff, v2  }
0x1e9: {  	v2 =	vld [tilespmem:$0x18630]  }
0x1ea: {  	v3 =	vld [tilespmem:$0x19470]  }
0x1eb: {  	v4 =	vld [tilespmem:$0x199F0];
	_ =	sdelay $0x4  }
0x1ec: {  	vm15 =	vgt.f32 v2, $3.200000000e+01  }
0x1ed: {  	v2 =	vsel vm15, $0x1, v1  }
0x1ee: {  	[tilespmem:v3+s4+$0x0] =	vst.idx.msk $0xffff, v2  }
0x1ef: {  	[tilespmem:v4+s4+$0x0] =	vst.idx.msk $0xffff, v2  }
0x1f0: {  	v2 =	vld [tilespmem:$0x18640]  }
0x1f1: {  	v3 =	vld [tilespmem:$0x19480]  }
0x1f2: {  	v4 =	vld [tilespmem:$0x19A00];
	_ =	sdelay $0x4  }
0x1f3: {  	vm4 =	vgt.f32 v2, $3.200000000e+01  }
0x1f4: {  	v2 =	vsel vm4, $0x1, v1  }
0x1f5: {  	[tilespmem:v3+s4+$0x0] =	vst.idx.msk $0xffff, v2  }
0x1f6: {  	[tilespmem:v4+s4+$0x0] =	vst.idx.msk $0xffff, v2  }
0x1f7: {  	v2 =	vld [tilespmem:$0x18650]  }
0x1f8: {  	v3 =	vld [tilespmem:$0x19490]  }
0x1f9: {  	v4 =	vld [tilespmem:$0x19A10];
	_ =	sdelay $0x4  }
0x1fa: {  	vm5 =	vgt.f32 v2, $3.200000000e+01  }
0x1fb: {  	v2 =	vsel vm5, $0x1, v1  }
0x1fc: {  	[tilespmem:v3+s4+$0x0] =	vst.idx.msk $0xffff, v2  }
0x1fd: {  	[tilespmem:v4+s4+$0x0] =	vst.idx.msk $0xffff, v2  }
0x1fe: {  	v2 =	vld [tilespmem:$0x18660]  }
0x1ff: {  	v3 =	vld [tilespmem:$0x194A0]  }
0x200: {  	v4 =	vld [tilespmem:$0x19A20];
	_ =	sdelay $0x4  }
0x201: {  	vm6 =	vgt.f32 v2, $3.200000000e+01  }
0x202: {  	v2 =	vsel vm6, $0x1, v1  }
0x203: {  	[tilespmem:v3+s4+$0x0] =	vst.idx.msk $0xffff, v2  }
0x204: {  	[tilespmem:v4+s4+$0x0] =	vst.idx.msk $0xffff, v2  }
0x205: {  	v2 =	vld [tilespmem:$0x18670]  }
0x206: {  	v3 =	vld [tilespmem:$0x194B0]  }
0x207: {  	v4 =	vld [tilespmem:$0x19A30];
	_ =	sdelay $0x4  }
0x208: {  	vm7 =	vgt.f32 v2, $3.200000000e+01  }
0x209: {  	v2 =	vsel vm7, $0x1, v1  }
0x20a: {  	[tilespmem:v3+s4+$0x0] =	vst.idx.msk $0xffff, v2  }
0x20b: {  	[tilespmem:v4+s4+$0x0] =	vst.idx.msk $0xffff, v2  }
0x20c: {  	v2 =	vld [tilespmem:$0x18680]  }
0x20d: {  	v3 =	vld [tilespmem:$0x194C0]  }
0x20e: {  	v4 =	vld [tilespmem:$0x19A40];
	_ =	sdelay $0x4  }
0x20f: {  	vm8 =	vgt.f32 v2, $3.200000000e+01  }
0x210: {  	v2 =	vsel vm8, $0x1, v1  }
0x211: {  	[tilespmem:v3+s4+$0x0] =	vst.idx.msk $0xffff, v2  }
0x212: {  	[tilespmem:v4+s4+$0x0] =	vst.idx.msk $0xffff, v2  }
0x213: {  	v2 =	vld [tilespmem:$0x18690]  }
0x214: {  	v3 =	vld [tilespmem:$0x194D0]  }
0x215: {  	v4 =	vld [tilespmem:$0x19A50];
	_ =	sdelay $0x4  }
0x216: {  	vm9 =	vgt.f32 v2, $3.200000000e+01  }
0x217: {  	v2 =	vsel vm9, $0x1, v1  }
0x218: {  	[tilespmem:v3+s4+$0x0] =	vst.idx.msk $0xffff, v2  }
0x219: {  	[tilespmem:v4+s4+$0x0] =	vst.idx.msk $0xffff, v2  }
0x21a: {  	v2 =	vld [tilespmem:$0x186A0]  }
0x21b: {  	v3 =	vld [tilespmem:$0x194E0]  }
0x21c: {  	v4 =	vld [tilespmem:$0x19A60];
	_ =	sdelay $0x4  }
0x21d: {  	vm10 =	vgt.f32 v2, $3.200000000e+01  }
0x21e: {  	v2 =	vsel vm10, $0x1, v1  }
0x21f: {  	[tilespmem:v3+s4+$0x0] =	vst.idx.msk $0xffff, v2  }
0x220: {  	[tilespmem:v4+s4+$0x0] =	vst.idx.msk $0xffff, v2  }
0x221: {  	v2 =	vld [tilespmem:$0x186B0]  }
0x222: {  	v3 =	vld [tilespmem:$0x194F0]  }
0x223: {  	v4 =	vld [tilespmem:$0x19A70];
	_ =	sdelay $0x4  }
0x224: {  	vm11 =	vgt.f32 v2, $3.200000000e+01  }
0x225: {  	v2 =	vsel vm11, $0x1, v1  }
0x226: {  	[tilespmem:v3+s4+$0x0] =	vst.idx.msk $0xffff, v2  }
0x227: {  	[tilespmem:v4+s4+$0x0] =	vst.idx.msk $0xffff, v2  }
0x228: {  	v2 =	vld [tilespmem:$0x186C0]  }
0x229: {  	v3 =	vld [tilespmem:$0x19500]  }
0x22a: {  	v4 =	vld [tilespmem:$0x19A80];
	_ =	sdelay $0x4  }
0x22b: {  	vm12 =	vgt.f32 v2, $3.200000000e+01  }
0x22c: {  	v2 =	vsel vm12, $0x1, v1  }
0x22d: {  	[tilespmem:v3+s4+$0x0] =	vst.idx.msk $0xffff, v2  }
0x22e: {  	[tilespmem:v4+s4+$0x0] =	vst.idx.msk $0xffff, v2  }
0x22f: {  	v2 =	vld [tilespmem:$0x186D0]  }
0x230: {  	v3 =	vld [tilespmem:$0x19510]  }
0x231: {  	v4 =	vld [tilespmem:$0x19A90];
	_ =	sdelay $0x4  }
0x232: {  	vm13 =	vgt.f32 v2, $3.200000000e+01  }
0x233: {  	v2 =	vsel vm13, $0x1, v1  }
0x234: {  	[tilespmem:v3+s4+$0x0] =	vst.idx.msk $0xffff, v2  }
0x235: {  	[tilespmem:v4+s4+$0x0] =	vst.idx.msk $0xffff, v2  }
0x236: {  	v2 =	vld [tilespmem:$0x186E0]  }
0x237: {  	v3 =	vld [tilespmem:$0x19520]  }
0x238: {  	v4 =	vld [tilespmem:$0x19AA0];
	_ =	sdelay $0x4  }
0x239: {  	vm14 =	vgt.f32 v2, $3.200000000e+01  }
0x23a: {  	v2 =	vsel vm14, $0x1, v1  }
0x23b: {  	[tilespmem:v3+s4+$0x0] =	vst.idx.msk $0xffff, v2  }
0x23c: {  	[tilespmem:v4+s4+$0x0] =	vst.idx.msk $0xffff, v2  }
0x23d: {  	v2 =	vld [tilespmem:$0x186F0]  }
0x23e: {  	v3 =	vld [tilespmem:$0x19530]  }
0x23f: {  	v4 =	vld [tilespmem:$0x19AB0];
	_ =	sdelay $0x4  }
0x240: {  	vm15 =	vgt.f32 v2, $3.200000000e+01  }
0x241: {  	v2 =	vsel vm15, $0x1, v1  }
0x242: {  	[tilespmem:v3+s4+$0x0] =	vst.idx.msk $0xffff, v2  }
0x243: {  	[tilespmem:v4+s4+$0x0] =	vst.idx.msk $0xffff, v2  }
0x244: {  	v2 =	vld [tilespmem:$0x18700]  }
0x245: {  	v3 =	vld [tilespmem:$0x19540]  }
0x246: {  	v4 =	vld [tilespmem:$0x19AC0];
	_ =	sdelay $0x4  }
0x247: {  	vm4 =	vgt.f32 v2, $3.200000000e+01  }
0x248: {  	v2 =	vsel vm4, $0x1, v1  }
0x249: {  	[tilespmem:v3+s4+$0x0] =	vst.idx.msk $0xffff, v2  }
0x24a: {  	[tilespmem:v4+s4+$0x0] =	vst.idx.msk $0xffff, v2  }
0x24b: {  	v2 =	vld [tilespmem:$0x18710]  }
0x24c: {  	v3 =	vld [tilespmem:$0x19550]  }
0x24d: {  	v4 =	vld [tilespmem:$0x19AD0];
	_ =	sdelay $0x4  }
0x24e: {  	vm5 =	vgt.f32 v2, $3.200000000e+01  }
0x24f: {  	v2 =	vsel vm5, $0x1, v1  }
0x250: {  	[tilespmem:v3+s4+$0x0] =	vst.idx.msk $0xffff, v2  }
0x251: {  	[tilespmem:v4+s4+$0x0] =	vst.idx.msk $0xffff, v2  }
0x252: {  	v2 =	vld [tilespmem:$0x18720]  }
0x253: {  	v3 =	vld [tilespmem:$0x19560]  }
0x254: {  	v4 =	vld [tilespmem:$0x19AE0];
	_ =	sdelay $0x4  }
0x255: {  	vm6 =	vgt.f32 v2, $3.200000000e+01  }
0x256: {  	v2 =	vsel vm6, $0x1, v1  }
0x257: {  	[tilespmem:v3+s4+$0x0] =	vst.idx.msk $0xffff, v2  }
0x258: {  	[tilespmem:v4+s4+$0x0] =	vst.idx.msk $0xffff, v2  }
0x259: {  	v2 =	vld [tilespmem:$0x18730]  }
0x25a: {  	v3 =	vld [tilespmem:$0x19570]  }
0x25b: {  	v4 =	vld [tilespmem:$0x19AF0];
	_ =	sdelay $0x4  }
0x25c: {  	vm7 =	vgt.f32 v2, $3.200000000e+01  }
0x25d: {  	v2 =	vsel vm7, $0x1, v1  }
0x25e: {  	[tilespmem:v3+s4+$0x0] =	vst.idx.msk $0xffff, v2  }
0x25f: {  	[tilespmem:v4+s4+$0x0] =	vst.idx.msk $0xffff, v2  }
0x260: {  	v2 =	vld [tilespmem:$0x18740]  }
0x261: {  	v3 =	vld [tilespmem:$0x19580]  }
0x262: {  	v4 =	vld [tilespmem:$0x19B00];
	_ =	sdelay $0x4  }
0x263: {  	vm8 =	vgt.f32 v2, $3.200000000e+01  }
0x264: {  	v2 =	vsel vm8, $0x1, v1  }
0x265: {  	[tilespmem:v3+s4+$0x0] =	vst.idx.msk $0xffff, v2  }
0x266: {  	[tilespmem:v4+s4+$0x0] =	vst.idx.msk $0xffff, v2  }
0x267: {  	v2 =	vld [tilespmem:$0x18750]  }
0x268: {  	v3 =	vld [tilespmem:$0x19590]  }
0x269: {  	v4 =	vld [tilespmem:$0x19B10];
	_ =	sdelay $0x4  }
0x26a: {  	vm9 =	vgt.f32 v2, $3.200000000e+01  }
0x26b: {  	v2 =	vsel vm9, $0x1, v1  }
0x26c: {  	[tilespmem:v3+s4+$0x0] =	vst.idx.msk $0xffff, v2  }
0x26d: {  	[tilespmem:v4+s4+$0x0] =	vst.idx.msk $0xffff, v2  }
0x26e: {  	v2 =	vld [tilespmem:$0x18760]  }
0x26f: {  	v3 =	vld [tilespmem:$0x195A0]  }
0x270: {  	v4 =	vld [tilespmem:$0x19B20];
	_ =	sdelay $0x4  }
0x271: {  	vm10 =	vgt.f32 v2, $3.200000000e+01  }
0x272: {  	v2 =	vsel vm10, $0x1, v1  }
0x273: {  	[tilespmem:v3+s4+$0x0] =	vst.idx.msk $0xffff, v2  }
0x274: {  	[tilespmem:v4+s4+$0x0] =	vst.idx.msk $0xffff, v2  }
0x275: {  	v2 =	vld [tilespmem:$0x18770]  }
0x276: {  	v3 =	vld [tilespmem:$0x195B0]  }
0x277: {  	v4 =	vld [tilespmem:$0x19B30];
	_ =	sdelay $0x4  }
0x278: {  	vm11 =	vgt.f32 v2, $3.200000000e+01  }
0x279: {  	v2 =	vsel vm11, $0x1, v1  }
0x27a: {  	[tilespmem:v3+s4+$0x0] =	vst.idx.msk $0xffff, v2  }
0x27b: {  	[tilespmem:v4+s4+$0x0] =	vst.idx.msk $0xffff, v2  }
0x27c: {  	v2 =	vld [tilespmem:$0x18780]  }
0x27d: {  	v3 =	vld [tilespmem:$0x195C0]  }
0x27e: {  	v4 =	vld [tilespmem:$0x19B40];
	_ =	sdelay $0x4  }
0x27f: {  	vm12 =	vgt.f32 v2, $3.200000000e+01  }
0x280: {  	v2 =	vsel vm12, $0x1, v1  }
0x281: {  	[tilespmem:v3+s4+$0x0] =	vst.idx.msk $0xffff, v2  }
0x282: {  	[tilespmem:v4+s4+$0x0] =	vst.idx.msk $0xffff, v2  }
0x283: {  	v2 =	vld [tilespmem:$0x18790]  }
0x284: {  	v3 =	vld [tilespmem:$0x195D0]  }
0x285: {  	v4 =	vld [tilespmem:$0x19B50];
	_ =	sdelay $0x4  }
0x286: {  	vm13 =	vgt.f32 v2, $3.200000000e+01  }
0x287: {  	v2 =	vsel vm13, $0x1, v1  }
0x288: {  	[tilespmem:v3+s4+$0x0] =	vst.idx.msk $0xffff, v2  }
0x289: {  	[tilespmem:v4+s4+$0x0] =	vst.idx.msk $0xffff, v2  }
0x28a: {  	v2 =	vld [tilespmem:$0x187A0]  }
0x28b: {  	v3 =	vld [tilespmem:$0x195E0]  }
0x28c: {  	v4 =	vld [tilespmem:$0x19B60];
	_ =	sdelay $0x4  }
0x28d: {  	vm14 =	vgt.f32 v2, $3.200000000e+01  }
0x28e: {  	v2 =	vsel vm14, $0x1, v1  }
0x28f: {  	[tilespmem:v3+s4+$0x0] =	vst.idx.msk $0xffff, v2  }
0x290: {  	[tilespmem:v4+s4+$0x0] =	vst.idx.msk $0xffff, v2  }
0x291: {  	v2 =	vld [tilespmem:$0x187B0]  }
0x292: {  	v3 =	vld [tilespmem:$0x195F0]  }
0x293: {  	v4 =	vld [tilespmem:$0x19B70];
	_ =	sdelay $0x4  }
0x294: {  	vm15 =	vgt.f32 v2, $3.200000000e+01  }
0x295: {  	v2 =	vsel vm15, $0x1, v1  }
0x296: {  	[tilespmem:v3+s4+$0x0] =	vst.idx.msk $0xffff, v2  }
0x297: {  	[tilespmem:v4+s4+$0x0] =	vst.idx.msk $0xffff, v2  }
0x298: {  	v2 =	vld [tilespmem:$0x187C0]  }
0x299: {  	v3 =	vld [tilespmem:$0x19600]  }
0x29a: {  	v4 =	vld [tilespmem:$0x19B80];
	_ =	sdelay $0x4  }
0x29b: {  	vm4 =	vgt.f32 v2, $3.200000000e+01  }
0x29c: {  	v2 =	vsel vm4, $0x1, v1  }
0x29d: {  	[tilespmem:v3+s4+$0x0] =	vst.idx.msk $0xffff, v2  }
0x29e: {  	[tilespmem:v4+s4+$0x0] =	vst.idx.msk $0xffff, v2  }
0x29f: {  	v2 =	vld [tilespmem:$0x187D0]  }
0x2a0: {  	v3 =	vld [tilespmem:$0x19610]  }
0x2a1: {  	v4 =	vld [tilespmem:$0x19B90];
	_ =	sdelay $0x4  }
0x2a2: {  	vm5 =	vgt.f32 v2, $3.200000000e+01  }
0x2a3: {  	v2 =	vsel vm5, $0x1, v1  }
0x2a4: {  	[tilespmem:v3+s4+$0x0] =	vst.idx.msk $0xffff, v2  }
0x2a5: {  	[tilespmem:v4+s4+$0x0] =	vst.idx.msk $0xffff, v2  }
0x2a6: {  	v2 =	vld [tilespmem:$0x187E0]  }
0x2a7: {  	v3 =	vld [tilespmem:$0x19620]  }
0x2a8: {  	v4 =	vld [tilespmem:$0x19BA0];
	_ =	sdelay $0x4  }
0x2a9: {  	vm6 =	vgt.f32 v2, $3.200000000e+01  }
0x2aa: {  	v2 =	vsel vm6, $0x1, v1  }
0x2ab: {  	[tilespmem:v3+s4+$0x0] =	vst.idx.msk $0xffff, v2  }
0x2ac: {  	[tilespmem:v4+s4+$0x0] =	vst.idx.msk $0xffff, v2  }
0x2ad: {  	v2 =	vld [tilespmem:$0x187F0]  }
0x2ae: {  	v3 =	vld [tilespmem:$0x19630]  }
0x2af: {  	v4 =	vld [tilespmem:$0x19BB0];
	_ =	sdelay $0x4  }
0x2b0: {  	vm7 =	vgt.f32 v2, $3.200000000e+01  }
0x2b1: {  	v2 =	vsel vm7, $0x1, v1  }
0x2b2: {  	[tilespmem:v3+s4+$0x0] =	vst.idx.msk $0xffff, v2  }
0x2b3: {  	[tilespmem:v4+s4+$0x0] =	vst.idx.msk $0xffff, v2  }
0x2b4: {  	v2 =	vld [tilespmem:$0x18800]  }
0x2b5: {  	v3 =	vld [tilespmem:$0x19640]  }
0x2b6: {  	v4 =	vld [tilespmem:$0x19BC0];
	_ =	sdelay $0x4  }
0x2b7: {  	vm8 =	vgt.f32 v2, $3.200000000e+01  }
0x2b8: {  	v2 =	vsel vm8, $0x1, v1  }
0x2b9: {  	[tilespmem:v3+s4+$0x0] =	vst.idx.msk $0xffff, v2  }
0x2ba: {  	[tilespmem:v4+s4+$0x0] =	vst.idx.msk $0xffff, v2  }
0x2bb: {  	v2 =	vld [tilespmem:$0x18810]  }
0x2bc: {  	v3 =	vld [tilespmem:$0x19650]  }
0x2bd: {  	v4 =	vld [tilespmem:$0x19BD0];
	_ =	sdelay $0x4  }
0x2be: {  	vm9 =	vgt.f32 v2, $3.200000000e+01  }
0x2bf: {  	v2 =	vsel vm9, $0x1, v1  }
0x2c0: {  	[tilespmem:v3+s4+$0x0] =	vst.idx.msk $0xffff, v2  }
0x2c1: {  	[tilespmem:v4+s4+$0x0] =	vst.idx.msk $0xffff, v2  }
0x2c2: {  	v2 =	vld [tilespmem:$0x18820]  }
0x2c3: {  	v3 =	vld [tilespmem:$0x19660]  }
0x2c4: {  	v4 =	vld [tilespmem:$0x19BE0];
	_ =	sdelay $0x4  }
0x2c5: {  	vm10 =	vgt.f32 v2, $3.200000000e+01  }
0x2c6: {  	v2 =	vsel vm10, $0x1, v1  }
0x2c7: {  	[tilespmem:v3+s4+$0x0] =	vst.idx.msk $0xffff, v2  }
0x2c8: {  	[tilespmem:v4+s4+$0x0] =	vst.idx.msk $0xffff, v2  }
0x2c9: {  	v2 =	vld [tilespmem:$0x18830]  }
0x2ca: {  	v3 =	vld [tilespmem:$0x19670]  }
0x2cb: {  	v4 =	vld [tilespmem:$0x19BF0];
	_ =	sdelay $0x4  }
0x2cc: {  	vm11 =	vgt.f32 v2, $3.200000000e+01  }
0x2cd: {  	v2 =	vsel vm11, $0x1, v1  }
0x2ce: {  	[tilespmem:v3+s4+$0x0] =	vst.idx.msk $0xffff, v2  }
0x2cf: {  	[tilespmem:v4+s4+$0x0] =	vst.idx.msk $0xffff, v2  }
0x2d0: {  	v2 =	vld [tilespmem:$0x18840]  }
0x2d1: {  	v3 =	vld [tilespmem:$0x19680]  }
0x2d2: {  	v4 =	vld [tilespmem:$0x19C00];
	_ =	sdelay $0x4  }
0x2d3: {  	vm12 =	vgt.f32 v2, $3.200000000e+01  }
0x2d4: {  	v2 =	vsel vm12, $0x1, v1  }
0x2d5: {  	[tilespmem:v3+s4+$0x0] =	vst.idx.msk $0xffff, v2  }
0x2d6: {  	[tilespmem:v4+s4+$0x0] =	vst.idx.msk $0xffff, v2  }
0x2d7: {  	v2 =	vld [tilespmem:$0x18850]  }
0x2d8: {  	v3 =	vld [tilespmem:$0x19690]  }
0x2d9: {  	v4 =	vld [tilespmem:$0x19C10];
	_ =	sdelay $0x4  }
0x2da: {  	vm13 =	vgt.f32 v2, $3.200000000e+01  }
0x2db: {  	v2 =	vsel vm13, $0x1, v1  }
0x2dc: {  	[tilespmem:v3+s4+$0x0] =	vst.idx.msk $0xffff, v2  }
0x2dd: {  	[tilespmem:v4+s4+$0x0] =	vst.idx.msk $0xffff, v2  }
0x2de: {  	v2 =	vld [tilespmem:$0x18860]  }
0x2df: {  	v3 =	vld [tilespmem:$0x196A0]  }
0x2e0: {  	v4 =	vld [tilespmem:$0x19C20];
	_ =	sdelay $0x4  }
0x2e1: {  	vm14 =	vgt.f32 v2, $3.200000000e+01  }
0x2e2: {  	v2 =	vsel vm14, $0x1, v1  }
0x2e3: {  	[tilespmem:v3+s4+$0x0] =	vst.idx.msk $0xffff, v2  }
0x2e4: {  	[tilespmem:v4+s4+$0x0] =	vst.idx.msk $0xffff, v2  }
0x2e5: {  	v2 =	vld [tilespmem:$0x18870]  }
0x2e6: {  	v3 =	vld [tilespmem:$0x196B0]  }
0x2e7: {  	v4 =	vld [tilespmem:$0x19C30];
	_ =	sdelay $0x4  }
0x2e8: {  	vm15 =	vgt.f32 v2, $3.200000000e+01  }
0x2e9: {  	v2 =	vsel vm15, $0x1, v1  }
0x2ea: {  	[tilespmem:v3+s4+$0x0] =	vst.idx.msk $0xffff, v2  }
0x2eb: {  	[tilespmem:v4+s4+$0x0] =	vst.idx.msk $0xffff, v2  }
0x2ec: {  	v2 =	vld [tilespmem:$0x18880]  }
0x2ed: {  	v3 =	vld [tilespmem:$0x196C0]  }
0x2ee: {  	v4 =	vld [tilespmem:$0x19C40];
	_ =	sdelay $0x4  }
0x2ef: {  	vm4 =	vgt.f32 v2, $3.200000000e+01  }
0x2f0: {  	v2 =	vsel vm4, $0x1, v1  }
0x2f1: {  	[tilespmem:v3+s4+$0x0] =	vst.idx.msk $0xffff, v2  }
0x2f2: {  	[tilespmem:v4+s4+$0x0] =	vst.idx.msk $0xffff, v2  }
0x2f3: {  	v2 =	vld [tilespmem:$0x18890]  }
0x2f4: {  	v3 =	vld [tilespmem:$0x196D0]  }
0x2f5: {  	v4 =	vld [tilespmem:$0x19C50];
	_ =	sdelay $0x4  }
0x2f6: {  	vm5 =	vgt.f32 v2, $3.200000000e+01  }
0x2f7: {  	v2 =	vsel vm5, $0x1, v1  }
0x2f8: {  	[tilespmem:v3+s4+$0x0] =	vst.idx.msk $0xffff, v2  }
0x2f9: {  	[tilespmem:v4+s4+$0x0] =	vst.idx.msk $0xffff, v2  }
0x2fa: {  	v2 =	vld [tilespmem:$0x188A0]  }
0x2fb: {  	v3 =	vld [tilespmem:$0x196E0]  }
0x2fc: {  	v4 =	vld [tilespmem:$0x19C60];
	_ =	sdelay $0x4  }
0x2fd: {  	vm6 =	vgt.f32 v2, $3.200000000e+01  }
0x2fe: {  	v2 =	vsel vm6, $0x1, v1  }
0x2ff: {  	[tilespmem:v3+s4+$0x0] =	vst.idx.msk $0xffff, v2  }
0x300: {  	[tilespmem:v4+s4+$0x0] =	vst.idx.msk $0xffff, v2  }
0x301: {  	v2 =	vld [tilespmem:$0x188B0]  }
0x302: {  	v3 =	vld [tilespmem:$0x196F0]  }
0x303: {  	v4 =	vld [tilespmem:$0x19C70];
	_ =	sdelay $0x4  }
0x304: {  	vm7 =	vgt.f32 v2, $3.200000000e+01  }
0x305: {  	v2 =	vsel vm7, $0x1, v1  }
0x306: {  	[tilespmem:v3+s4+$0x0] =	vst.idx.msk $0xffff, v2  }
0x307: {  	[tilespmem:v4+s4+$0x0] =	vst.idx.msk $0xffff, v2  }
0x308: {  	v2 =	vld [tilespmem:$0x188C0]  }
0x309: {  	v3 =	vld [tilespmem:$0x19700]  }
0x30a: {  	v4 =	vld [tilespmem:$0x19C80];
	_ =	sdelay $0x4  }
0x30b: {  	vm8 =	vgt.f32 v2, $3.200000000e+01  }
0x30c: {  	v2 =	vsel vm8, $0x1, v1  }
0x30d: {  	[tilespmem:v3+s4+$0x0] =	vst.idx.msk $0xffff, v2  }
0x30e: {  	[tilespmem:v4+s4+$0x0] =	vst.idx.msk $0xffff, v2  }
0x30f: {  	v2 =	vld [tilespmem:$0x188D0]  }
0x310: {  	v3 =	vld [tilespmem:$0x19710]  }
0x311: {  	v4 =	vld [tilespmem:$0x19C90];
	_ =	sdelay $0x4  }
0x312: {  	vm9 =	vgt.f32 v2, $3.200000000e+01  }
0x313: {  	v2 =	vsel vm9, $0x1, v1  }
0x314: {  	[tilespmem:v3+s4+$0x0] =	vst.idx.msk $0xffff, v2  }
0x315: {  	[tilespmem:v4+s4+$0x0] =	vst.idx.msk $0xffff, v2  }
0x316: {  	v2 =	vld [tilespmem:$0x188E0]  }
0x317: {  	v3 =	vld [tilespmem:$0x19720]  }
0x318: {  	v4 =	vld [tilespmem:$0x19CA0];
	_ =	sdelay $0x4  }
0x319: {  	vm10 =	vgt.f32 v2, $3.200000000e+01  }
0x31a: {  	v2 =	vsel vm10, $0x1, v1  }
0x31b: {  	[tilespmem:v3+s4+$0x0] =	vst.idx.msk $0xffff, v2  }
0x31c: {  	[tilespmem:v4+s4+$0x0] =	vst.idx.msk $0xffff, v2  }
0x31d: {  	v2 =	vld [tilespmem:$0x188F0]  }
0x31e: {  	v3 =	vld [tilespmem:$0x19730]  }
0x31f: {  	v4 =	vld [tilespmem:$0x19CB0];
	_ =	sdelay $0x4  }
0x320: {  	vm11 =	vgt.f32 v2, $3.200000000e+01  }
0x321: {  	v2 =	vsel vm11, $0x1, v1  }
0x322: {  	[tilespmem:v3+s4+$0x0] =	vst.idx.msk $0xffff, v2  }
0x323: {  	[tilespmem:v4+s4+$0x0] =	vst.idx.msk $0xffff, v2  }
0x324: {  	v2 =	vld [tilespmem:$0x18900]  }
0x325: {  	v3 =	vld [tilespmem:$0x19740]  }
0x326: {  	v4 =	vld [tilespmem:$0x19CC0];
	_ =	sdelay $0x4  }
0x327: {  	vm12 =	vgt.f32 v2, $3.200000000e+01  }
0x328: {  	v2 =	vsel vm12, $0x1, v1  }
0x329: {  	[tilespmem:v3+s4+$0x0] =	vst.idx.msk $0xffff, v2  }
0x32a: {  	[tilespmem:v4+s4+$0x0] =	vst.idx.msk $0xffff, v2  }
0x32b: {  	v2 =	vld [tilespmem:$0x18910]  }
0x32c: {  	v3 =	vld [tilespmem:$0x19750]  }
0x32d: {  	v4 =	vld [tilespmem:$0x19CD0];
	_ =	sdelay $0x4  }
0x32e: {  	vm13 =	vgt.f32 v2, $3.200000000e+01  }
0x32f: {  	v2 =	vsel vm13, $0x1, v1  }
0x330: {  	[tilespmem:v3+s4+$0x0] =	vst.idx.msk $0xffff, v2  }
0x331: {  	[tilespmem:v4+s4+$0x0] =	vst.idx.msk $0xffff, v2  }
0x332: {  	v2 =	vld [tilespmem:$0x18920]  }
0x333: {  	v3 =	vld [tilespmem:$0x19760]  }
0x334: {  	v4 =	vld [tilespmem:$0x19CE0];
	_ =	sdelay $0x4  }
0x335: {  	vm14 =	vgt.f32 v2, $3.200000000e+01  }
0x336: {  	v2 =	vsel vm14, $0x1, v1  }
0x337: {  	[tilespmem:v3+s4+$0x0] =	vst.idx.msk $0xffff, v2  }
0x338: {  	[tilespmem:v4+s4+$0x0] =	vst.idx.msk $0xffff, v2  }
0x339: {  	v2 =	vld [tilespmem:$0x18930]  }
0x33a: {  	v3 =	vld [tilespmem:$0x19770]  }
0x33b: {  	v4 =	vld [tilespmem:$0x19CF0];
	_ =	sdelay $0x4  }
0x33c: {  	vm15 =	vgt.f32 v2, $3.200000000e+01  }
0x33d: {  	s15 =	sadd.s32 $0x1, s15;
	v2 =	vsel vm15, $0x1, v1  }
0x33e: {  	p0 =	sne.s32 s15, s9;
	[tilespmem:v3+s4+$0x0] =	vst.idx.msk $0xffff, v2  }
.Ltmp10:
0x33f: {  	[tilespmem:v4+s4+$0x0] =	vst.idx.msk $0xffff, v2;
	(pc) =	sbr.rel @p0 .LBB2_1-.Ltmp10, $4  }
0x340: {  	[hbm4b:s8+s4] =	stream.linear.scatter [tilespmem:s4], [sflag:$0x1], $0x160C0, $0x38;
	[tilespmem:$0x19D00] =	vst v63  }
0x341: {  	_ =	swait.ge [sflag:s11], $0x160C0  }
0x342: {  	[sflag:s11] =	ssyncset.done $0x0  }
0x343: {  	[sflag:s11] =	ssyncadd.s32 $0xFFFE9F40  }
0x344: {  	_ =	sfence.sel $0x180000  }
0x345: {  	[bflag:$0x0] =	sbarrier.arrive $0xFFFF  }
0x346: {  	p0 =	sne.s32 s2, $0x0;
	_ =	strace $0x90000047  }
0x347: {  	s0 =	sadd.s32 @!p0 $0x100000, s0;
	[bflag:$0x2] =	sbarrier.arrive $0xFFFF  }
0x348: {  	[sflag:s0] =	ssyncadd.tile.s32 @!p0 $0x1;
	_ =	shalt  }
.Lfunc_end2:
_tile_overlayer_lowered:
.L_overlay_start_2:
0x349: {  	(tag) =	ssettag $0x2  }
0x34a: {  	s0 =	rddreg [dreg:$0x0];
	s2 =	stileid.u32  }
0x34b: {  	s1 =	rddreg [dreg:$0x1];
	p0 =	sne.s32 s2, $0x0  }
0x34c: {  	s3 =	rddreg [dreg:$0x2];
	[bflag:$0x3] =	sbarrier.arrive $0xFFFF;
	s2 =	simm.s32 @!p0 $0x1C01  }
0x34d: {  	[timem:s3], [sflag:s2] =	dma.local @!p0 [hbm:s0], s1  }
0x34e: {  	s0 =	simm.s32 @!p0 $0x1  }
0x34f: {  	_ =	swait.ge @!p0 [sflag:s0], s1  }
0x350: {  	s1 =	ssub.s32 @!p0 $0x0, s1;
	[sflag:s0] =	ssyncset.done @!p0 $0x0  }
0x351: {  	[sflag:s0] =	ssyncadd.s32 @!p0 s1  }
0x352: {  	[bflag:$0x3] =	sbarrier.arrive $0xFFFF  }
0x353: {  	_ =	shalt  }

</sc_bundles>
